<compile_context>
chip_gen: v7x
topology: tpu7x:2x2x1
jax: 0.10.2.dev20260603
libtpu: 0.0.44.dev20260713+nightly
codegen_flags: <defaults>
</compile_context>

<pallas_src>
import functools

import jax
import jax.numpy as jnp
from jax import lax
from jax.experimental import pallas as pl
from jax.experimental.pallas import tpu as pltpu
from jax.experimental.pallas import tpu_sc as plsc

N_NODES = 10000
N_EDGES = 320000
D_FEAT = 128
D_EDGE = 16
D_OUT = 128
DH = D_OUT // 2

NC = 2
NS = 16
NW = NC * NS

NSLAB = 2
ES = N_EDGES // NSLAB
EW = ES // NW
CHUNK = 40
GB = 40
NG = CHUNK // GB
NCHUNK = EW // CHUNK


def _bf16_bits(x):
    u = lax.bitcast_convert_type(x, jnp.uint32)
    return (u + jnp.uint32(0x7FFF) + ((u >> 16) & jnp.uint32(1))) >> 16


def _table_body(x_ref, w_ref, g_ref, wg_ref, b_ref, t_ref):
    c = jnp.dot(g_ref[...], wg_ref[...], preferred_element_type=jnp.float32)
    c = (c + b_ref[...]) * 0.5
    p = jnp.dot(x_ref[...], w_ref[0], preferred_element_type=jnp.float32) + c
    packed = _bf16_bits(p[:, :DH]) | (_bf16_bits(p[:, DH:]) << 16)
    t_ref[0] = lax.bitcast_convert_type(packed, jnp.int32)


def _build_table(x, wrs, g2d, wg, b2d):
    t3 = pl.pallas_call(
        _table_body,
        grid=(2,),
        in_specs=[
            pl.BlockSpec((N_NODES, D_FEAT), lambda j: (0, 0)),
            pl.BlockSpec((1, D_FEAT, D_OUT), lambda j: (j, 0, 0)),
            pl.BlockSpec((1, D_FEAT), lambda j: (0, 0)),
            pl.BlockSpec((D_FEAT, D_OUT), lambda j: (0, 0)),
            pl.BlockSpec((1, D_OUT), lambda j: (0, 0)),
        ],
        out_specs=pl.BlockSpec((1, N_NODES, DH), lambda j: (j, 0, 0)),
        out_shape=jax.ShapeDtypeStruct((2, N_NODES, DH), jnp.int32),
    )(x, wrs, g2d, wg, b2d)
    return t3.reshape(2 * N_NODES, DH)


def _gather_body(slab_base, t_hbm, idx_hbm, out_hbm, t_sh, idx_v, buf_v, semi,
                 semg, semo):
    wid = lax.axis_index("s") * NC + lax.axis_index("c")
    base = wid * EW

    @pl.when(lax.axis_index("s") == 0)
    def _():
        pltpu.sync_copy(t_hbm, t_sh)

    plsc.subcore_barrier()

    def idx_copies(cb, b):
        off = slab_base + base + cb * CHUNK
        return [
            pltpu.make_async_copy(
                idx_hbm.at[0, pl.ds(off, CHUNK)], idx_v[b].at[0], semi[b]
            ),
            pltpu.make_async_copy(
                idx_hbm.at[1, pl.ds(off, CHUNK)], idx_v[b].at[1], semi[b]
            ),
        ]

    def out_copies(cb, b):
        off = base + cb * CHUNK
        return [
            pltpu.make_async_copy(
                buf_v[b].at[0], out_hbm.at[pl.ds(off, CHUNK), pl.ds(0, DH)],
                semo[b],
            ),
            pltpu.make_async_copy(
                buf_v[b].at[1], out_hbm.at[pl.ds(off, CHUNK), pl.ds(DH, DH)],
                semo[b],
            ),
        ]

    for c in idx_copies(0, 0):
        c.start()

    def chunk_step(cb, b):
        @pl.when(cb + 1 < NCHUNK)
        def _():
            for c in idx_copies(cb + 1, 1 - b):
                c.start()

        for c in idx_copies(cb, b):
            c.wait()

        @pl.when(cb >= 2)
        def _():
            for c in out_copies(cb - 2, b):
                c.wait()

        gathers = [
            pltpu.async_copy(
                t_sh.at[idx_v[b].at[h, pl.ds(g * GB, GB)]],
                buf_v[b].at[h].at[pl.ds(g * GB, GB)],
                semg,
            )
            for h in (0, 1)
            for g in range(NG)
        ]
        for c in gathers:
            c.wait()
        for c in out_copies(cb, b):
            c.start()

    def pair_body(ci, carry):
        chunk_step(ci * 2, 0)
        chunk_step(ci * 2 + 1, 1)
        return carry

    lax.fori_loop(0, NCHUNK // 2, pair_body, 0)
    if NCHUNK % 2:
        chunk_step(NCHUNK - 1, 0)
        last_even, last_odd = NCHUNK - 1, NCHUNK - 2
    else:
        last_even, last_odd = NCHUNK - 2, NCHUNK - 1
    for c in out_copies(last_odd, 1):
        c.wait()
    for c in out_copies(last_even, 0):
        c.wait()


@functools.cache
def _make_gather_rows(slab_base):
    return pl.kernel(
        functools.partial(_gather_body, slab_base),
        out_type=jax.ShapeDtypeStruct((ES, D_OUT), jnp.int32),
        mesh=plsc.VectorSubcoreMesh(
            core_axis_name="c",
            subcore_axis_name="s",
            num_cores=NC,
            num_subcores=NS,
        ),
        compiler_params=pltpu.CompilerParams(use_tc_tiling_on_sc=False),
        scratch_types=[
            pltpu.VMEM_SHARED((2 * N_NODES, DH), jnp.int32),
            [pltpu.VMEM((2, CHUNK), jnp.int32)] * 2,
            [pltpu.VMEM((2, CHUNK, DH), jnp.int32)] * 2,
            [pltpu.SemaphoreType.DMA] * 2,
            pltpu.SemaphoreType.DMA,
            [pltpu.SemaphoreType.DMA] * 2,
        ],
    )


BE = 6400
NB = ES // BE


def _unpack_lo_hi(packed_i32):
    u = lax.bitcast_convert_type(packed_i32, jnp.uint32)
    lo = lax.bitcast_convert_type(u << 16, jnp.float32)
    hi = lax.bitcast_convert_type(u & jnp.uint32(0xFFFF0000), jnp.float32)
    return lo, hi


def _fuse_compute(eat_ref, we_ref, g_ref, o_ref):
    acc = lax.dot_general(
        eat_ref[...], we_ref[...],
        (((0,), (0,)), ((), ())),
        preferred_element_type=jnp.float32,
    )
    g = g_ref[...]
    lo_r, hi_r = _unpack_lo_hi(g[:, :DH])
    lo_s, hi_s = _unpack_lo_hi(g[:, DH:])
    o_ref[:, :DH] = jnp.maximum(acc[:, :DH] + lo_r + lo_s, 0.0)
    o_ref[:, DH:] = jnp.maximum(acc[:, DH:] + hi_r + hi_s, 0.0)


def _fuse_body0(eat_ref, we_ref, g_ref, o_ref):
    _fuse_compute(eat_ref, we_ref, g_ref, o_ref)


def _fuse_body1(prev_ref, eat_ref, we_ref, g_ref, o_ref):
    del prev_ref
    _fuse_compute(eat_ref, we_ref, g_ref, o_ref)


def _fuse_slab0(ea_t, we, g_rows):
    return pl.pallas_call(
        _fuse_body0,
        grid=(NB,),
        in_specs=[
            pl.BlockSpec((D_EDGE, BE), lambda i: (0, i)),
            pl.BlockSpec((D_EDGE, D_OUT), lambda i: (0, 0)),
            pl.BlockSpec((BE, D_OUT), lambda i: (i, 0)),
        ],
        out_specs=pl.BlockSpec((BE, D_OUT), lambda i: (i, 0)),
        out_shape=jax.ShapeDtypeStruct((N_EDGES, D_OUT), jnp.float32),
    )(ea_t, we, g_rows)


def _fuse_slab1(prev, ea_t, we, g_rows):
    return pl.pallas_call(
        _fuse_body1,
        grid=(NB,),
        in_specs=[
            pl.BlockSpec(memory_space=pl.ANY),
            pl.BlockSpec((D_EDGE, BE), lambda i: (0, i + NB)),
            pl.BlockSpec((D_EDGE, D_OUT), lambda i: (0, 0)),
            pl.BlockSpec((BE, D_OUT), lambda i: (i, 0)),
        ],
        out_specs=pl.BlockSpec((BE, D_OUT), lambda i: (i + NB, 0)),
        out_shape=jax.ShapeDtypeStruct((N_EDGES, D_OUT), jnp.float32),
        input_output_aliases={0: 0},
    )(prev, ea_t, we, g_rows)


def kernel(edge_attr, x, global_attr, W, b, edge_index):
    we = W[:D_EDGE]
    wrs = W[D_EDGE:D_EDGE + 2 * D_FEAT].reshape(2, D_FEAT, D_OUT)
    wg = W[D_EDGE + 2 * D_FEAT:]
    g2d = global_attr.reshape(1, D_FEAT)
    b2d = b.reshape(1, D_OUT)

    table = _build_table(x, wrs, g2d, wg, b2d)

    idx2 = (
        edge_index + jnp.array([[0], [N_NODES]], dtype=edge_index.dtype)
    ).astype(jnp.int32)

    ea_t = edge_attr.T
    g0 = _make_gather_rows(0)(table, idx2)
    g1 = _make_gather_rows(ES)(table, idx2)
    out = _fuse_slab0(ea_t, we, g0)
    out = _fuse_slab1(out, ea_t, we, g1)
    return out

# --- scband reference (transcript-rebuilt; emitter-appended) ---
"""Pipeline reference for scband-edge-block-30391188586591 (READ-ONLY COPY).

The authoritative reference and input builder live on the scoring server;
editing this copy changes nothing except your own understanding.
"""

import jax, jax.numpy as jnp
import numpy as np

N_NODES = 10000
N_EDGES = 320000
D_FEAT = 128
D_EDGE = 16
D_GLOBAL = 128
D_OUT = 128


def setup_inputs(seed: int = 0) -> dict:
    key = jax.random.key(seed)
    k0, k1, k2, k3, k4 = jax.random.split(key, 5)
    edge_attr = jax.random.normal(k0, (N_EDGES, D_EDGE), dtype=jnp.float32)
    x = jax.random.normal(k1, (N_NODES, D_FEAT), dtype=jnp.float32)
    global_attr = jax.random.normal(k2, (D_GLOBAL,), dtype=jnp.float32)
    # row 0 = receiver (dst) node ids, row 1 = sender (src) node ids
    edge_index = jax.random.randint(k3, (2, N_EDGES), 0, N_NODES, dtype=jnp.int32)
    in_dim = D_EDGE + 2 * D_FEAT + D_GLOBAL
    W = jax.random.normal(k4, (in_dim, D_OUT), dtype=jnp.float32) * (1.0 / np.sqrt(in_dim))
    b = jnp.zeros((D_OUT,), dtype=jnp.float32)
    return {
        "edge_attr": edge_attr,
        "x": x,
        "global_attr": global_attr,
        "W": W,
        "b": b,
        "edge_index": edge_index,
    }


def reference(edge_attr, x, global_attr, W, b, edge_index):
    # Vectorized form of the per-edge loop:
    # updated_attrs[e] = upd([e.data, e.receiver.data, e.sender.data, G.global.data])
    recv_feat = jnp.take(x, edge_index[0], axis=0)   # gather receiver node features [E, d_feat]
    send_feat = jnp.take(x, edge_index[1], axis=0)   # gather sender node features   [E, d_feat]
    g = jnp.broadcast_to(global_attr[None, :], (edge_attr.shape[0], global_attr.shape[0]))
    feats = jnp.concatenate([edge_attr, recv_feat, send_feat, g], axis=-1)  # [E, 400]
    updated = jax.nn.relu(feats @ W + b)             # updater MLP -> [E, d_out]
    return updated

if __name__ == "__main__":
    import jax
    _d = setup_inputs()
    print(jax.jit(kernel)(*tuple(_d.values())))

</pallas_src>

<mosaic_0001>
#map = affine_map<(d0, d1) -> (0, 0)>
module attributes {stable_mosaic.version = 14 : i64} {
  func.func @_gather_body(%arg0: i32, %arg1: i32, %arg2: memref<20000x64xi32, #tpu.memory_space<hbm>>, %arg3: memref<2x320000xi32, #tpu.memory_space<hbm>>, %arg4: memref<160000x128xi32, #tpu.memory_space<hbm>>, %arg5: memref<20000x64xi32, #tpu.memory_space<vmem_shared>>, %arg6: memref<2x40xi32, #tpu.memory_space<vmem>>, %arg7: memref<2x40xi32, #tpu.memory_space<vmem>>, %arg8: memref<2x40x64xi32, #tpu.memory_space<vmem>>, %arg9: memref<2x40x64xi32, #tpu.memory_space<vmem>>, %arg10: memref<!tpu.dma_semaphore, #tpu.memory_space<semaphore_mem>>, %arg11: memref<!tpu.dma_semaphore, #tpu.memory_space<semaphore_mem>>, %arg12: memref<!tpu.dma_semaphore, #tpu.memory_space<semaphore_mem>>, %arg13: memref<!tpu.dma_semaphore, #tpu.memory_space<semaphore_mem>>, %arg14: memref<!tpu.dma_semaphore, #tpu.memory_space<semaphore_mem>>) attributes {dimension_semantics = [#tpu.dimension_semantics<core_parallel>, #tpu.dimension_semantics<subcore_parallel>], iteration_bounds = array<i64: 2, 16>, scalar_prefetch = 0 : i64, scratch_operands = 10 : i64, tpu.core_type = #tpu.core_type<sc_vector_subcore>, window_params = [{transform_indices = #map}, {transform_indices = #map}, {transform_indices = #map}]} {
    %mul3A = arith.constant 2 : i32
    %mul3A_0 = arith.muli %arg1, %mul3A : i32
    %add3A = arith.addi %mul3A_0, %arg0 : i32
    %mul3A_1 = arith.constant 5000 : i32
    %mul3A_2 = arith.muli %add3A, %mul3A_1 : i32
    %eq3A = arith.constant 0 : i32
    %eq3A_3 = arith.cmpi eq, %arg1, %eq3A : i32
    %convert_element_type3A = arith.extui %eq3A_3 : i1 to i32
    %cond3A = arith.constant 0 : i32
    %cond3A_4 = arith.cmpi ne, %convert_element_type3A, %cond3A : i32
    scf.if %cond3A_4 {
      "tpu.region"() ({
        %run_scoped3A = tpu.sem_alloc : memref<!tpu.dma_semaphore, #tpu.memory_space<semaphore_mem>>
        tpu.enqueue_dma source(%arg2 : memref<20000x64xi32, #tpu.memory_space<hbm>>) target(%arg5 : memref<20000x64xi32, #tpu.memory_space<vmem_shared>>) target_semaphore(%run_scoped3A : memref<!tpu.dma_semaphore, #tpu.memory_space<semaphore_mem>>)
        tpu.wait_dma2 semaphore(%run_scoped3A : memref<!tpu.dma_semaphore, #tpu.memory_space<semaphore_mem>>) src(%arg2 : memref<20000x64xi32, #tpu.memory_space<hbm>>) dst(%arg5 : memref<20000x64xi32, #tpu.memory_space<vmem_shared>>)
        tpu.yield
      }) : () -> ()
    } else {
    }
    %barrier3A = arith.constant 0 : index
    tpu.barrier barrier_id(%barrier3A)
    %add3A_5 = arith.constant 0 : i32
    %add3A_6 = arith.addi %add3A_5, %mul3A_2 : i32
    %add3A_7 = arith.constant 0 : i32
    %add3A_8 = arith.addi %add3A_6, %add3A_7 : i32
    %dma_start3A = arith.constant 0 : i32
    %dma_start3A_9 = arith.constant 0 : i32
    %dma_start3A_10 = arith.constant 0 : i32
    %dma_start3A_11 = tpu.memref_slice %arg6[%dma_start3A_9, %dma_start3A_10] : memref<2x40xi32, #tpu.memory_space<vmem>> -> memref<1x40xi32, #tpu.memory_space<vmem>>
    %dma_start3A_12 = tpu.memref_squeeze %dma_start3A_11 : memref<1x40xi32, #tpu.memory_space<vmem>> -> memref<40xi32, #tpu.memory_space<vmem>>
    %dma_start3A_13 = tpu.memref_slice %arg3[%dma_start3A, %add3A_8] : memref<2x320000xi32, #tpu.memory_space<hbm>> -> memref<1x40xi32, #tpu.memory_space<hbm>>
    %dma_start3A_14 = tpu.memref_squeeze %dma_start3A_13 : memref<1x40xi32, #tpu.memory_space<hbm>> -> memref<40xi32, #tpu.memory_space<hbm>>
    %dma_start3A_15 = arith.constant 0 : i32
    %dma_start3A_16 = tpu.memref_slice %arg6[%dma_start3A_9, %dma_start3A_15] : memref<2x40xi32, #tpu.memory_space<vmem>> -> memref<1x40xi32, #tpu.memory_space<vmem>>
    %dma_start3A_17 = tpu.memref_squeeze %dma_start3A_16 : memref<1x40xi32, #tpu.memory_space<vmem>> -> memref<40xi32, #tpu.memory_space<vmem>>
    %dma_start3A_18 = tpu.memref_slice %arg3[%dma_start3A, %add3A_8] : memref<2x320000xi32, #tpu.memory_space<hbm>> -> memref<1x40xi32, #tpu.memory_space<hbm>>
    %dma_start3A_19 = tpu.memref_squeeze %dma_start3A_18 : memref<1x40xi32, #tpu.memory_space<hbm>> -> memref<40xi32, #tpu.memory_space<hbm>>
    tpu.enqueue_dma source(%dma_start3A_19 : memref<40xi32, #tpu.memory_space<hbm>>) target(%dma_start3A_17 : memref<40xi32, #tpu.memory_space<vmem>>) target_semaphore(%arg10 : memref<!tpu.dma_semaphore, #tpu.memory_space<semaphore_mem>>)
    %dma_start3A_20 = arith.constant 1 : i32
    %dma_start3A_21 = arith.constant 1 : i32
    %dma_start3A_22 = arith.constant 0 : i32
    %dma_start3A_23 = tpu.memref_slice %arg6[%dma_start3A_21, %dma_start3A_22] : memref<2x40xi32, #tpu.memory_space<vmem>> -> memref<1x40xi32, #tpu.memory_space<vmem>>
    %dma_start3A_24 = tpu.memref_squeeze %dma_start3A_23 : memref<1x40xi32, #tpu.memory_space<vmem>> -> memref<40xi32, #tpu.memory_space<vmem>>
    %dma_start3A_25 = tpu.memref_slice %arg3[%dma_start3A_20, %add3A_8] : memref<2x320000xi32, #tpu.memory_space<hbm>> -> memref<1x40xi32, #tpu.memory_space<hbm>>
    %dma_start3A_26 = tpu.memref_squeeze %dma_start3A_25 : memref<1x40xi32, #tpu.memory_space<hbm>> -> memref<40xi32, #tpu.memory_space<hbm>>
    %dma_start3A_27 = arith.constant 0 : i32
    %dma_start3A_28 = tpu.memref_slice %arg6[%dma_start3A_21, %dma_start3A_27] : memref<2x40xi32, #tpu.memory_space<vmem>> -> memref<1x40xi32, #tpu.memory_space<vmem>>
    %dma_start3A_29 = tpu.memref_squeeze %dma_start3A_28 : memref<1x40xi32, #tpu.memory_space<vmem>> -> memref<40xi32, #tpu.memory_space<vmem>>
    %dma_start3A_30 = tpu.memref_slice %arg3[%dma_start3A_20, %add3A_8] : memref<2x320000xi32, #tpu.memory_space<hbm>> -> memref<1x40xi32, #tpu.memory_space<hbm>>
    %dma_start3A_31 = tpu.memref_squeeze %dma_start3A_30 : memref<1x40xi32, #tpu.memory_space<hbm>> -> memref<40xi32, #tpu.memory_space<hbm>>
    tpu.enqueue_dma source(%dma_start3A_31 : memref<40xi32, #tpu.memory_space<hbm>>) target(%dma_start3A_29 : memref<40xi32, #tpu.memory_space<vmem>>) target_semaphore(%arg10 : memref<!tpu.dma_semaphore, #tpu.memory_space<semaphore_mem>>)
    %scan3A = arith.constant 0 : i32
    %scan3A_32 = arith.constant 0 : i32
    %scan3A_33 = arith.constant 62 : i32
    %scan3A_34 = arith.addi %scan3A_32, %scan3A_33 : i32
    %scan3A_35 = arith.constant 1 : i32
    scf.for %scan3A_236 = %scan3A_32 to %scan3A_34 step %scan3A_35  : i32 {
      %mul3A_237 = arith.constant 2 : i32
      %mul3A_238 = arith.muli %scan3A_236, %mul3A_237 : i32
      %add3A_239 = arith.constant 1 : i32
      %add3A_240 = arith.addi %mul3A_238, %add3A_239 : i32
      %lt3A = arith.constant 125 : i32
      %lt3A_241 = arith.cmpi slt, %add3A_240, %lt3A : i32
      %convert_element_type3A_242 = arith.extui %lt3A_241 : i1 to i32
      %cond3A_243 = arith.constant 0 : i32
      %cond3A_244 = arith.cmpi ne, %convert_element_type3A_242, %cond3A_243 : i32
      scf.if %cond3A_244 {
        %add3A_501 = arith.constant 1 : i32
        %add3A_502 = arith.addi %mul3A_238, %add3A_501 : i32
        %add3A_503 = arith.constant 0 : i32
        %add3A_504 = arith.addi %add3A_503, %mul3A_2 : i32
        %mul3A_505 = arith.constant 40 : i32
        %mul3A_506 = arith.muli %add3A_502, %mul3A_505 : i32
        %add3A_507 = arith.addi %add3A_504, %mul3A_506 : i32
        %dma_start3A_508 = arith.constant 0 : i32
        %dma_start3A_509 = arith.constant 0 : i32
        %dma_start3A_510 = arith.constant 0 : i32
        %dma_start3A_511 = tpu.memref_slice %arg7[%dma_start3A_509, %dma_start3A_510] : memref<2x40xi32, #tpu.memory_space<vmem>> -> memref<1x40xi32, #tpu.memory_space<vmem>>
        %dma_start3A_512 = tpu.memref_squeeze %dma_start3A_511 : memref<1x40xi32, #tpu.memory_space<vmem>> -> memref<40xi32, #tpu.memory_space<vmem>>
        %dma_start3A_513 = tpu.memref_slice %arg3[%dma_start3A_508, %add3A_507] : memref<2x320000xi32, #tpu.memory_space<hbm>> -> memref<1x40xi32, #tpu.memory_space<hbm>>
        %dma_start3A_514 = tpu.memref_squeeze %dma_start3A_513 : memref<1x40xi32, #tpu.memory_space<hbm>> -> memref<40xi32, #tpu.memory_space<hbm>>
        %dma_start3A_515 = arith.constant 0 : i32
        %dma_start3A_516 = tpu.memref_slice %arg7[%dma_start3A_509, %dma_start3A_515] : memref<2x40xi32, #tpu.memory_space<vmem>> -> memref<1x40xi32, #tpu.memory_space<vmem>>
        %dma_start3A_517 = tpu.memref_squeeze %dma_start3A_516 : memref<1x40xi32, #tpu.memory_space<vmem>> -> memref<40xi32, #tpu.memory_space<vmem>>
        %dma_start3A_518 = tpu.memref_slice %arg3[%dma_start3A_508, %add3A_507] : memref<2x320000xi32, #tpu.memory_space<hbm>> -> memref<1x40xi32, #tpu.memory_space<hbm>>
        %dma_start3A_519 = tpu.memref_squeeze %dma_start3A_518 : memref<1x40xi32, #tpu.memory_space<hbm>> -> memref<40xi32, #tpu.memory_space<hbm>>
        tpu.enqueue_dma source(%dma_start3A_519 : memref<40xi32, #tpu.memory_space<hbm>>) target(%dma_start3A_517 : memref<40xi32, #tpu.memory_space<vmem>>) target_semaphore(%arg11 : memref<!tpu.dma_semaphore, #tpu.memory_space<semaphore_mem>>)
        %dma_start3A_520 = arith.constant 1 : i32
        %dma_start3A_521 = arith.constant 1 : i32
        %dma_start3A_522 = arith.constant 0 : i32
        %dma_start3A_523 = tpu.memref_slice %arg7[%dma_start3A_521, %dma_start3A_522] : memref<2x40xi32, #tpu.memory_space<vmem>> -> memref<1x40xi32, #tpu.memory_space<vmem>>
        %dma_start3A_524 = tpu.memref_squeeze %dma_start3A_523 : memref<1x40xi32, #tpu.memory_space<vmem>> -> memref<40xi32, #tpu.memory_space<vmem>>
        %dma_start3A_525 = tpu.memref_slice %arg3[%dma_start3A_520, %add3A_507] : memref<2x320000xi32, #tpu.memory_space<hbm>> -> memref<1x40xi32, #tpu.memory_space<hbm>>
        %dma_start3A_526 = tpu.memref_squeeze %dma_start3A_525 : memref<1x40xi32, #tpu.memory_space<hbm>> -> memref<40xi32, #tpu.memory_space<hbm>>
        %dma_start3A_527 = arith.constant 0 : i32
        %dma_start3A_528 = tpu.memref_slice %arg7[%dma_start3A_521, %dma_start3A_527] : memref<2x40xi32, #tpu.memory_space<vmem>> -> memref<1x40xi32, #tpu.memory_space<vmem>>
        %dma_start3A_529 = tpu.memref_squeeze %dma_start3A_528 : memref<1x40xi32, #tpu.memory_space<vmem>> -> memref<40xi32, #tpu.memory_space<vmem>>
        %dma_start3A_530 = tpu.memref_slice %arg3[%dma_start3A_520, %add3A_507] : memref<2x320000xi32, #tpu.memory_space<hbm>> -> memref<1x40xi32, #tpu.memory_space<hbm>>
        %dma_start3A_531 = tpu.memref_squeeze %dma_start3A_530 : memref<1x40xi32, #tpu.memory_space<hbm>> -> memref<40xi32, #tpu.memory_space<hbm>>
        tpu.enqueue_dma source(%dma_start3A_531 : memref<40xi32, #tpu.memory_space<hbm>>) target(%dma_start3A_529 : memref<40xi32, #tpu.memory_space<vmem>>) target_semaphore(%arg11 : memref<!tpu.dma_semaphore, #tpu.memory_space<semaphore_mem>>)
      } else {
      }
      %add3A_245 = arith.constant 0 : i32
      %add3A_246 = arith.addi %add3A_245, %mul3A_2 : i32
      %mul3A_247 = arith.constant 40 : i32
      %mul3A_248 = arith.muli %mul3A_238, %mul3A_247 : i32
      %add3A_249 = arith.addi %add3A_246, %mul3A_248 : i32
      %dma_wait3A_250 = arith.constant 0 : i32
      %dma_wait3A_251 = arith.constant 0 : i32
      %dma_wait3A_252 = arith.constant 0 : i32
      %dma_wait3A_253 = tpu.memref_slice %arg6[%dma_wait3A_251, %dma_wait3A_252] : memref<2x40xi32, #tpu.memory_space<vmem>> -> memref<1x40xi32, #tpu.memory_space<vmem>>
      %dma_wait3A_254 = tpu.memref_squeeze %dma_wait3A_253 : memref<1x40xi32, #tpu.memory_space<vmem>> -> memref<40xi32, #tpu.memory_space<vmem>>
      %dma_wait3A_255 = tpu.memref_slice %arg3[%dma_wait3A_250, %add3A_249] : memref<2x320000xi32, #tpu.memory_space<hbm>> -> memref<1x40xi32, #tpu.memory_space<hbm>>
      %dma_wait3A_256 = tpu.memref_squeeze %dma_wait3A_255 : memref<1x40xi32, #tpu.memory_space<hbm>> -> memref<40xi32, #tpu.memory_space<hbm>>
      %dma_wait3A_257 = arith.constant 0 : i32
      %dma_wait3A_258 = tpu.memref_slice %arg6[%dma_wait3A_251, %dma_wait3A_257] : memref<2x40xi32, #tpu.memory_space<vmem>> -> memref<1x40xi32, #tpu.memory_space<vmem>>
      %dma_wait3A_259 = tpu.memref_squeeze %dma_wait3A_258 : memref<1x40xi32, #tpu.memory_space<vmem>> -> memref<40xi32, #tpu.memory_space<vmem>>
      %dma_wait3A_260 = tpu.memref_slice %arg3[%dma_wait3A_250, %add3A_249] : memref<2x320000xi32, #tpu.memory_space<hbm>> -> memref<1x40xi32, #tpu.memory_space<hbm>>
      %dma_wait3A_261 = tpu.memref_squeeze %dma_wait3A_260 : memref<1x40xi32, #tpu.memory_space<hbm>> -> memref<40xi32, #tpu.memory_space<hbm>>
      tpu.wait_dma2 semaphore(%arg10 : memref<!tpu.dma_semaphore, #tpu.memory_space<semaphore_mem>>) src(%dma_wait3A_261 : memref<40xi32, #tpu.memory_space<hbm>>) dst(%dma_wait3A_259 : memref<40xi32, #tpu.memory_space<vmem>>)
      %dma_wait3A_262 = arith.constant 1 : i32
      %dma_wait3A_263 = arith.constant 1 : i32
      %dma_wait3A_264 = arith.constant 0 : i32
      %dma_wait3A_265 = tpu.memref_slice %arg6[%dma_wait3A_263, %dma_wait3A_264] : memref<2x40xi32, #tpu.memory_space<vmem>> -> memref<1x40xi32, #tpu.memory_space<vmem>>
      %dma_wait3A_266 = tpu.memref_squeeze %dma_wait3A_265 : memref<1x40xi32, #tpu.memory_space<vmem>> -> memref<40xi32, #tpu.memory_space<vmem>>
      %dma_wait3A_267 = tpu.memref_slice %arg3[%dma_wait3A_262, %add3A_249] : memref<2x320000xi32, #tpu.memory_space<hbm>> -> memref<1x40xi32, #tpu.memory_space<hbm>>
      %dma_wait3A_268 = tpu.memref_squeeze %dma_wait3A_267 : memref<1x40xi32, #tpu.memory_space<hbm>> -> memref<40xi32, #tpu.memory_space<hbm>>
      %dma_wait3A_269 = arith.constant 0 : i32
      %dma_wait3A_270 = tpu.memref_slice %arg6[%dma_wait3A_263, %dma_wait3A_269] : memref<2x40xi32, #tpu.memory_space<vmem>> -> memref<1x40xi32, #tpu.memory_space<vmem>>
      %dma_wait3A_271 = tpu.memref_squeeze %dma_wait3A_270 : memref<1x40xi32, #tpu.memory_space<vmem>> -> memref<40xi32, #tpu.memory_space<vmem>>
      %dma_wait3A_272 = tpu.memref_slice %arg3[%dma_wait3A_262, %add3A_249] : memref<2x320000xi32, #tpu.memory_space<hbm>> -> memref<1x40xi32, #tpu.memory_space<hbm>>
      %dma_wait3A_273 = tpu.memref_squeeze %dma_wait3A_272 : memref<1x40xi32, #tpu.memory_space<hbm>> -> memref<40xi32, #tpu.memory_space<hbm>>
      tpu.wait_dma2 semaphore(%arg10 : memref<!tpu.dma_semaphore, #tpu.memory_space<semaphore_mem>>) src(%dma_wait3A_273 : memref<40xi32, #tpu.memory_space<hbm>>) dst(%dma_wait3A_271 : memref<40xi32, #tpu.memory_space<vmem>>)
      %ge3A = arith.constant 2 : i32
      %ge3A_274 = arith.cmpi sge, %mul3A_238, %ge3A : i32
      %convert_element_type3A_275 = arith.extui %ge3A_274 : i1 to i32
      %cond3A_276 = arith.constant 0 : i32
      %cond3A_277 = arith.cmpi ne, %convert_element_type3A_275, %cond3A_276 : i32
      scf.if %cond3A_277 {
        %sub3A = arith.constant 2 : i32
        %sub3A_501 = arith.subi %mul3A_238, %sub3A : i32
        %mul3A_502 = arith.constant 40 : i32
        %mul3A_503 = arith.muli %sub3A_501, %mul3A_502 : i32
        %add3A_504 = arith.addi %mul3A_2, %mul3A_503 : i32
        %dma_wait3A_505 = arith.constant 0 : i32
        %dma_wait3A_506 = arith.constant 0 : i32
        %dma_wait3A_507 = arith.constant 0 : i32
        %dma_wait3A_508 = tpu.memref_slice %arg8[%dma_wait3A_505, %dma_wait3A_506, %dma_wait3A_507] : memref<2x40x64xi32, #tpu.memory_space<vmem>> -> memref<1x40x64xi32, #tpu.memory_space<vmem>>
        %dma_wait3A_509 = tpu.memref_squeeze %dma_wait3A_508 : memref<1x40x64xi32, #tpu.memory_space<vmem>> -> memref<40x64xi32, #tpu.memory_space<vmem>>
        %dma_wait3A_510 = arith.constant 0 : i32
        %dma_wait3A_511 = tpu.memref_slice %arg4[%add3A_504, %dma_wait3A_510] : memref<160000x128xi32, #tpu.memory_space<hbm>> -> memref<40x64xi32, #tpu.memory_space<hbm>>
        %dma_wait3A_512 = arith.constant 0 : i32
        %dma_wait3A_513 = tpu.memref_slice %arg4[%add3A_504, %dma_wait3A_512] : memref<160000x128xi32, #tpu.memory_space<hbm>> -> memref<40x64xi32, #tpu.memory_space<hbm>>
        %dma_wait3A_514 = arith.constant 0 : i32
        %dma_wait3A_515 = arith.constant 0 : i32
        %dma_wait3A_516 = tpu.memref_slice %arg8[%dma_wait3A_505, %dma_wait3A_514, %dma_wait3A_515] : memref<2x40x64xi32, #tpu.memory_space<vmem>> -> memref<1x40x64xi32, #tpu.memory_space<vmem>>
        %dma_wait3A_517 = tpu.memref_squeeze %dma_wait3A_516 : memref<1x40x64xi32, #tpu.memory_space<vmem>> -> memref<40x64xi32, #tpu.memory_space<vmem>>
        tpu.wait_dma2 semaphore(%arg13 : memref<!tpu.dma_semaphore, #tpu.memory_space<semaphore_mem>>) src(%dma_wait3A_517 : memref<40x64xi32, #tpu.memory_space<vmem>>) dst(%dma_wait3A_513 : memref<40x64xi32, #tpu.memory_space<hbm>>)
        %dma_wait3A_518 = arith.constant 1 : i32
        %dma_wait3A_519 = arith.constant 0 : i32
        %dma_wait3A_520 = arith.constant 0 : i32
        %dma_wait3A_521 = tpu.memref_slice %arg8[%dma_wait3A_518, %dma_wait3A_519, %dma_wait3A_520] : memref<2x40x64xi32, #tpu.memory_space<vmem>> -> memref<1x40x64xi32, #tpu.memory_space<vmem>>
        %dma_wait3A_522 = tpu.memref_squeeze %dma_wait3A_521 : memref<1x40x64xi32, #tpu.memory_space<vmem>> -> memref<40x64xi32, #tpu.memory_space<vmem>>
        %dma_wait3A_523 = arith.constant 64 : i32
        %dma_wait3A_524 = tpu.memref_slice %arg4[%add3A_504, %dma_wait3A_523] : memref<160000x128xi32, #tpu.memory_space<hbm>> -> memref<40x64xi32, #tpu.memory_space<hbm>>
        %dma_wait3A_525 = arith.constant 64 : i32
        %dma_wait3A_526 = tpu.memref_slice %arg4[%add3A_504, %dma_wait3A_525] : memref<160000x128xi32, #tpu.memory_space<hbm>> -> memref<40x64xi32, #tpu.memory_space<hbm>>
        %dma_wait3A_527 = arith.constant 0 : i32
        %dma_wait3A_528 = arith.constant 0 : i32
        %dma_wait3A_529 = tpu.memref_slice %arg8[%dma_wait3A_518, %dma_wait3A_527, %dma_wait3A_528] : memref<2x40x64xi32, #tpu.memory_space<vmem>> -> memref<1x40x64xi32, #tpu.memory_space<vmem>>
        %dma_wait3A_530 = tpu.memref_squeeze %dma_wait3A_529 : memref<1x40x64xi32, #tpu.memory_space<vmem>> -> memref<40x64xi32, #tpu.memory_space<vmem>>
        tpu.wait_dma2 semaphore(%arg13 : memref<!tpu.dma_semaphore, #tpu.memory_space<semaphore_mem>>) src(%dma_wait3A_530 : memref<40x64xi32, #tpu.memory_space<vmem>>) dst(%dma_wait3A_526 : memref<40x64xi32, #tpu.memory_space<hbm>>)
      } else {
      }
      %dma_start3A_278 = arith.constant 0 : i32
      %dma_start3A_279 = arith.constant 0 : i32
      %dma_start3A_280 = arith.constant 0 : i32
      %dma_start3A_281 = arith.constant 0 : i32
      %dma_start3A_282 = tpu.memref_slice %arg8[%dma_start3A_279, %dma_start3A_280, %dma_start3A_281] : memref<2x40x64xi32, #tpu.memory_space<vmem>> -> memref<1x40x64xi32, #tpu.memory_space<vmem>>
      %dma_start3A_283 = tpu.memref_squeeze %dma_start3A_282 : memref<1x40x64xi32, #tpu.memory_space<vmem>> -> memref<40x64xi32, #tpu.memory_space<vmem>>
      %dma_start3A_284 = arith.constant 0 : i32
      %dma_start3A_285 = arith.constant 0 : i32
      %dma_start3A_286 = tpu.memref_slice %dma_start3A_283[%dma_start3A_284, %dma_start3A_285] : memref<40x64xi32, #tpu.memory_space<vmem>> -> memref<40x64xi32, #tpu.memory_space<vmem>>
      %dma_start3A_287 = arith.constant 0 : i32
      %dma_start3A_288 = tpu.memref_slice %arg6[%dma_start3A_278, %dma_start3A_287] : memref<2x40xi32, #tpu.memory_space<vmem>> -> memref<1x40xi32, #tpu.memory_space<vmem>>
      %dma_start3A_289 = tpu.memref_squeeze %dma_start3A_288 : memref<1x40xi32, #tpu.memory_space<vmem>> -> memref<40xi32, #tpu.memory_space<vmem>>
      %dma_start3A_290 = arith.constant 0 : i32
      %dma_start3A_291 = arith.constant 0 : i32
      %dma_start3A_292 = tpu.memref_slice %arg5[%dma_start3A_290, %dma_start3A_291] : memref<20000x64xi32, #tpu.memory_space<vmem_shared>> -> memref<20000x64xi32, #tpu.memory_space<vmem_shared>>
      tpu.enqueue_indirect_dma source(%dma_start3A_292 : memref<20000x64xi32, #tpu.memory_space<vmem_shared>>) target(%dma_start3A_286 : memref<40x64xi32, #tpu.memory_space<vmem>>) offsets(%dma_start3A_289 : memref<40xi32, #tpu.memory_space<vmem>>) semaphore(%arg12 : memref<!tpu.dma_semaphore, #tpu.memory_space<semaphore_mem>>)
      %dma_start3A_293 = arith.constant 1 : i32
      %dma_start3A_294 = arith.constant 1 : i32
      %dma_start3A_295 = arith.constant 0 : i32
      %dma_start3A_296 = arith.constant 0 : i32
      %dma_start3A_297 = tpu.memref_slice %arg8[%dma_start3A_294, %dma_start3A_295, %dma_start3A_296] : memref<2x40x64xi32, #tpu.memory_space<vmem>> -> memref<1x40x64xi32, #tpu.memory_space<vmem>>
      %dma_start3A_298 = tpu.memref_squeeze %dma_start3A_297 : memref<1x40x64xi32, #tpu.memory_space<vmem>> -> memref<40x64xi32, #tpu.memory_space<vmem>>
      %dma_start3A_299 = arith.constant 0 : i32
      %dma_start3A_300 = arith.constant 0 : i32
      %dma_start3A_301 = tpu.memref_slice %dma_start3A_298[%dma_start3A_299, %dma_start3A_300] : memref<40x64xi32, #tpu.memory_space<vmem>> -> memref<40x64xi32, #tpu.memory_space<vmem>>
      %dma_start3A_302 = arith.constant 0 : i32
      %dma_start3A_303 = tpu.memref_slice %arg6[%dma_start3A_293, %dma_start3A_302] : memref<2x40xi32, #tpu.memory_space<vmem>> -> memref<1x40xi32, #tpu.memory_space<vmem>>
      %dma_start3A_304 = tpu.memref_squeeze %dma_start3A_303 : memref<1x40xi32, #tpu.memory_space<vmem>> -> memref<40xi32, #tpu.memory_space<vmem>>
      %dma_start3A_305 = arith.constant 0 : i32
      %dma_start3A_306 = arith.constant 0 : i32
      %dma_start3A_307 = tpu.memref_slice %arg5[%dma_start3A_305, %dma_start3A_306] : memref<20000x64xi32, #tpu.memory_space<vmem_shared>> -> memref<20000x64xi32, #tpu.memory_space<vmem_shared>>
      tpu.enqueue_indirect_dma source(%dma_start3A_307 : memref<20000x64xi32, #tpu.memory_space<vmem_shared>>) target(%dma_start3A_301 : memref<40x64xi32, #tpu.memory_space<vmem>>) offsets(%dma_start3A_304 : memref<40xi32, #tpu.memory_space<vmem>>) semaphore(%arg12 : memref<!tpu.dma_semaphore, #tpu.memory_space<semaphore_mem>>)
      %dma_wait3A_308 = arith.constant 0 : i32
      %dma_wait3A_309 = arith.constant 0 : i32
      %dma_wait3A_310 = arith.constant 0 : i32
      %dma_wait3A_311 = arith.constant 0 : i32
      %dma_wait3A_312 = tpu.memref_slice %arg8[%dma_wait3A_309, %dma_wait3A_310, %dma_wait3A_311] : memref<2x40x64xi32, #tpu.memory_space<vmem>> -> memref<1x40x64xi32, #tpu.memory_space<vmem>>
      %dma_wait3A_313 = tpu.memref_squeeze %dma_wait3A_312 : memref<1x40x64xi32, #tpu.memory_space<vmem>> -> memref<40x64xi32, #tpu.memory_space<vmem>>
      %dma_wait3A_314 = arith.constant 0 : i32
      %dma_wait3A_315 = arith.constant 0 : i32
      %dma_wait3A_316 = tpu.memref_slice %dma_wait3A_313[%dma_wait3A_314, %dma_wait3A_315] : memref<40x64xi32, #tpu.memory_space<vmem>> -> memref<40x64xi32, #tpu.memory_space<vmem>>
      %dma_wait3A_317 = arith.constant 0 : i32
      %dma_wait3A_318 = tpu.memref_slice %arg6[%dma_wait3A_308, %dma_wait3A_317] : memref<2x40xi32, #tpu.memory_space<vmem>> -> memref<1x40xi32, #tpu.memory_space<vmem>>
      %dma_wait3A_319 = tpu.memref_squeeze %dma_wait3A_318 : memref<1x40xi32, #tpu.memory_space<vmem>> -> memref<40xi32, #tpu.memory_space<vmem>>
      %dma_wait3A_320 = arith.constant 0 : i32
      %dma_wait3A_321 = arith.constant 0 : i32
      %dma_wait3A_322 = tpu.memref_slice %arg5[%dma_wait3A_320, %dma_wait3A_321] : memref<20000x64xi32, #tpu.memory_space<vmem_shared>> -> memref<20000x64xi32, #tpu.memory_space<vmem_shared>>
      tpu.wait_indirect_dma semaphore(%arg12 : memref<!tpu.dma_semaphore, #tpu.memory_space<semaphore_mem>>) src(%dma_wait3A_322 : memref<20000x64xi32, #tpu.memory_space<vmem_shared>>) dst(%dma_wait3A_316 : memref<40x64xi32, #tpu.memory_space<vmem>>)
      %dma_wait3A_323 = arith.constant 1 : i32
      %dma_wait3A_324 = arith.constant 1 : i32
      %dma_wait3A_325 = arith.constant 0 : i32
      %dma_wait3A_326 = arith.constant 0 : i32
      %dma_wait3A_327 = tpu.memref_slice %arg8[%dma_wait3A_324, %dma_wait3A_325, %dma_wait3A_326] : memref<2x40x64xi32, #tpu.memory_space<vmem>> -> memref<1x40x64xi32, #tpu.memory_space<vmem>>
      %dma_wait3A_328 = tpu.memref_squeeze %dma_wait3A_327 : memref<1x40x64xi32, #tpu.memory_space<vmem>> -> memref<40x64xi32, #tpu.memory_space<vmem>>
      %dma_wait3A_329 = arith.constant 0 : i32
      %dma_wait3A_330 = arith.constant 0 : i32
      %dma_wait3A_331 = tpu.memref_slice %dma_wait3A_328[%dma_wait3A_329, %dma_wait3A_330] : memref<40x64xi32, #tpu.memory_space<vmem>> -> memref<40x64xi32, #tpu.memory_space<vmem>>
      %dma_wait3A_332 = arith.constant 0 : i32
      %dma_wait3A_333 = tpu.memref_slice %arg6[%dma_wait3A_323, %dma_wait3A_332] : memref<2x40xi32, #tpu.memory_space<vmem>> -> memref<1x40xi32, #tpu.memory_space<vmem>>
      %dma_wait3A_334 = tpu.memref_squeeze %dma_wait3A_333 : memref<1x40xi32, #tpu.memory_space<vmem>> -> memref<40xi32, #tpu.memory_space<vmem>>
      %dma_wait3A_335 = arith.constant 0 : i32
      %dma_wait3A_336 = arith.constant 0 : i32
      %dma_wait3A_337 = tpu.memref_slice %arg5[%dma_wait3A_335, %dma_wait3A_336] : memref<20000x64xi32, #tpu.memory_space<vmem_shared>> -> memref<20000x64xi32, #tpu.memory_space<vmem_shared>>
      tpu.wait_indirect_dma semaphore(%arg12 : memref<!tpu.dma_semaphore, #tpu.memory_space<semaphore_mem>>) src(%dma_wait3A_337 : memref<20000x64xi32, #tpu.memory_space<vmem_shared>>) dst(%dma_wait3A_331 : memref<40x64xi32, #tpu.memory_space<vmem>>)
      %mul3A_338 = arith.constant 40 : i32
      %mul3A_339 = arith.muli %mul3A_238, %mul3A_338 : i32
      %add3A_340 = arith.addi %mul3A_2, %mul3A_339 : i32
      %dma_start3A_341 = arith.constant 0 : i32
      %dma_start3A_342 = arith.constant 0 : i32
      %dma_start3A_343 = arith.constant 0 : i32
      %dma_start3A_344 = tpu.memref_slice %arg8[%dma_start3A_341, %dma_start3A_342, %dma_start3A_343] : memref<2x40x64xi32, #tpu.memory_space<vmem>> -> memref<1x40x64xi32, #tpu.memory_space<vmem>>
      %dma_start3A_345 = tpu.memref_squeeze %dma_start3A_344 : memref<1x40x64xi32, #tpu.memory_space<vmem>> -> memref<40x64xi32, #tpu.memory_space<vmem>>
      %dma_start3A_346 = arith.constant 0 : i32
      %dma_start3A_347 = tpu.memref_slice %arg4[%add3A_340, %dma_start3A_346] : memref<160000x128xi32, #tpu.memory_space<hbm>> -> memref<40x64xi32, #tpu.memory_space<hbm>>
      %dma_start3A_348 = arith.constant 0 : i32
      %dma_start3A_349 = tpu.memref_slice %arg4[%add3A_340, %dma_start3A_348] : memref<160000x128xi32, #tpu.memory_space<hbm>> -> memref<40x64xi32, #tpu.memory_space<hbm>>
      %dma_start3A_350 = arith.constant 0 : i32
      %dma_start3A_351 = arith.constant 0 : i32
      %dma_start3A_352 = tpu.memref_slice %arg8[%dma_start3A_341, %dma_start3A_350, %dma_start3A_351] : memref<2x40x64xi32, #tpu.memory_space<vmem>> -> memref<1x40x64xi32, #tpu.memory_space<vmem>>
      %dma_start3A_353 = tpu.memref_squeeze %dma_start3A_352 : memref<1x40x64xi32, #tpu.memory_space<vmem>> -> memref<40x64xi32, #tpu.memory_space<vmem>>
      tpu.enqueue_dma source(%dma_start3A_353 : memref<40x64xi32, #tpu.memory_space<vmem>>) target(%dma_start3A_349 : memref<40x64xi32, #tpu.memory_space<hbm>>) target_semaphore(%arg13 : memref<!tpu.dma_semaphore, #tpu.memory_space<semaphore_mem>>)
      %dma_start3A_354 = arith.constant 1 : i32
      %dma_start3A_355 = arith.constant 0 : i32
      %dma_start3A_356 = arith.constant 0 : i32
      %dma_start3A_357 = tpu.memref_slice %arg8[%dma_start3A_354, %dma_start3A_355, %dma_start3A_356] : memref<2x40x64xi32, #tpu.memory_space<vmem>> -> memref<1x40x64xi32, #tpu.memory_space<vmem>>
      %dma_start3A_358 = tpu.memref_squeeze %dma_start3A_357 : memref<1x40x64xi32, #tpu.memory_space<vmem>> -> memref<40x64xi32, #tpu.memory_space<vmem>>
      %dma_start3A_359 = arith.constant 64 : i32
      %dma_start3A_360 = tpu.memref_slice %arg4[%add3A_340, %dma_start3A_359] : memref<160000x128xi32, #tpu.memory_space<hbm>> -> memref<40x64xi32, #tpu.memory_space<hbm>>
      %dma_start3A_361 = arith.constant 64 : i32
      %dma_start3A_362 = tpu.memref_slice %arg4[%add3A_340, %dma_start3A_361] : memref<160000x128xi32, #tpu.memory_space<hbm>> -> memref<40x64xi32, #tpu.memory_space<hbm>>
      %dma_start3A_363 = arith.constant 0 : i32
      %dma_start3A_364 = arith.constant 0 : i32
      %dma_start3A_365 = tpu.memref_slice %arg8[%dma_start3A_354, %dma_start3A_363, %dma_start3A_364] : memref<2x40x64xi32, #tpu.memory_space<vmem>> -> memref<1x40x64xi32, #tpu.memory_space<vmem>>
      %dma_start3A_366 = tpu.memref_squeeze %dma_start3A_365 : memref<1x40x64xi32, #tpu.memory_space<vmem>> -> memref<40x64xi32, #tpu.memory_space<vmem>>
      tpu.enqueue_dma source(%dma_start3A_366 : memref<40x64xi32, #tpu.memory_space<vmem>>) target(%dma_start3A_362 : memref<40x64xi32, #tpu.memory_space<hbm>>) target_semaphore(%arg13 : memref<!tpu.dma_semaphore, #tpu.memory_space<semaphore_mem>>)
      %mul3A_367 = arith.constant 2 : i32
      %mul3A_368 = arith.muli %scan3A_236, %mul3A_367 : i32
      %add3A_369 = arith.constant 1 : i32
      %add3A_370 = arith.addi %mul3A_368, %add3A_369 : i32
      %add3A_371 = arith.constant 1 : i32
      %add3A_372 = arith.addi %add3A_370, %add3A_371 : i32
      %lt3A_373 = arith.constant 125 : i32
      %lt3A_374 = arith.cmpi slt, %add3A_372, %lt3A_373 : i32
      %convert_element_type3A_375 = arith.extui %lt3A_374 : i1 to i32
      %cond3A_376 = arith.constant 0 : i32
      %cond3A_377 = arith.cmpi ne, %convert_element_type3A_375, %cond3A_376 : i32
      scf.if %cond3A_377 {
        %add3A_501 = arith.constant 1 : i32
        %add3A_502 = arith.addi %add3A_370, %add3A_501 : i32
        %add3A_503 = arith.constant 0 : i32
        %add3A_504 = arith.addi %add3A_503, %mul3A_2 : i32
        %mul3A_505 = arith.constant 40 : i32
        %mul3A_506 = arith.muli %add3A_502, %mul3A_505 : i32
        %add3A_507 = arith.addi %add3A_504, %mul3A_506 : i32
        %dma_start3A_508 = arith.constant 0 : i32
        %dma_start3A_509 = arith.constant 0 : i32
        %dma_start3A_510 = arith.constant 0 : i32
        %dma_start3A_511 = tpu.memref_slice %arg6[%dma_start3A_509, %dma_start3A_510] : memref<2x40xi32, #tpu.memory_space<vmem>> -> memref<1x40xi32, #tpu.memory_space<vmem>>
        %dma_start3A_512 = tpu.memref_squeeze %dma_start3A_511 : memref<1x40xi32, #tpu.memory_space<vmem>> -> memref<40xi32, #tpu.memory_space<vmem>>
        %dma_start3A_513 = tpu.memref_slice %arg3[%dma_start3A_508, %add3A_507] : memref<2x320000xi32, #tpu.memory_space<hbm>> -> memref<1x40xi32, #tpu.memory_space<hbm>>
        %dma_start3A_514 = tpu.memref_squeeze %dma_start3A_513 : memref<1x40xi32, #tpu.memory_space<hbm>> -> memref<40xi32, #tpu.memory_space<hbm>>
        %dma_start3A_515 = arith.constant 0 : i32
        %dma_start3A_516 = tpu.memref_slice %arg6[%dma_start3A_509, %dma_start3A_515] : memref<2x40xi32, #tpu.memory_space<vmem>> -> memref<1x40xi32, #tpu.memory_space<vmem>>
        %dma_start3A_517 = tpu.memref_squeeze %dma_start3A_516 : memref<1x40xi32, #tpu.memory_space<vmem>> -> memref<40xi32, #tpu.memory_space<vmem>>
        %dma_start3A_518 = tpu.memref_slice %arg3[%dma_start3A_508, %add3A_507] : memref<2x320000xi32, #tpu.memory_space<hbm>> -> memref<1x40xi32, #tpu.memory_space<hbm>>
        %dma_start3A_519 = tpu.memref_squeeze %dma_start3A_518 : memref<1x40xi32, #tpu.memory_space<hbm>> -> memref<40xi32, #tpu.memory_space<hbm>>
        tpu.enqueue_dma source(%dma_start3A_519 : memref<40xi32, #tpu.memory_space<hbm>>) target(%dma_start3A_517 : memref<40xi32, #tpu.memory_space<vmem>>) target_semaphore(%arg10 : memref<!tpu.dma_semaphore, #tpu.memory_space<semaphore_mem>>)
        %dma_start3A_520 = arith.constant 1 : i32
        %dma_start3A_521 = arith.constant 1 : i32
        %dma_start3A_522 = arith.constant 0 : i32
        %dma_start3A_523 = tpu.memref_slice %arg6[%dma_start3A_521, %dma_start3A_522] : memref<2x40xi32, #tpu.memory_space<vmem>> -> memref<1x40xi32, #tpu.memory_space<vmem>>
        %dma_start3A_524 = tpu.memref_squeeze %dma_start3A_523 : memref<1x40xi32, #tpu.memory_space<vmem>> -> memref<40xi32, #tpu.memory_space<vmem>>
        %dma_start3A_525 = tpu.memref_slice %arg3[%dma_start3A_520, %add3A_507] : memref<2x320000xi32, #tpu.memory_space<hbm>> -> memref<1x40xi32, #tpu.memory_space<hbm>>
        %dma_start3A_526 = tpu.memref_squeeze %dma_start3A_525 : memref<1x40xi32, #tpu.memory_space<hbm>> -> memref<40xi32, #tpu.memory_space<hbm>>
        %dma_start3A_527 = arith.constant 0 : i32
        %dma_start3A_528 = tpu.memref_slice %arg6[%dma_start3A_521, %dma_start3A_527] : memref<2x40xi32, #tpu.memory_space<vmem>> -> memref<1x40xi32, #tpu.memory_space<vmem>>
        %dma_start3A_529 = tpu.memref_squeeze %dma_start3A_528 : memref<1x40xi32, #tpu.memory_space<vmem>> -> memref<40xi32, #tpu.memory_space<vmem>>
        %dma_start3A_530 = tpu.memref_slice %arg3[%dma_start3A_520, %add3A_507] : memref<2x320000xi32, #tpu.memory_space<hbm>> -> memref<1x40xi32, #tpu.memory_space<hbm>>
        %dma_start3A_531 = tpu.memref_squeeze %dma_start3A_530 : memref<1x40xi32, #tpu.memory_space<hbm>> -> memref<40xi32, #tpu.memory_space<hbm>>
        tpu.enqueue_dma source(%dma_start3A_531 : memref<40xi32, #tpu.memory_space<hbm>>) target(%dma_start3A_529 : memref<40xi32, #tpu.memory_space<vmem>>) target_semaphore(%arg10 : memref<!tpu.dma_semaphore, #tpu.memory_space<semaphore_mem>>)
      } else {
      }
      %add3A_378 = arith.constant 0 : i32
      %add3A_379 = arith.addi %add3A_378, %mul3A_2 : i32
      %mul3A_380 = arith.constant 40 : i32
      %mul3A_381 = arith.muli %add3A_370, %mul3A_380 : i32
      %add3A_382 = arith.addi %add3A_379, %mul3A_381 : i32
      %dma_wait3A_383 = arith.constant 0 : i32
      %dma_wait3A_384 = arith.constant 0 : i32
      %dma_wait3A_385 = arith.constant 0 : i32
      %dma_wait3A_386 = tpu.memref_slice %arg7[%dma_wait3A_384, %dma_wait3A_385] : memref<2x40xi32, #tpu.memory_space<vmem>> -> memref<1x40xi32, #tpu.memory_space<vmem>>
      %dma_wait3A_387 = tpu.memref_squeeze %dma_wait3A_386 : memref<1x40xi32, #tpu.memory_space<vmem>> -> memref<40xi32, #tpu.memory_space<vmem>>
      %dma_wait3A_388 = tpu.memref_slice %arg3[%dma_wait3A_383, %add3A_382] : memref<2x320000xi32, #tpu.memory_space<hbm>> -> memref<1x40xi32, #tpu.memory_space<hbm>>
      %dma_wait3A_389 = tpu.memref_squeeze %dma_wait3A_388 : memref<1x40xi32, #tpu.memory_space<hbm>> -> memref<40xi32, #tpu.memory_space<hbm>>
      %dma_wait3A_390 = arith.constant 0 : i32
      %dma_wait3A_391 = tpu.memref_slice %arg7[%dma_wait3A_384, %dma_wait3A_390] : memref<2x40xi32, #tpu.memory_space<vmem>> -> memref<1x40xi32, #tpu.memory_space<vmem>>
      %dma_wait3A_392 = tpu.memref_squeeze %dma_wait3A_391 : memref<1x40xi32, #tpu.memory_space<vmem>> -> memref<40xi32, #tpu.memory_space<vmem>>
      %dma_wait3A_393 = tpu.memref_slice %arg3[%dma_wait3A_383, %add3A_382] : memref<2x320000xi32, #tpu.memory_space<hbm>> -> memref<1x40xi32, #tpu.memory_space<hbm>>
      %dma_wait3A_394 = tpu.memref_squeeze %dma_wait3A_393 : memref<1x40xi32, #tpu.memory_space<hbm>> -> memref<40xi32, #tpu.memory_space<hbm>>
      tpu.wait_dma2 semaphore(%arg11 : memref<!tpu.dma_semaphore, #tpu.memory_space<semaphore_mem>>) src(%dma_wait3A_394 : memref<40xi32, #tpu.memory_space<hbm>>) dst(%dma_wait3A_392 : memref<40xi32, #tpu.memory_space<vmem>>)
      %dma_wait3A_395 = arith.constant 1 : i32
      %dma_wait3A_396 = arith.constant 1 : i32
      %dma_wait3A_397 = arith.constant 0 : i32
      %dma_wait3A_398 = tpu.memref_slice %arg7[%dma_wait3A_396, %dma_wait3A_397] : memref<2x40xi32, #tpu.memory_space<vmem>> -> memref<1x40xi32, #tpu.memory_space<vmem>>
      %dma_wait3A_399 = tpu.memref_squeeze %dma_wait3A_398 : memref<1x40xi32, #tpu.memory_space<vmem>> -> memref<40xi32, #tpu.memory_space<vmem>>
      %dma_wait3A_400 = tpu.memref_slice %arg3[%dma_wait3A_395, %add3A_382] : memref<2x320000xi32, #tpu.memory_space<hbm>> -> memref<1x40xi32, #tpu.memory_space<hbm>>
      %dma_wait3A_401 = tpu.memref_squeeze %dma_wait3A_400 : memref<1x40xi32, #tpu.memory_space<hbm>> -> memref<40xi32, #tpu.memory_space<hbm>>
      %dma_wait3A_402 = arith.constant 0 : i32
      %dma_wait3A_403 = tpu.memref_slice %arg7[%dma_wait3A_396, %dma_wait3A_402] : memref<2x40xi32, #tpu.memory_space<vmem>> -> memref<1x40xi32, #tpu.memory_space<vmem>>
      %dma_wait3A_404 = tpu.memref_squeeze %dma_wait3A_403 : memref<1x40xi32, #tpu.memory_space<vmem>> -> memref<40xi32, #tpu.memory_space<vmem>>
      %dma_wait3A_405 = tpu.memref_slice %arg3[%dma_wait3A_395, %add3A_382] : memref<2x320000xi32, #tpu.memory_space<hbm>> -> memref<1x40xi32, #tpu.memory_space<hbm>>
      %dma_wait3A_406 = tpu.memref_squeeze %dma_wait3A_405 : memref<1x40xi32, #tpu.memory_space<hbm>> -> memref<40xi32, #tpu.memory_space<hbm>>
      tpu.wait_dma2 semaphore(%arg11 : memref<!tpu.dma_semaphore, #tpu.memory_space<semaphore_mem>>) src(%dma_wait3A_406 : memref<40xi32, #tpu.memory_space<hbm>>) dst(%dma_wait3A_404 : memref<40xi32, #tpu.memory_space<vmem>>)
      %ge3A_407 = arith.constant 2 : i32
      %ge3A_408 = arith.cmpi sge, %add3A_370, %ge3A_407 : i32
      %convert_element_type3A_409 = arith.extui %ge3A_408 : i1 to i32
      %cond3A_410 = arith.constant 0 : i32
      %cond3A_411 = arith.cmpi ne, %convert_element_type3A_409, %cond3A_410 : i32
      scf.if %cond3A_411 {
        %sub3A = arith.constant 2 : i32
        %sub3A_501 = arith.subi %add3A_370, %sub3A : i32
        %mul3A_502 = arith.constant 40 : i32
        %mul3A_503 = arith.muli %sub3A_501, %mul3A_502 : i32
        %add3A_504 = arith.addi %mul3A_2, %mul3A_503 : i32
        %dma_wait3A_505 = arith.constant 0 : i32
        %dma_wait3A_506 = arith.constant 0 : i32
        %dma_wait3A_507 = arith.constant 0 : i32
        %dma_wait3A_508 = tpu.memref_slice %arg9[%dma_wait3A_505, %dma_wait3A_506, %dma_wait3A_507] : memref<2x40x64xi32, #tpu.memory_space<vmem>> -> memref<1x40x64xi32, #tpu.memory_space<vmem>>
        %dma_wait3A_509 = tpu.memref_squeeze %dma_wait3A_508 : memref<1x40x64xi32, #tpu.memory_space<vmem>> -> memref<40x64xi32, #tpu.memory_space<vmem>>
        %dma_wait3A_510 = arith.constant 0 : i32
        %dma_wait3A_511 = tpu.memref_slice %arg4[%add3A_504, %dma_wait3A_510] : memref<160000x128xi32, #tpu.memory_space<hbm>> -> memref<40x64xi32, #tpu.memory_space<hbm>>
        %dma_wait3A_512 = arith.constant 0 : i32
        %dma_wait3A_513 = tpu.memref_slice %arg4[%add3A_504, %dma_wait3A_512] : memref<160000x128xi32, #tpu.memory_space<hbm>> -> memref<40x64xi32, #tpu.memory_space<hbm>>
        %dma_wait3A_514 = arith.constant 0 : i32
        %dma_wait3A_515 = arith.constant 0 : i32
        %dma_wait3A_516 = tpu.memref_slice %arg9[%dma_wait3A_505, %dma_wait3A_514, %dma_wait3A_515] : memref<2x40x64xi32, #tpu.memory_space<vmem>> -> memref<1x40x64xi32, #tpu.memory_space<vmem>>
        %dma_wait3A_517 = tpu.memref_squeeze %dma_wait3A_516 : memref<1x40x64xi32, #tpu.memory_space<vmem>> -> memref<40x64xi32, #tpu.memory_space<vmem>>
        tpu.wait_dma2 semaphore(%arg14 : memref<!tpu.dma_semaphore, #tpu.memory_space<semaphore_mem>>) src(%dma_wait3A_517 : memref<40x64xi32, #tpu.memory_space<vmem>>) dst(%dma_wait3A_513 : memref<40x64xi32, #tpu.memory_space<hbm>>)
        %dma_wait3A_518 = arith.constant 1 : i32
        %dma_wait3A_519 = arith.constant 0 : i32
        %dma_wait3A_520 = arith.constant 0 : i32
        %dma_wait3A_521 = tpu.memref_slice %arg9[%dma_wait3A_518, %dma_wait3A_519, %dma_wait3A_520] : memref<2x40x64xi32, #tpu.memory_space<vmem>> -> memref<1x40x64xi32, #tpu.memory_space<vmem>>
        %dma_wait3A_522 = tpu.memref_squeeze %dma_wait3A_521 : memref<1x40x64xi32, #tpu.memory_space<vmem>> -> memref<40x64xi32, #tpu.memory_space<vmem>>
        %dma_wait3A_523 = arith.constant 64 : i32
        %dma_wait3A_524 = tpu.memref_slice %arg4[%add3A_504, %dma_wait3A_523] : memref<160000x128xi32, #tpu.memory_space<hbm>> -> memref<40x64xi32, #tpu.memory_space<hbm>>
        %dma_wait3A_525 = arith.constant 64 : i32
        %dma_wait3A_526 = tpu.memref_slice %arg4[%add3A_504, %dma_wait3A_525] : memref<160000x128xi32, #tpu.memory_space<hbm>> -> memref<40x64xi32, #tpu.memory_space<hbm>>
        %dma_wait3A_527 = arith.constant 0 : i32
        %dma_wait3A_528 = arith.constant 0 : i32
        %dma_wait3A_529 = tpu.memref_slice %arg9[%dma_wait3A_518, %dma_wait3A_527, %dma_wait3A_528] : memref<2x40x64xi32, #tpu.memory_space<vmem>> -> memref<1x40x64xi32, #tpu.memory_space<vmem>>
        %dma_wait3A_530 = tpu.memref_squeeze %dma_wait3A_529 : memref<1x40x64xi32, #tpu.memory_space<vmem>> -> memref<40x64xi32, #tpu.memory_space<vmem>>
        tpu.wait_dma2 semaphore(%arg14 : memref<!tpu.dma_semaphore, #tpu.memory_space<semaphore_mem>>) src(%dma_wait3A_530 : memref<40x64xi32, #tpu.memory_space<vmem>>) dst(%dma_wait3A_526 : memref<40x64xi32, #tpu.memory_space<hbm>>)
      } else {
      }
      %dma_start3A_412 = arith.constant 0 : i32
      %dma_start3A_413 = arith.constant 0 : i32
      %dma_start3A_414 = arith.constant 0 : i32
      %dma_start3A_415 = arith.constant 0 : i32
      %dma_start3A_416 = tpu.memref_slice %arg9[%dma_start3A_413, %dma_start3A_414, %dma_start3A_415] : memref<2x40x64xi32, #tpu.memory_space<vmem>> -> memref<1x40x64xi32, #tpu.memory_space<vmem>>
      %dma_start3A_417 = tpu.memref_squeeze %dma_start3A_416 : memref<1x40x64xi32, #tpu.memory_space<vmem>> -> memref<40x64xi32, #tpu.memory_space<vmem>>
      %dma_start3A_418 = arith.constant 0 : i32
      %dma_start3A_419 = arith.constant 0 : i32
      %dma_start3A_420 = tpu.memref_slice %dma_start3A_417[%dma_start3A_418, %dma_start3A_419] : memref<40x64xi32, #tpu.memory_space<vmem>> -> memref<40x64xi32, #tpu.memory_space<vmem>>
      %dma_start3A_421 = arith.constant 0 : i32
      %dma_start3A_422 = tpu.memref_slice %arg7[%dma_start3A_412, %dma_start3A_421] : memref<2x40xi32, #tpu.memory_space<vmem>> -> memref<1x40xi32, #tpu.memory_space<vmem>>
      %dma_start3A_423 = tpu.memref_squeeze %dma_start3A_422 : memref<1x40xi32, #tpu.memory_space<vmem>> -> memref<40xi32, #tpu.memory_space<vmem>>
      %dma_start3A_424 = arith.constant 0 : i32
      %dma_start3A_425 = arith.constant 0 : i32
      %dma_start3A_426 = tpu.memref_slice %arg5[%dma_start3A_424, %dma_start3A_425] : memref<20000x64xi32, #tpu.memory_space<vmem_shared>> -> memref<20000x64xi32, #tpu.memory_space<vmem_shared>>
      tpu.enqueue_indirect_dma source(%dma_start3A_426 : memref<20000x64xi32, #tpu.memory_space<vmem_shared>>) target(%dma_start3A_420 : memref<40x64xi32, #tpu.memory_space<vmem>>) offsets(%dma_start3A_423 : memref<40xi32, #tpu.memory_space<vmem>>) semaphore(%arg12 : memref<!tpu.dma_semaphore, #tpu.memory_space<semaphore_mem>>)
      %dma_start3A_427 = arith.constant 1 : i32
      %dma_start3A_428 = arith.constant 1 : i32
      %dma_start3A_429 = arith.constant 0 : i32
      %dma_start3A_430 = arith.constant 0 : i32
      %dma_start3A_431 = tpu.memref_slice %arg9[%dma_start3A_428, %dma_start3A_429, %dma_start3A_430] : memref<2x40x64xi32, #tpu.memory_space<vmem>> -> memref<1x40x64xi32, #tpu.memory_space<vmem>>
      %dma_start3A_432 = tpu.memref_squeeze %dma_start3A_431 : memref<1x40x64xi32, #tpu.memory_space<vmem>> -> memref<40x64xi32, #tpu.memory_space<vmem>>
      %dma_start3A_433 = arith.constant 0 : i32
      %dma_start3A_434 = arith.constant 0 : i32
      %dma_start3A_435 = tpu.memref_slice %dma_start3A_432[%dma_start3A_433, %dma_start3A_434] : memref<40x64xi32, #tpu.memory_space<vmem>> -> memref<40x64xi32, #tpu.memory_space<vmem>>
      %dma_start3A_436 = arith.constant 0 : i32
      %dma_start3A_437 = tpu.memref_slice %arg7[%dma_start3A_427, %dma_start3A_436] : memref<2x40xi32, #tpu.memory_space<vmem>> -> memref<1x40xi32, #tpu.memory_space<vmem>>
      %dma_start3A_438 = tpu.memref_squeeze %dma_start3A_437 : memref<1x40xi32, #tpu.memory_space<vmem>> -> memref<40xi32, #tpu.memory_space<vmem>>
      %dma_start3A_439 = arith.constant 0 : i32
      %dma_start3A_440 = arith.constant 0 : i32
      %dma_start3A_441 = tpu.memref_slice %arg5[%dma_start3A_439, %dma_start3A_440] : memref<20000x64xi32, #tpu.memory_space<vmem_shared>> -> memref<20000x64xi32, #tpu.memory_space<vmem_shared>>
      tpu.enqueue_indirect_dma source(%dma_start3A_441 : memref<20000x64xi32, #tpu.memory_space<vmem_shared>>) target(%dma_start3A_435 : memref<40x64xi32, #tpu.memory_space<vmem>>) offsets(%dma_start3A_438 : memref<40xi32, #tpu.memory_space<vmem>>) semaphore(%arg12 : memref<!tpu.dma_semaphore, #tpu.memory_space<semaphore_mem>>)
      %dma_wait3A_442 = arith.constant 0 : i32
      %dma_wait3A_443 = arith.constant 0 : i32
      %dma_wait3A_444 = arith.constant 0 : i32
      %dma_wait3A_445 = arith.constant 0 : i32
      %dma_wait3A_446 = tpu.memref_slice %arg9[%dma_wait3A_443, %dma_wait3A_444, %dma_wait3A_445] : memref<2x40x64xi32, #tpu.memory_space<vmem>> -> memref<1x40x64xi32, #tpu.memory_space<vmem>>
      %dma_wait3A_447 = tpu.memref_squeeze %dma_wait3A_446 : memref<1x40x64xi32, #tpu.memory_space<vmem>> -> memref<40x64xi32, #tpu.memory_space<vmem>>
      %dma_wait3A_448 = arith.constant 0 : i32
      %dma_wait3A_449 = arith.constant 0 : i32
      %dma_wait3A_450 = tpu.memref_slice %dma_wait3A_447[%dma_wait3A_448, %dma_wait3A_449] : memref<40x64xi32, #tpu.memory_space<vmem>> -> memref<40x64xi32, #tpu.memory_space<vmem>>
      %dma_wait3A_451 = arith.constant 0 : i32
      %dma_wait3A_452 = tpu.memref_slice %arg7[%dma_wait3A_442, %dma_wait3A_451] : memref<2x40xi32, #tpu.memory_space<vmem>> -> memref<1x40xi32, #tpu.memory_space<vmem>>
      %dma_wait3A_453 = tpu.memref_squeeze %dma_wait3A_452 : memref<1x40xi32, #tpu.memory_space<vmem>> -> memref<40xi32, #tpu.memory_space<vmem>>
      %dma_wait3A_454 = arith.constant 0 : i32
      %dma_wait3A_455 = arith.constant 0 : i32
      %dma_wait3A_456 = tpu.memref_slice %arg5[%dma_wait3A_454, %dma_wait3A_455] : memref<20000x64xi32, #tpu.memory_space<vmem_shared>> -> memref<20000x64xi32, #tpu.memory_space<vmem_shared>>
      tpu.wait_indirect_dma semaphore(%arg12 : memref<!tpu.dma_semaphore, #tpu.memory_space<semaphore_mem>>) src(%dma_wait3A_456 : memref<20000x64xi32, #tpu.memory_space<vmem_shared>>) dst(%dma_wait3A_450 : memref<40x64xi32, #tpu.memory_space<vmem>>)
      %dma_wait3A_457 = arith.constant 1 : i32
      %dma_wait3A_458 = arith.constant 1 : i32
      %dma_wait3A_459 = arith.constant 0 : i32
      %dma_wait3A_460 = arith.constant 0 : i32
      %dma_wait3A_461 = tpu.memref_slice %arg9[%dma_wait3A_458, %dma_wait3A_459, %dma_wait3A_460] : memref<2x40x64xi32, #tpu.memory_space<vmem>> -> memref<1x40x64xi32, #tpu.memory_space<vmem>>
      %dma_wait3A_462 = tpu.memref_squeeze %dma_wait3A_461 : memref<1x40x64xi32, #tpu.memory_space<vmem>> -> memref<40x64xi32, #tpu.memory_space<vmem>>
      %dma_wait3A_463 = arith.constant 0 : i32
      %dma_wait3A_464 = arith.constant 0 : i32
      %dma_wait3A_465 = tpu.memref_slice %dma_wait3A_462[%dma_wait3A_463, %dma_wait3A_464] : memref<40x64xi32, #tpu.memory_space<vmem>> -> memref<40x64xi32, #tpu.memory_space<vmem>>
      %dma_wait3A_466 = arith.constant 0 : i32
      %dma_wait3A_467 = tpu.memref_slice %arg7[%dma_wait3A_457, %dma_wait3A_466] : memref<2x40xi32, #tpu.memory_space<vmem>> -> memref<1x40xi32, #tpu.memory_space<vmem>>
      %dma_wait3A_468 = tpu.memref_squeeze %dma_wait3A_467 : memref<1x40xi32, #tpu.memory_space<vmem>> -> memref<40xi32, #tpu.memory_space<vmem>>
      %dma_wait3A_469 = arith.constant 0 : i32
      %dma_wait3A_470 = arith.constant 0 : i32
      %dma_wait3A_471 = tpu.memref_slice %arg5[%dma_wait3A_469, %dma_wait3A_470] : memref<20000x64xi32, #tpu.memory_space<vmem_shared>> -> memref<20000x64xi32, #tpu.memory_space<vmem_shared>>
      tpu.wait_indirect_dma semaphore(%arg12 : memref<!tpu.dma_semaphore, #tpu.memory_space<semaphore_mem>>) src(%dma_wait3A_471 : memref<20000x64xi32, #tpu.memory_space<vmem_shared>>) dst(%dma_wait3A_465 : memref<40x64xi32, #tpu.memory_space<vmem>>)
      %mul3A_472 = arith.constant 40 : i32
      %mul3A_473 = arith.muli %add3A_370, %mul3A_472 : i32
      %add3A_474 = arith.addi %mul3A_2, %mul3A_473 : i32
      %dma_start3A_475 = arith.constant 0 : i32
      %dma_start3A_476 = arith.constant 0 : i32
      %dma_start3A_477 = arith.constant 0 : i32
      %dma_start3A_478 = tpu.memref_slice %arg9[%dma_start3A_475, %dma_start3A_476, %dma_start3A_477] : memref<2x40x64xi32, #tpu.memory_space<vmem>> -> memref<1x40x64xi32, #tpu.memory_space<vmem>>
      %dma_start3A_479 = tpu.memref_squeeze %dma_start3A_478 : memref<1x40x64xi32, #tpu.memory_space<vmem>> -> memref<40x64xi32, #tpu.memory_space<vmem>>
      %dma_start3A_480 = arith.constant 0 : i32
      %dma_start3A_481 = tpu.memref_slice %arg4[%add3A_474, %dma_start3A_480] : memref<160000x128xi32, #tpu.memory_space<hbm>> -> memref<40x64xi32, #tpu.memory_space<hbm>>
      %dma_start3A_482 = arith.constant 0 : i32
      %dma_start3A_483 = tpu.memref_slice %arg4[%add3A_474, %dma_start3A_482] : memref<160000x128xi32, #tpu.memory_space<hbm>> -> memref<40x64xi32, #tpu.memory_space<hbm>>
      %dma_start3A_484 = arith.constant 0 : i32
      %dma_start3A_485 = arith.constant 0 : i32
      %dma_start3A_486 = tpu.memref_slice %arg9[%dma_start3A_475, %dma_start3A_484, %dma_start3A_485] : memref<2x40x64xi32, #tpu.memory_space<vmem>> -> memref<1x40x64xi32, #tpu.memory_space<vmem>>
      %dma_start3A_487 = tpu.memref_squeeze %dma_start3A_486 : memref<1x40x64xi32, #tpu.memory_space<vmem>> -> memref<40x64xi32, #tpu.memory_space<vmem>>
      tpu.enqueue_dma source(%dma_start3A_487 : memref<40x64xi32, #tpu.memory_space<vmem>>) target(%dma_start3A_483 : memref<40x64xi32, #tpu.memory_space<hbm>>) target_semaphore(%arg14 : memref<!tpu.dma_semaphore, #tpu.memory_space<semaphore_mem>>)
      %dma_start3A_488 = arith.constant 1 : i32
      %dma_start3A_489 = arith.constant 0 : i32
      %dma_start3A_490 = arith.constant 0 : i32
      %dma_start3A_491 = tpu.memref_slice %arg9[%dma_start3A_488, %dma_start3A_489, %dma_start3A_490] : memref<2x40x64xi32, #tpu.memory_space<vmem>> -> memref<1x40x64xi32, #tpu.memory_space<vmem>>
      %dma_start3A_492 = tpu.memref_squeeze %dma_start3A_491 : memref<1x40x64xi32, #tpu.memory_space<vmem>> -> memref<40x64xi32, #tpu.memory_space<vmem>>
      %dma_start3A_493 = arith.constant 64 : i32
      %dma_start3A_494 = tpu.memref_slice %arg4[%add3A_474, %dma_start3A_493] : memref<160000x128xi32, #tpu.memory_space<hbm>> -> memref<40x64xi32, #tpu.memory_space<hbm>>
      %dma_start3A_495 = arith.constant 64 : i32
      %dma_start3A_496 = tpu.memref_slice %arg4[%add3A_474, %dma_start3A_495] : memref<160000x128xi32, #tpu.memory_space<hbm>> -> memref<40x64xi32, #tpu.memory_space<hbm>>
      %dma_start3A_497 = arith.constant 0 : i32
      %dma_start3A_498 = arith.constant 0 : i32
      %dma_start3A_499 = tpu.memref_slice %arg9[%dma_start3A_488, %dma_start3A_497, %dma_start3A_498] : memref<2x40x64xi32, #tpu.memory_space<vmem>> -> memref<1x40x64xi32, #tpu.memory_space<vmem>>
      %dma_start3A_500 = tpu.memref_squeeze %dma_start3A_499 : memref<1x40x64xi32, #tpu.memory_space<vmem>> -> memref<40x64xi32, #tpu.memory_space<vmem>>
      tpu.enqueue_dma source(%dma_start3A_500 : memref<40x64xi32, #tpu.memory_space<vmem>>) target(%dma_start3A_496 : memref<40x64xi32, #tpu.memory_space<hbm>>) target_semaphore(%arg14 : memref<!tpu.dma_semaphore, #tpu.memory_space<semaphore_mem>>)
    }
    %scan3A_36 = arith.constant 62 : i32
    %add3A_37 = arith.constant 0 : i32
    %add3A_38 = arith.addi %add3A_37, %mul3A_2 : i32
    %add3A_39 = arith.constant 4960 : i32
    %add3A_40 = arith.addi %add3A_38, %add3A_39 : i32
    %dma_wait3A = arith.constant 0 : i32
    %dma_wait3A_41 = arith.constant 0 : i32
    %dma_wait3A_42 = arith.constant 0 : i32
    %dma_wait3A_43 = tpu.memref_slice %arg6[%dma_wait3A_41, %dma_wait3A_42] : memref<2x40xi32, #tpu.memory_space<vmem>> -> memref<1x40xi32, #tpu.memory_space<vmem>>
    %dma_wait3A_44 = tpu.memref_squeeze %dma_wait3A_43 : memref<1x40xi32, #tpu.memory_space<vmem>> -> memref<40xi32, #tpu.memory_space<vmem>>
    %dma_wait3A_45 = tpu.memref_slice %arg3[%dma_wait3A, %add3A_40] : memref<2x320000xi32, #tpu.memory_space<hbm>> -> memref<1x40xi32, #tpu.memory_space<hbm>>
    %dma_wait3A_46 = tpu.memref_squeeze %dma_wait3A_45 : memref<1x40xi32, #tpu.memory_space<hbm>> -> memref<40xi32, #tpu.memory_space<hbm>>
    %dma_wait3A_47 = arith.constant 0 : i32
    %dma_wait3A_48 = tpu.memref_slice %arg6[%dma_wait3A_41, %dma_wait3A_47] : memref<2x40xi32, #tpu.memory_space<vmem>> -> memref<1x40xi32, #tpu.memory_space<vmem>>
    %dma_wait3A_49 = tpu.memref_squeeze %dma_wait3A_48 : memref<1x40xi32, #tpu.memory_space<vmem>> -> memref<40xi32, #tpu.memory_space<vmem>>
    %dma_wait3A_50 = tpu.memref_slice %arg3[%dma_wait3A, %add3A_40] : memref<2x320000xi32, #tpu.memory_space<hbm>> -> memref<1x40xi32, #tpu.memory_space<hbm>>
    %dma_wait3A_51 = tpu.memref_squeeze %dma_wait3A_50 : memref<1x40xi32, #tpu.memory_space<hbm>> -> memref<40xi32, #tpu.memory_space<hbm>>
    tpu.wait_dma2 semaphore(%arg10 : memref<!tpu.dma_semaphore, #tpu.memory_space<semaphore_mem>>) src(%dma_wait3A_51 : memref<40xi32, #tpu.memory_space<hbm>>) dst(%dma_wait3A_49 : memref<40xi32, #tpu.memory_space<vmem>>)
    %dma_wait3A_52 = arith.constant 1 : i32
    %dma_wait3A_53 = arith.constant 1 : i32
    %dma_wait3A_54 = arith.constant 0 : i32
    %dma_wait3A_55 = tpu.memref_slice %arg6[%dma_wait3A_53, %dma_wait3A_54] : memref<2x40xi32, #tpu.memory_space<vmem>> -> memref<1x40xi32, #tpu.memory_space<vmem>>
    %dma_wait3A_56 = tpu.memref_squeeze %dma_wait3A_55 : memref<1x40xi32, #tpu.memory_space<vmem>> -> memref<40xi32, #tpu.memory_space<vmem>>
    %dma_wait3A_57 = tpu.memref_slice %arg3[%dma_wait3A_52, %add3A_40] : memref<2x320000xi32, #tpu.memory_space<hbm>> -> memref<1x40xi32, #tpu.memory_space<hbm>>
    %dma_wait3A_58 = tpu.memref_squeeze %dma_wait3A_57 : memref<1x40xi32, #tpu.memory_space<hbm>> -> memref<40xi32, #tpu.memory_space<hbm>>
    %dma_wait3A_59 = arith.constant 0 : i32
    %dma_wait3A_60 = tpu.memref_slice %arg6[%dma_wait3A_53, %dma_wait3A_59] : memref<2x40xi32, #tpu.memory_space<vmem>> -> memref<1x40xi32, #tpu.memory_space<vmem>>
    %dma_wait3A_61 = tpu.memref_squeeze %dma_wait3A_60 : memref<1x40xi32, #tpu.memory_space<vmem>> -> memref<40xi32, #tpu.memory_space<vmem>>
    %dma_wait3A_62 = tpu.memref_slice %arg3[%dma_wait3A_52, %add3A_40] : memref<2x320000xi32, #tpu.memory_space<hbm>> -> memref<1x40xi32, #tpu.memory_space<hbm>>
    %dma_wait3A_63 = tpu.memref_squeeze %dma_wait3A_62 : memref<1x40xi32, #tpu.memory_space<hbm>> -> memref<40xi32, #tpu.memory_space<hbm>>
    tpu.wait_dma2 semaphore(%arg10 : memref<!tpu.dma_semaphore, #tpu.memory_space<semaphore_mem>>) src(%dma_wait3A_63 : memref<40xi32, #tpu.memory_space<hbm>>) dst(%dma_wait3A_61 : memref<40xi32, #tpu.memory_space<vmem>>)
    %add3A_64 = arith.constant 4880 : i32
    %add3A_65 = arith.addi %mul3A_2, %add3A_64 : i32
    %dma_wait3A_66 = arith.constant 0 : i32
    %dma_wait3A_67 = arith.constant 0 : i32
    %dma_wait3A_68 = arith.constant 0 : i32
    %dma_wait3A_69 = tpu.memref_slice %arg8[%dma_wait3A_66, %dma_wait3A_67, %dma_wait3A_68] : memref<2x40x64xi32, #tpu.memory_space<vmem>> -> memref<1x40x64xi32, #tpu.memory_space<vmem>>
    %dma_wait3A_70 = tpu.memref_squeeze %dma_wait3A_69 : memref<1x40x64xi32, #tpu.memory_space<vmem>> -> memref<40x64xi32, #tpu.memory_space<vmem>>
    %dma_wait3A_71 = arith.constant 0 : i32
    %dma_wait3A_72 = tpu.memref_slice %arg4[%add3A_65, %dma_wait3A_71] : memref<160000x128xi32, #tpu.memory_space<hbm>> -> memref<40x64xi32, #tpu.memory_space<hbm>>
    %dma_wait3A_73 = arith.constant 0 : i32
    %dma_wait3A_74 = tpu.memref_slice %arg4[%add3A_65, %dma_wait3A_73] : memref<160000x128xi32, #tpu.memory_space<hbm>> -> memref<40x64xi32, #tpu.memory_space<hbm>>
    %dma_wait3A_75 = arith.constant 0 : i32
    %dma_wait3A_76 = arith.constant 0 : i32
    %dma_wait3A_77 = tpu.memref_slice %arg8[%dma_wait3A_66, %dma_wait3A_75, %dma_wait3A_76] : memref<2x40x64xi32, #tpu.memory_space<vmem>> -> memref<1x40x64xi32, #tpu.memory_space<vmem>>
    %dma_wait3A_78 = tpu.memref_squeeze %dma_wait3A_77 : memref<1x40x64xi32, #tpu.memory_space<vmem>> -> memref<40x64xi32, #tpu.memory_space<vmem>>
    tpu.wait_dma2 semaphore(%arg13 : memref<!tpu.dma_semaphore, #tpu.memory_space<semaphore_mem>>) src(%dma_wait3A_78 : memref<40x64xi32, #tpu.memory_space<vmem>>) dst(%dma_wait3A_74 : memref<40x64xi32, #tpu.memory_space<hbm>>)
    %dma_wait3A_79 = arith.constant 1 : i32
    %dma_wait3A_80 = arith.constant 0 : i32
    %dma_wait3A_81 = arith.constant 0 : i32
    %dma_wait3A_82 = tpu.memref_slice %arg8[%dma_wait3A_79, %dma_wait3A_80, %dma_wait3A_81] : memref<2x40x64xi32, #tpu.memory_space<vmem>> -> memref<1x40x64xi32, #tpu.memory_space<vmem>>
    %dma_wait3A_83 = tpu.memref_squeeze %dma_wait3A_82 : memref<1x40x64xi32, #tpu.memory_space<vmem>> -> memref<40x64xi32, #tpu.memory_space<vmem>>
    %dma_wait3A_84 = arith.constant 64 : i32
    %dma_wait3A_85 = tpu.memref_slice %arg4[%add3A_65, %dma_wait3A_84] : memref<160000x128xi32, #tpu.memory_space<hbm>> -> memref<40x64xi32, #tpu.memory_space<hbm>>
    %dma_wait3A_86 = arith.constant 64 : i32
    %dma_wait3A_87 = tpu.memref_slice %arg4[%add3A_65, %dma_wait3A_86] : memref<160000x128xi32, #tpu.memory_space<hbm>> -> memref<40x64xi32, #tpu.memory_space<hbm>>
    %dma_wait3A_88 = arith.constant 0 : i32
    %dma_wait3A_89 = arith.constant 0 : i32
    %dma_wait3A_90 = tpu.memref_slice %arg8[%dma_wait3A_79, %dma_wait3A_88, %dma_wait3A_89] : memref<2x40x64xi32, #tpu.memory_space<vmem>> -> memref<1x40x64xi32, #tpu.memory_space<vmem>>
    %dma_wait3A_91 = tpu.memref_squeeze %dma_wait3A_90 : memref<1x40x64xi32, #tpu.memory_space<vmem>> -> memref<40x64xi32, #tpu.memory_space<vmem>>
    tpu.wait_dma2 semaphore(%arg13 : memref<!tpu.dma_semaphore, #tpu.memory_space<semaphore_mem>>) src(%dma_wait3A_91 : memref<40x64xi32, #tpu.memory_space<vmem>>) dst(%dma_wait3A_87 : memref<40x64xi32, #tpu.memory_space<hbm>>)
    %dma_start3A_92 = arith.constant 0 : i32
    %dma_start3A_93 = arith.constant 0 : i32
    %dma_start3A_94 = arith.constant 0 : i32
    %dma_start3A_95 = arith.constant 0 : i32
    %dma_start3A_96 = tpu.memref_slice %arg8[%dma_start3A_93, %dma_start3A_94, %dma_start3A_95] : memref<2x40x64xi32, #tpu.memory_space<vmem>> -> memref<1x40x64xi32, #tpu.memory_space<vmem>>
    %dma_start3A_97 = tpu.memref_squeeze %dma_start3A_96 : memref<1x40x64xi32, #tpu.memory_space<vmem>> -> memref<40x64xi32, #tpu.memory_space<vmem>>
    %dma_start3A_98 = arith.constant 0 : i32
    %dma_start3A_99 = arith.constant 0 : i32
    %dma_start3A_100 = tpu.memref_slice %dma_start3A_97[%dma_start3A_98, %dma_start3A_99] : memref<40x64xi32, #tpu.memory_space<vmem>> -> memref<40x64xi32, #tpu.memory_space<vmem>>
    %dma_start3A_101 = arith.constant 0 : i32
    %dma_start3A_102 = tpu.memref_slice %arg6[%dma_start3A_92, %dma_start3A_101] : memref<2x40xi32, #tpu.memory_space<vmem>> -> memref<1x40xi32, #tpu.memory_space<vmem>>
    %dma_start3A_103 = tpu.memref_squeeze %dma_start3A_102 : memref<1x40xi32, #tpu.memory_space<vmem>> -> memref<40xi32, #tpu.memory_space<vmem>>
    %dma_start3A_104 = arith.constant 0 : i32
    %dma_start3A_105 = arith.constant 0 : i32
    %dma_start3A_106 = tpu.memref_slice %arg5[%dma_start3A_104, %dma_start3A_105] : memref<20000x64xi32, #tpu.memory_space<vmem_shared>> -> memref<20000x64xi32, #tpu.memory_space<vmem_shared>>
    tpu.enqueue_indirect_dma source(%dma_start3A_106 : memref<20000x64xi32, #tpu.memory_space<vmem_shared>>) target(%dma_start3A_100 : memref<40x64xi32, #tpu.memory_space<vmem>>) offsets(%dma_start3A_103 : memref<40xi32, #tpu.memory_space<vmem>>) semaphore(%arg12 : memref<!tpu.dma_semaphore, #tpu.memory_space<semaphore_mem>>)
    %dma_start3A_107 = arith.constant 1 : i32
    %dma_start3A_108 = arith.constant 1 : i32
    %dma_start3A_109 = arith.constant 0 : i32
    %dma_start3A_110 = arith.constant 0 : i32
    %dma_start3A_111 = tpu.memref_slice %arg8[%dma_start3A_108, %dma_start3A_109, %dma_start3A_110] : memref<2x40x64xi32, #tpu.memory_space<vmem>> -> memref<1x40x64xi32, #tpu.memory_space<vmem>>
    %dma_start3A_112 = tpu.memref_squeeze %dma_start3A_111 : memref<1x40x64xi32, #tpu.memory_space<vmem>> -> memref<40x64xi32, #tpu.memory_space<vmem>>
    %dma_start3A_113 = arith.constant 0 : i32
    %dma_start3A_114 = arith.constant 0 : i32
    %dma_start3A_115 = tpu.memref_slice %dma_start3A_112[%dma_start3A_113, %dma_start3A_114] : memref<40x64xi32, #tpu.memory_space<vmem>> -> memref<40x64xi32, #tpu.memory_space<vmem>>
    %dma_start3A_116 = arith.constant 0 : i32
    %dma_start3A_117 = tpu.memref_slice %arg6[%dma_start3A_107, %dma_start3A_116] : memref<2x40xi32, #tpu.memory_space<vmem>> -> memref<1x40xi32, #tpu.memory_space<vmem>>
    %dma_start3A_118 = tpu.memref_squeeze %dma_start3A_117 : memref<1x40xi32, #tpu.memory_space<vmem>> -> memref<40xi32, #tpu.memory_space<vmem>>
    %dma_start3A_119 = arith.constant 0 : i32
    %dma_start3A_120 = arith.constant 0 : i32
    %dma_start3A_121 = tpu.memref_slice %arg5[%dma_start3A_119, %dma_start3A_120] : memref<20000x64xi32, #tpu.memory_space<vmem_shared>> -> memref<20000x64xi32, #tpu.memory_space<vmem_shared>>
    tpu.enqueue_indirect_dma source(%dma_start3A_121 : memref<20000x64xi32, #tpu.memory_space<vmem_shared>>) target(%dma_start3A_115 : memref<40x64xi32, #tpu.memory_space<vmem>>) offsets(%dma_start3A_118 : memref<40xi32, #tpu.memory_space<vmem>>) semaphore(%arg12 : memref<!tpu.dma_semaphore, #tpu.memory_space<semaphore_mem>>)
    %dma_wait3A_122 = arith.constant 0 : i32
    %dma_wait3A_123 = arith.constant 0 : i32
    %dma_wait3A_124 = arith.constant 0 : i32
    %dma_wait3A_125 = arith.constant 0 : i32
    %dma_wait3A_126 = tpu.memref_slice %arg8[%dma_wait3A_123, %dma_wait3A_124, %dma_wait3A_125] : memref<2x40x64xi32, #tpu.memory_space<vmem>> -> memref<1x40x64xi32, #tpu.memory_space<vmem>>
    %dma_wait3A_127 = tpu.memref_squeeze %dma_wait3A_126 : memref<1x40x64xi32, #tpu.memory_space<vmem>> -> memref<40x64xi32, #tpu.memory_space<vmem>>
    %dma_wait3A_128 = arith.constant 0 : i32
    %dma_wait3A_129 = arith.constant 0 : i32
    %dma_wait3A_130 = tpu.memref_slice %dma_wait3A_127[%dma_wait3A_128, %dma_wait3A_129] : memref<40x64xi32, #tpu.memory_space<vmem>> -> memref<40x64xi32, #tpu.memory_space<vmem>>
    %dma_wait3A_131 = arith.constant 0 : i32
    %dma_wait3A_132 = tpu.memref_slice %arg6[%dma_wait3A_122, %dma_wait3A_131] : memref<2x40xi32, #tpu.memory_space<vmem>> -> memref<1x40xi32, #tpu.memory_space<vmem>>
    %dma_wait3A_133 = tpu.memref_squeeze %dma_wait3A_132 : memref<1x40xi32, #tpu.memory_space<vmem>> -> memref<40xi32, #tpu.memory_space<vmem>>
    %dma_wait3A_134 = arith.constant 0 : i32
    %dma_wait3A_135 = arith.constant 0 : i32
    %dma_wait3A_136 = tpu.memref_slice %arg5[%dma_wait3A_134, %dma_wait3A_135] : memref<20000x64xi32, #tpu.memory_space<vmem_shared>> -> memref<20000x64xi32, #tpu.memory_space<vmem_shared>>
    tpu.wait_indirect_dma semaphore(%arg12 : memref<!tpu.dma_semaphore, #tpu.memory_space<semaphore_mem>>) src(%dma_wait3A_136 : memref<20000x64xi32, #tpu.memory_space<vmem_shared>>) dst(%dma_wait3A_130 : memref<40x64xi32, #tpu.memory_space<vmem>>)
    %dma_wait3A_137 = arith.constant 1 : i32
    %dma_wait3A_138 = arith.constant 1 : i32
    %dma_wait3A_139 = arith.constant 0 : i32
    %dma_wait3A_140 = arith.constant 0 : i32
    %dma_wait3A_141 = tpu.memref_slice %arg8[%dma_wait3A_138, %dma_wait3A_139, %dma_wait3A_140] : memref<2x40x64xi32, #tpu.memory_space<vmem>> -> memref<1x40x64xi32, #tpu.memory_space<vmem>>
    %dma_wait3A_142 = tpu.memref_squeeze %dma_wait3A_141 : memref<1x40x64xi32, #tpu.memory_space<vmem>> -> memref<40x64xi32, #tpu.memory_space<vmem>>
    %dma_wait3A_143 = arith.constant 0 : i32
    %dma_wait3A_144 = arith.constant 0 : i32
    %dma_wait3A_145 = tpu.memref_slice %dma_wait3A_142[%dma_wait3A_143, %dma_wait3A_144] : memref<40x64xi32, #tpu.memory_space<vmem>> -> memref<40x64xi32, #tpu.memory_space<vmem>>
    %dma_wait3A_146 = arith.constant 0 : i32
    %dma_wait3A_147 = tpu.memref_slice %arg6[%dma_wait3A_137, %dma_wait3A_146] : memref<2x40xi32, #tpu.memory_space<vmem>> -> memref<1x40xi32, #tpu.memory_space<vmem>>
    %dma_wait3A_148 = tpu.memref_squeeze %dma_wait3A_147 : memref<1x40xi32, #tpu.memory_space<vmem>> -> memref<40xi32, #tpu.memory_space<vmem>>
    %dma_wait3A_149 = arith.constant 0 : i32
    %dma_wait3A_150 = arith.constant 0 : i32
    %dma_wait3A_151 = tpu.memref_slice %arg5[%dma_wait3A_149, %dma_wait3A_150] : memref<20000x64xi32, #tpu.memory_space<vmem_shared>> -> memref<20000x64xi32, #tpu.memory_space<vmem_shared>>
    tpu.wait_indirect_dma semaphore(%arg12 : memref<!tpu.dma_semaphore, #tpu.memory_space<semaphore_mem>>) src(%dma_wait3A_151 : memref<20000x64xi32, #tpu.memory_space<vmem_shared>>) dst(%dma_wait3A_145 : memref<40x64xi32, #tpu.memory_space<vmem>>)
    %add3A_152 = arith.constant 4960 : i32
    %add3A_153 = arith.addi %mul3A_2, %add3A_152 : i32
    %dma_start3A_154 = arith.constant 0 : i32
    %dma_start3A_155 = arith.constant 0 : i32
    %dma_start3A_156 = arith.constant 0 : i32
    %dma_start3A_157 = tpu.memref_slice %arg8[%dma_start3A_154, %dma_start3A_155, %dma_start3A_156] : memref<2x40x64xi32, #tpu.memory_space<vmem>> -> memref<1x40x64xi32, #tpu.memory_space<vmem>>
    %dma_start3A_158 = tpu.memref_squeeze %dma_start3A_157 : memref<1x40x64xi32, #tpu.memory_space<vmem>> -> memref<40x64xi32, #tpu.memory_space<vmem>>
    %dma_start3A_159 = arith.constant 0 : i32
    %dma_start3A_160 = tpu.memref_slice %arg4[%add3A_153, %dma_start3A_159] : memref<160000x128xi32, #tpu.memory_space<hbm>> -> memref<40x64xi32, #tpu.memory_space<hbm>>
    %dma_start3A_161 = arith.constant 0 : i32
    %dma_start3A_162 = tpu.memref_slice %arg4[%add3A_153, %dma_start3A_161] : memref<160000x128xi32, #tpu.memory_space<hbm>> -> memref<40x64xi32, #tpu.memory_space<hbm>>
    %dma_start3A_163 = arith.constant 0 : i32
    %dma_start3A_164 = arith.constant 0 : i32
    %dma_start3A_165 = tpu.memref_slice %arg8[%dma_start3A_154, %dma_start3A_163, %dma_start3A_164] : memref<2x40x64xi32, #tpu.memory_space<vmem>> -> memref<1x40x64xi32, #tpu.memory_space<vmem>>
    %dma_start3A_166 = tpu.memref_squeeze %dma_start3A_165 : memref<1x40x64xi32, #tpu.memory_space<vmem>> -> memref<40x64xi32, #tpu.memory_space<vmem>>
    tpu.enqueue_dma source(%dma_start3A_166 : memref<40x64xi32, #tpu.memory_space<vmem>>) target(%dma_start3A_162 : memref<40x64xi32, #tpu.memory_space<hbm>>) target_semaphore(%arg13 : memref<!tpu.dma_semaphore, #tpu.memory_space<semaphore_mem>>)
    %dma_start3A_167 = arith.constant 1 : i32
    %dma_start3A_168 = arith.constant 0 : i32
    %dma_start3A_169 = arith.constant 0 : i32
    %dma_start3A_170 = tpu.memref_slice %arg8[%dma_start3A_167, %dma_start3A_168, %dma_start3A_169] : memref<2x40x64xi32, #tpu.memory_space<vmem>> -> memref<1x40x64xi32, #tpu.memory_space<vmem>>
    %dma_start3A_171 = tpu.memref_squeeze %dma_start3A_170 : memref<1x40x64xi32, #tpu.memory_space<vmem>> -> memref<40x64xi32, #tpu.memory_space<vmem>>
    %dma_start3A_172 = arith.constant 64 : i32
    %dma_start3A_173 = tpu.memref_slice %arg4[%add3A_153, %dma_start3A_172] : memref<160000x128xi32, #tpu.memory_space<hbm>> -> memref<40x64xi32, #tpu.memory_space<hbm>>
    %dma_start3A_174 = arith.constant 64 : i32
    %dma_start3A_175 = tpu.memref_slice %arg4[%add3A_153, %dma_start3A_174] : memref<160000x128xi32, #tpu.memory_space<hbm>> -> memref<40x64xi32, #tpu.memory_space<hbm>>
    %dma_start3A_176 = arith.constant 0 : i32
    %dma_start3A_177 = arith.constant 0 : i32
    %dma_start3A_178 = tpu.memref_slice %arg8[%dma_start3A_167, %dma_start3A_176, %dma_start3A_177] : memref<2x40x64xi32, #tpu.memory_space<vmem>> -> memref<1x40x64xi32, #tpu.memory_space<vmem>>
    %dma_start3A_179 = tpu.memref_squeeze %dma_start3A_178 : memref<1x40x64xi32, #tpu.memory_space<vmem>> -> memref<40x64xi32, #tpu.memory_space<vmem>>
    tpu.enqueue_dma source(%dma_start3A_179 : memref<40x64xi32, #tpu.memory_space<vmem>>) target(%dma_start3A_175 : memref<40x64xi32, #tpu.memory_space<hbm>>) target_semaphore(%arg13 : memref<!tpu.dma_semaphore, #tpu.memory_space<semaphore_mem>>)
    %add3A_180 = arith.constant 4920 : i32
    %add3A_181 = arith.addi %mul3A_2, %add3A_180 : i32
    %dma_wait3A_182 = arith.constant 0 : i32
    %dma_wait3A_183 = arith.constant 0 : i32
    %dma_wait3A_184 = arith.constant 0 : i32
    %dma_wait3A_185 = tpu.memref_slice %arg9[%dma_wait3A_182, %dma_wait3A_183, %dma_wait3A_184] : memref<2x40x64xi32, #tpu.memory_space<vmem>> -> memref<1x40x64xi32, #tpu.memory_space<vmem>>
    %dma_wait3A_186 = tpu.memref_squeeze %dma_wait3A_185 : memref<1x40x64xi32, #tpu.memory_space<vmem>> -> memref<40x64xi32, #tpu.memory_space<vmem>>
    %dma_wait3A_187 = arith.constant 0 : i32
    %dma_wait3A_188 = tpu.memref_slice %arg4[%add3A_181, %dma_wait3A_187] : memref<160000x128xi32, #tpu.memory_space<hbm>> -> memref<40x64xi32, #tpu.memory_space<hbm>>
    %dma_wait3A_189 = arith.constant 0 : i32
    %dma_wait3A_190 = tpu.memref_slice %arg4[%add3A_181, %dma_wait3A_189] : memref<160000x128xi32, #tpu.memory_space<hbm>> -> memref<40x64xi32, #tpu.memory_space<hbm>>
    %dma_wait3A_191 = arith.constant 0 : i32
    %dma_wait3A_192 = arith.constant 0 : i32
    %dma_wait3A_193 = tpu.memref_slice %arg9[%dma_wait3A_182, %dma_wait3A_191, %dma_wait3A_192] : memref<2x40x64xi32, #tpu.memory_space<vmem>> -> memref<1x40x64xi32, #tpu.memory_space<vmem>>
    %dma_wait3A_194 = tpu.memref_squeeze %dma_wait3A_193 : memref<1x40x64xi32, #tpu.memory_space<vmem>> -> memref<40x64xi32, #tpu.memory_space<vmem>>
    tpu.wait_dma2 semaphore(%arg14 : memref<!tpu.dma_semaphore, #tpu.memory_space<semaphore_mem>>) src(%dma_wait3A_194 : memref<40x64xi32, #tpu.memory_space<vmem>>) dst(%dma_wait3A_190 : memref<40x64xi32, #tpu.memory_space<hbm>>)
    %dma_wait3A_195 = arith.constant 1 : i32
    %dma_wait3A_196 = arith.constant 0 : i32
    %dma_wait3A_197 = arith.constant 0 : i32
    %dma_wait3A_198 = tpu.memref_slice %arg9[%dma_wait3A_195, %dma_wait3A_196, %dma_wait3A_197] : memref<2x40x64xi32, #tpu.memory_space<vmem>> -> memref<1x40x64xi32, #tpu.memory_space<vmem>>
    %dma_wait3A_199 = tpu.memref_squeeze %dma_wait3A_198 : memref<1x40x64xi32, #tpu.memory_space<vmem>> -> memref<40x64xi32, #tpu.memory_space<vmem>>
    %dma_wait3A_200 = arith.constant 64 : i32
    %dma_wait3A_201 = tpu.memref_slice %arg4[%add3A_181, %dma_wait3A_200] : memref<160000x128xi32, #tpu.memory_space<hbm>> -> memref<40x64xi32, #tpu.memory_space<hbm>>
    %dma_wait3A_202 = arith.constant 64 : i32
    %dma_wait3A_203 = tpu.memref_slice %arg4[%add3A_181, %dma_wait3A_202] : memref<160000x128xi32, #tpu.memory_space<hbm>> -> memref<40x64xi32, #tpu.memory_space<hbm>>
    %dma_wait3A_204 = arith.constant 0 : i32
    %dma_wait3A_205 = arith.constant 0 : i32
    %dma_wait3A_206 = tpu.memref_slice %arg9[%dma_wait3A_195, %dma_wait3A_204, %dma_wait3A_205] : memref<2x40x64xi32, #tpu.memory_space<vmem>> -> memref<1x40x64xi32, #tpu.memory_space<vmem>>
    %dma_wait3A_207 = tpu.memref_squeeze %dma_wait3A_206 : memref<1x40x64xi32, #tpu.memory_space<vmem>> -> memref<40x64xi32, #tpu.memory_space<vmem>>
    tpu.wait_dma2 semaphore(%arg14 : memref<!tpu.dma_semaphore, #tpu.memory_space<semaphore_mem>>) src(%dma_wait3A_207 : memref<40x64xi32, #tpu.memory_space<vmem>>) dst(%dma_wait3A_203 : memref<40x64xi32, #tpu.memory_space<hbm>>)
    %add3A_208 = arith.constant 4960 : i32
    %add3A_209 = arith.addi %mul3A_2, %add3A_208 : i32
    %dma_wait3A_210 = arith.constant 0 : i32
    %dma_wait3A_211 = arith.constant 0 : i32
    %dma_wait3A_212 = arith.constant 0 : i32
    %dma_wait3A_213 = tpu.memref_slice %arg8[%dma_wait3A_210, %dma_wait3A_211, %dma_wait3A_212] : memref<2x40x64xi32, #tpu.memory_space<vmem>> -> memref<1x40x64xi32, #tpu.memory_space<vmem>>
    %dma_wait3A_214 = tpu.memref_squeeze %dma_wait3A_213 : memref<1x40x64xi32, #tpu.memory_space<vmem>> -> memref<40x64xi32, #tpu.memory_space<vmem>>
    %dma_wait3A_215 = arith.constant 0 : i32
    %dma_wait3A_216 = tpu.memref_slice %arg4[%add3A_209, %dma_wait3A_215] : memref<160000x128xi32, #tpu.memory_space<hbm>> -> memref<40x64xi32, #tpu.memory_space<hbm>>
    %dma_wait3A_217 = arith.constant 0 : i32
    %dma_wait3A_218 = tpu.memref_slice %arg4[%add3A_209, %dma_wait3A_217] : memref<160000x128xi32, #tpu.memory_space<hbm>> -> memref<40x64xi32, #tpu.memory_space<hbm>>
    %dma_wait3A_219 = arith.constant 0 : i32
    %dma_wait3A_220 = arith.constant 0 : i32
    %dma_wait3A_221 = tpu.memref_slice %arg8[%dma_wait3A_210, %dma_wait3A_219, %dma_wait3A_220] : memref<2x40x64xi32, #tpu.memory_space<vmem>> -> memref<1x40x64xi32, #tpu.memory_space<vmem>>
    %dma_wait3A_222 = tpu.memref_squeeze %dma_wait3A_221 : memref<1x40x64xi32, #tpu.memory_space<vmem>> -> memref<40x64xi32, #tpu.memory_space<vmem>>
    tpu.wait_dma2 semaphore(%arg13 : memref<!tpu.dma_semaphore, #tpu.memory_space<semaphore_mem>>) src(%dma_wait3A_222 : memref<40x64xi32, #tpu.memory_space<vmem>>) dst(%dma_wait3A_218 : memref<40x64xi32, #tpu.memory_space<hbm>>)
    %dma_wait3A_223 = arith.constant 1 : i32
    %dma_wait3A_224 = arith.constant 0 : i32
    %dma_wait3A_225 = arith.constant 0 : i32
    %dma_wait3A_226 = tpu.memref_slice %arg8[%dma_wait3A_223, %dma_wait3A_224, %dma_wait3A_225] : memref<2x40x64xi32, #tpu.memory_space<vmem>> -> memref<1x40x64xi32, #tpu.memory_space<vmem>>
    %dma_wait3A_227 = tpu.memref_squeeze %dma_wait3A_226 : memref<1x40x64xi32, #tpu.memory_space<vmem>> -> memref<40x64xi32, #tpu.memory_space<vmem>>
    %dma_wait3A_228 = arith.constant 64 : i32
    %dma_wait3A_229 = tpu.memref_slice %arg4[%add3A_209, %dma_wait3A_228] : memref<160000x128xi32, #tpu.memory_space<hbm>> -> memref<40x64xi32, #tpu.memory_space<hbm>>
    %dma_wait3A_230 = arith.constant 64 : i32
    %dma_wait3A_231 = tpu.memref_slice %arg4[%add3A_209, %dma_wait3A_230] : memref<160000x128xi32, #tpu.memory_space<hbm>> -> memref<40x64xi32, #tpu.memory_space<hbm>>
    %dma_wait3A_232 = arith.constant 0 : i32
    %dma_wait3A_233 = arith.constant 0 : i32
    %dma_wait3A_234 = tpu.memref_slice %arg8[%dma_wait3A_223, %dma_wait3A_232, %dma_wait3A_233] : memref<2x40x64xi32, #tpu.memory_space<vmem>> -> memref<1x40x64xi32, #tpu.memory_space<vmem>>
    %dma_wait3A_235 = tpu.memref_squeeze %dma_wait3A_234 : memref<1x40x64xi32, #tpu.memory_space<vmem>> -> memref<40x64xi32, #tpu.memory_space<vmem>>
    tpu.wait_dma2 semaphore(%arg13 : memref<!tpu.dma_semaphore, #tpu.memory_space<semaphore_mem>>) src(%dma_wait3A_235 : memref<40x64xi32, #tpu.memory_space<vmem>>) dst(%dma_wait3A_231 : memref<40x64xi32, #tpu.memory_space<hbm>>)
    return
  }
}

#map = affine_map<(d0, d1) -> (0, 0)>
module attributes {stable_mosaic.version = 14 : i64} {
  func.func @_gather_body(%arg0: i32, %arg1: i32, %arg2: memref<20000x64xi32, #tpu.memory_space<hbm>>, %arg3: memref<2x320000xi32, #tpu.memory_space<hbm>>, %arg4: memref<160000x128xi32, #tpu.memory_space<hbm>>, %arg5: memref<20000x64xi32, #tpu.memory_space<vmem_shared>>, %arg6: memref<2x40xi32, #tpu.memory_space<vmem>>, %arg7: memref<2x40xi32, #tpu.memory_space<vmem>>, %arg8: memref<2x40x64xi32, #tpu.memory_space<vmem>>, %arg9: memref<2x40x64xi32, #tpu.memory_space<vmem>>, %arg10: memref<!tpu.dma_semaphore, #tpu.memory_space<semaphore_mem>>, %arg11: memref<!tpu.dma_semaphore, #tpu.memory_space<semaphore_mem>>, %arg12: memref<!tpu.dma_semaphore, #tpu.memory_space<semaphore_mem>>, %arg13: memref<!tpu.dma_semaphore, #tpu.memory_space<semaphore_mem>>, %arg14: memref<!tpu.dma_semaphore, #tpu.memory_space<semaphore_mem>>) attributes {dimension_semantics = [#tpu.dimension_semantics<core_parallel>, #tpu.dimension_semantics<subcore_parallel>], iteration_bounds = array<i64: 2, 16>, scalar_prefetch = 0 : i64, scratch_operands = 10 : i64, tpu.core_type = #tpu.core_type<sc_vector_subcore>, window_params = [{transform_indices = #map}, {transform_indices = #map}, {transform_indices = #map}]} {
    %mul3A = arith.constant 2 : i32
    %mul3A_0 = arith.muli %arg1, %mul3A : i32
    %add3A = arith.addi %mul3A_0, %arg0 : i32
    %mul3A_1 = arith.constant 5000 : i32
    %mul3A_2 = arith.muli %add3A, %mul3A_1 : i32
    %eq3A = arith.constant 0 : i32
    %eq3A_3 = arith.cmpi eq, %arg1, %eq3A : i32
    %convert_element_type3A = arith.extui %eq3A_3 : i1 to i32
    %cond3A = arith.constant 0 : i32
    %cond3A_4 = arith.cmpi ne, %convert_element_type3A, %cond3A : i32
    scf.if %cond3A_4 {
      "tpu.region"() ({
        %run_scoped3A = tpu.sem_alloc : memref<!tpu.dma_semaphore, #tpu.memory_space<semaphore_mem>>
        tpu.enqueue_dma source(%arg2 : memref<20000x64xi32, #tpu.memory_space<hbm>>) target(%arg5 : memref<20000x64xi32, #tpu.memory_space<vmem_shared>>) target_semaphore(%run_scoped3A : memref<!tpu.dma_semaphore, #tpu.memory_space<semaphore_mem>>)
        tpu.wait_dma2 semaphore(%run_scoped3A : memref<!tpu.dma_semaphore, #tpu.memory_space<semaphore_mem>>) src(%arg2 : memref<20000x64xi32, #tpu.memory_space<hbm>>) dst(%arg5 : memref<20000x64xi32, #tpu.memory_space<vmem_shared>>)
        tpu.yield
      }) : () -> ()
    } else {
    }
    %barrier3A = arith.constant 0 : index
    tpu.barrier barrier_id(%barrier3A)
    %add3A_5 = arith.constant 160000 : i32
    %add3A_6 = arith.addi %add3A_5, %mul3A_2 : i32
    %add3A_7 = arith.constant 0 : i32
    %add3A_8 = arith.addi %add3A_6, %add3A_7 : i32
    %dma_start3A = arith.constant 0 : i32
    %dma_start3A_9 = arith.constant 0 : i32
    %dma_start3A_10 = arith.constant 0 : i32
    %dma_start3A_11 = tpu.memref_slice %arg6[%dma_start3A_9, %dma_start3A_10] : memref<2x40xi32, #tpu.memory_space<vmem>> -> memref<1x40xi32, #tpu.memory_space<vmem>>
    %dma_start3A_12 = tpu.memref_squeeze %dma_start3A_11 : memref<1x40xi32, #tpu.memory_space<vmem>> -> memref<40xi32, #tpu.memory_space<vmem>>
    %dma_start3A_13 = tpu.memref_slice %arg3[%dma_start3A, %add3A_8] : memref<2x320000xi32, #tpu.memory_space<hbm>> -> memref<1x40xi32, #tpu.memory_space<hbm>>
    %dma_start3A_14 = tpu.memref_squeeze %dma_start3A_13 : memref<1x40xi32, #tpu.memory_space<hbm>> -> memref<40xi32, #tpu.memory_space<hbm>>
    %dma_start3A_15 = arith.constant 0 : i32
    %dma_start3A_16 = tpu.memref_slice %arg6[%dma_start3A_9, %dma_start3A_15] : memref<2x40xi32, #tpu.memory_space<vmem>> -> memref<1x40xi32, #tpu.memory_space<vmem>>
    %dma_start3A_17 = tpu.memref_squeeze %dma_start3A_16 : memref<1x40xi32, #tpu.memory_space<vmem>> -> memref<40xi32, #tpu.memory_space<vmem>>
    %dma_start3A_18 = tpu.memref_slice %arg3[%dma_start3A, %add3A_8] : memref<2x320000xi32, #tpu.memory_space<hbm>> -> memref<1x40xi32, #tpu.memory_space<hbm>>
    %dma_start3A_19 = tpu.memref_squeeze %dma_start3A_18 : memref<1x40xi32, #tpu.memory_space<hbm>> -> memref<40xi32, #tpu.memory_space<hbm>>
    tpu.enqueue_dma source(%dma_start3A_19 : memref<40xi32, #tpu.memory_space<hbm>>) target(%dma_start3A_17 : memref<40xi32, #tpu.memory_space<vmem>>) target_semaphore(%arg10 : memref<!tpu.dma_semaphore, #tpu.memory_space<semaphore_mem>>)
    %dma_start3A_20 = arith.constant 1 : i32
    %dma_start3A_21 = arith.constant 1 : i32
    %dma_start3A_22 = arith.constant 0 : i32
    %dma_start3A_23 = tpu.memref_slice %arg6[%dma_start3A_21, %dma_start3A_22] : memref<2x40xi32, #tpu.memory_space<vmem>> -> memref<1x40xi32, #tpu.memory_space<vmem>>
    %dma_start3A_24 = tpu.memref_squeeze %dma_start3A_23 : memref<1x40xi32, #tpu.memory_space<vmem>> -> memref<40xi32, #tpu.memory_space<vmem>>
    %dma_start3A_25 = tpu.memref_slice %arg3[%dma_start3A_20, %add3A_8] : memref<2x320000xi32, #tpu.memory_space<hbm>> -> memref<1x40xi32, #tpu.memory_space<hbm>>
    %dma_start3A_26 = tpu.memref_squeeze %dma_start3A_25 : memref<1x40xi32, #tpu.memory_space<hbm>> -> memref<40xi32, #tpu.memory_space<hbm>>
    %dma_start3A_27 = arith.constant 0 : i32
    %dma_start3A_28 = tpu.memref_slice %arg6[%dma_start3A_21, %dma_start3A_27] : memref<2x40xi32, #tpu.memory_space<vmem>> -> memref<1x40xi32, #tpu.memory_space<vmem>>
    %dma_start3A_29 = tpu.memref_squeeze %dma_start3A_28 : memref<1x40xi32, #tpu.memory_space<vmem>> -> memref<40xi32, #tpu.memory_space<vmem>>
    %dma_start3A_30 = tpu.memref_slice %arg3[%dma_start3A_20, %add3A_8] : memref<2x320000xi32, #tpu.memory_space<hbm>> -> memref<1x40xi32, #tpu.memory_space<hbm>>
    %dma_start3A_31 = tpu.memref_squeeze %dma_start3A_30 : memref<1x40xi32, #tpu.memory_space<hbm>> -> memref<40xi32, #tpu.memory_space<hbm>>
    tpu.enqueue_dma source(%dma_start3A_31 : memref<40xi32, #tpu.memory_space<hbm>>) target(%dma_start3A_29 : memref<40xi32, #tpu.memory_space<vmem>>) target_semaphore(%arg10 : memref<!tpu.dma_semaphore, #tpu.memory_space<semaphore_mem>>)
    %scan3A = arith.constant 0 : i32
    %scan3A_32 = arith.constant 0 : i32
    %scan3A_33 = arith.constant 62 : i32
    %scan3A_34 = arith.addi %scan3A_32, %scan3A_33 : i32
    %scan3A_35 = arith.constant 1 : i32
    scf.for %scan3A_236 = %scan3A_32 to %scan3A_34 step %scan3A_35  : i32 {
      %mul3A_237 = arith.constant 2 : i32
      %mul3A_238 = arith.muli %scan3A_236, %mul3A_237 : i32
      %add3A_239 = arith.constant 1 : i32
      %add3A_240 = arith.addi %mul3A_238, %add3A_239 : i32
      %lt3A = arith.constant 125 : i32
      %lt3A_241 = arith.cmpi slt, %add3A_240, %lt3A : i32
      %convert_element_type3A_242 = arith.extui %lt3A_241 : i1 to i32
      %cond3A_243 = arith.constant 0 : i32
      %cond3A_244 = arith.cmpi ne, %convert_element_type3A_242, %cond3A_243 : i32
      scf.if %cond3A_244 {
        %add3A_501 = arith.constant 1 : i32
        %add3A_502 = arith.addi %mul3A_238, %add3A_501 : i32
        %add3A_503 = arith.constant 160000 : i32
        %add3A_504 = arith.addi %add3A_503, %mul3A_2 : i32
        %mul3A_505 = arith.constant 40 : i32
        %mul3A_506 = arith.muli %add3A_502, %mul3A_505 : i32
        %add3A_507 = arith.addi %add3A_504, %mul3A_506 : i32
        %dma_start3A_508 = arith.constant 0 : i32
        %dma_start3A_509 = arith.constant 0 : i32
        %dma_start3A_510 = arith.constant 0 : i32
        %dma_start3A_511 = tpu.memref_slice %arg7[%dma_start3A_509, %dma_start3A_510] : memref<2x40xi32, #tpu.memory_space<vmem>> -> memref<1x40xi32, #tpu.memory_space<vmem>>
        %dma_start3A_512 = tpu.memref_squeeze %dma_start3A_511 : memref<1x40xi32, #tpu.memory_space<vmem>> -> memref<40xi32, #tpu.memory_space<vmem>>
        %dma_start3A_513 = tpu.memref_slice %arg3[%dma_start3A_508, %add3A_507] : memref<2x320000xi32, #tpu.memory_space<hbm>> -> memref<1x40xi32, #tpu.memory_space<hbm>>
        %dma_start3A_514 = tpu.memref_squeeze %dma_start3A_513 : memref<1x40xi32, #tpu.memory_space<hbm>> -> memref<40xi32, #tpu.memory_space<hbm>>
        %dma_start3A_515 = arith.constant 0 : i32
        %dma_start3A_516 = tpu.memref_slice %arg7[%dma_start3A_509, %dma_start3A_515] : memref<2x40xi32, #tpu.memory_space<vmem>> -> memref<1x40xi32, #tpu.memory_space<vmem>>
        %dma_start3A_517 = tpu.memref_squeeze %dma_start3A_516 : memref<1x40xi32, #tpu.memory_space<vmem>> -> memref<40xi32, #tpu.memory_space<vmem>>
        %dma_start3A_518 = tpu.memref_slice %arg3[%dma_start3A_508, %add3A_507] : memref<2x320000xi32, #tpu.memory_space<hbm>> -> memref<1x40xi32, #tpu.memory_space<hbm>>
        %dma_start3A_519 = tpu.memref_squeeze %dma_start3A_518 : memref<1x40xi32, #tpu.memory_space<hbm>> -> memref<40xi32, #tpu.memory_space<hbm>>
        tpu.enqueue_dma source(%dma_start3A_519 : memref<40xi32, #tpu.memory_space<hbm>>) target(%dma_start3A_517 : memref<40xi32, #tpu.memory_space<vmem>>) target_semaphore(%arg11 : memref<!tpu.dma_semaphore, #tpu.memory_space<semaphore_mem>>)
        %dma_start3A_520 = arith.constant 1 : i32
        %dma_start3A_521 = arith.constant 1 : i32
        %dma_start3A_522 = arith.constant 0 : i32
        %dma_start3A_523 = tpu.memref_slice %arg7[%dma_start3A_521, %dma_start3A_522] : memref<2x40xi32, #tpu.memory_space<vmem>> -> memref<1x40xi32, #tpu.memory_space<vmem>>
        %dma_start3A_524 = tpu.memref_squeeze %dma_start3A_523 : memref<1x40xi32, #tpu.memory_space<vmem>> -> memref<40xi32, #tpu.memory_space<vmem>>
        %dma_start3A_525 = tpu.memref_slice %arg3[%dma_start3A_520, %add3A_507] : memref<2x320000xi32, #tpu.memory_space<hbm>> -> memref<1x40xi32, #tpu.memory_space<hbm>>
        %dma_start3A_526 = tpu.memref_squeeze %dma_start3A_525 : memref<1x40xi32, #tpu.memory_space<hbm>> -> memref<40xi32, #tpu.memory_space<hbm>>
        %dma_start3A_527 = arith.constant 0 : i32
        %dma_start3A_528 = tpu.memref_slice %arg7[%dma_start3A_521, %dma_start3A_527] : memref<2x40xi32, #tpu.memory_space<vmem>> -> memref<1x40xi32, #tpu.memory_space<vmem>>
        %dma_start3A_529 = tpu.memref_squeeze %dma_start3A_528 : memref<1x40xi32, #tpu.memory_space<vmem>> -> memref<40xi32, #tpu.memory_space<vmem>>
        %dma_start3A_530 = tpu.memref_slice %arg3[%dma_start3A_520, %add3A_507] : memref<2x320000xi32, #tpu.memory_space<hbm>> -> memref<1x40xi32, #tpu.memory_space<hbm>>
        %dma_start3A_531 = tpu.memref_squeeze %dma_start3A_530 : memref<1x40xi32, #tpu.memory_space<hbm>> -> memref<40xi32, #tpu.memory_space<hbm>>
        tpu.enqueue_dma source(%dma_start3A_531 : memref<40xi32, #tpu.memory_space<hbm>>) target(%dma_start3A_529 : memref<40xi32, #tpu.memory_space<vmem>>) target_semaphore(%arg11 : memref<!tpu.dma_semaphore, #tpu.memory_space<semaphore_mem>>)
      } else {
      }
      %add3A_245 = arith.constant 160000 : i32
      %add3A_246 = arith.addi %add3A_245, %mul3A_2 : i32
      %mul3A_247 = arith.constant 40 : i32
      %mul3A_248 = arith.muli %mul3A_238, %mul3A_247 : i32
      %add3A_249 = arith.addi %add3A_246, %mul3A_248 : i32
      %dma_wait3A_250 = arith.constant 0 : i32
      %dma_wait3A_251 = arith.constant 0 : i32
      %dma_wait3A_252 = arith.constant 0 : i32
      %dma_wait3A_253 = tpu.memref_slice %arg6[%dma_wait3A_251, %dma_wait3A_252] : memref<2x40xi32, #tpu.memory_space<vmem>> -> memref<1x40xi32, #tpu.memory_space<vmem>>
      %dma_wait3A_254 = tpu.memref_squeeze %dma_wait3A_253 : memref<1x40xi32, #tpu.memory_space<vmem>> -> memref<40xi32, #tpu.memory_space<vmem>>
      %dma_wait3A_255 = tpu.memref_slice %arg3[%dma_wait3A_250, %add3A_249] : memref<2x320000xi32, #tpu.memory_space<hbm>> -> memref<1x40xi32, #tpu.memory_space<hbm>>
      %dma_wait3A_256 = tpu.memref_squeeze %dma_wait3A_255 : memref<1x40xi32, #tpu.memory_space<hbm>> -> memref<40xi32, #tpu.memory_space<hbm>>
      %dma_wait3A_257 = arith.constant 0 : i32
      %dma_wait3A_258 = tpu.memref_slice %arg6[%dma_wait3A_251, %dma_wait3A_257] : memref<2x40xi32, #tpu.memory_space<vmem>> -> memref<1x40xi32, #tpu.memory_space<vmem>>
      %dma_wait3A_259 = tpu.memref_squeeze %dma_wait3A_258 : memref<1x40xi32, #tpu.memory_space<vmem>> -> memref<40xi32, #tpu.memory_space<vmem>>
      %dma_wait3A_260 = tpu.memref_slice %arg3[%dma_wait3A_250, %add3A_249] : memref<2x320000xi32, #tpu.memory_space<hbm>> -> memref<1x40xi32, #tpu.memory_space<hbm>>
      %dma_wait3A_261 = tpu.memref_squeeze %dma_wait3A_260 : memref<1x40xi32, #tpu.memory_space<hbm>> -> memref<40xi32, #tpu.memory_space<hbm>>
      tpu.wait_dma2 semaphore(%arg10 : memref<!tpu.dma_semaphore, #tpu.memory_space<semaphore_mem>>) src(%dma_wait3A_261 : memref<40xi32, #tpu.memory_space<hbm>>) dst(%dma_wait3A_259 : memref<40xi32, #tpu.memory_space<vmem>>)
      %dma_wait3A_262 = arith.constant 1 : i32
      %dma_wait3A_263 = arith.constant 1 : i32
      %dma_wait3A_264 = arith.constant 0 : i32
      %dma_wait3A_265 = tpu.memref_slice %arg6[%dma_wait3A_263, %dma_wait3A_264] : memref<2x40xi32, #tpu.memory_space<vmem>> -> memref<1x40xi32, #tpu.memory_space<vmem>>
      %dma_wait3A_266 = tpu.memref_squeeze %dma_wait3A_265 : memref<1x40xi32, #tpu.memory_space<vmem>> -> memref<40xi32, #tpu.memory_space<vmem>>
      %dma_wait3A_267 = tpu.memref_slice %arg3[%dma_wait3A_262, %add3A_249] : memref<2x320000xi32, #tpu.memory_space<hbm>> -> memref<1x40xi32, #tpu.memory_space<hbm>>
      %dma_wait3A_268 = tpu.memref_squeeze %dma_wait3A_267 : memref<1x40xi32, #tpu.memory_space<hbm>> -> memref<40xi32, #tpu.memory_space<hbm>>
      %dma_wait3A_269 = arith.constant 0 : i32
      %dma_wait3A_270 = tpu.memref_slice %arg6[%dma_wait3A_263, %dma_wait3A_269] : memref<2x40xi32, #tpu.memory_space<vmem>> -> memref<1x40xi32, #tpu.memory_space<vmem>>
      %dma_wait3A_271 = tpu.memref_squeeze %dma_wait3A_270 : memref<1x40xi32, #tpu.memory_space<vmem>> -> memref<40xi32, #tpu.memory_space<vmem>>
      %dma_wait3A_272 = tpu.memref_slice %arg3[%dma_wait3A_262, %add3A_249] : memref<2x320000xi32, #tpu.memory_space<hbm>> -> memref<1x40xi32, #tpu.memory_space<hbm>>
      %dma_wait3A_273 = tpu.memref_squeeze %dma_wait3A_272 : memref<1x40xi32, #tpu.memory_space<hbm>> -> memref<40xi32, #tpu.memory_space<hbm>>
      tpu.wait_dma2 semaphore(%arg10 : memref<!tpu.dma_semaphore, #tpu.memory_space<semaphore_mem>>) src(%dma_wait3A_273 : memref<40xi32, #tpu.memory_space<hbm>>) dst(%dma_wait3A_271 : memref<40xi32, #tpu.memory_space<vmem>>)
      %ge3A = arith.constant 2 : i32
      %ge3A_274 = arith.cmpi sge, %mul3A_238, %ge3A : i32
      %convert_element_type3A_275 = arith.extui %ge3A_274 : i1 to i32
      %cond3A_276 = arith.constant 0 : i32
      %cond3A_277 = arith.cmpi ne, %convert_element_type3A_275, %cond3A_276 : i32
      scf.if %cond3A_277 {
        %sub3A = arith.constant 2 : i32
        %sub3A_501 = arith.subi %mul3A_238, %sub3A : i32
        %mul3A_502 = arith.constant 40 : i32
        %mul3A_503 = arith.muli %sub3A_501, %mul3A_502 : i32
        %add3A_504 = arith.addi %mul3A_2, %mul3A_503 : i32
        %dma_wait3A_505 = arith.constant 0 : i32
        %dma_wait3A_506 = arith.constant 0 : i32
        %dma_wait3A_507 = arith.constant 0 : i32
        %dma_wait3A_508 = tpu.memref_slice %arg8[%dma_wait3A_505, %dma_wait3A_506, %dma_wait3A_507] : memref<2x40x64xi32, #tpu.memory_space<vmem>> -> memref<1x40x64xi32, #tpu.memory_space<vmem>>
        %dma_wait3A_509 = tpu.memref_squeeze %dma_wait3A_508 : memref<1x40x64xi32, #tpu.memory_space<vmem>> -> memref<40x64xi32, #tpu.memory_space<vmem>>
        %dma_wait3A_510 = arith.constant 0 : i32
        %dma_wait3A_511 = tpu.memref_slice %arg4[%add3A_504, %dma_wait3A_510] : memref<160000x128xi32, #tpu.memory_space<hbm>> -> memref<40x64xi32, #tpu.memory_space<hbm>>
        %dma_wait3A_512 = arith.constant 0 : i32
        %dma_wait3A_513 = tpu.memref_slice %arg4[%add3A_504, %dma_wait3A_512] : memref<160000x128xi32, #tpu.memory_space<hbm>> -> memref<40x64xi32, #tpu.memory_space<hbm>>
        %dma_wait3A_514 = arith.constant 0 : i32
        %dma_wait3A_515 = arith.constant 0 : i32
        %dma_wait3A_516 = tpu.memref_slice %arg8[%dma_wait3A_505, %dma_wait3A_514, %dma_wait3A_515] : memref<2x40x64xi32, #tpu.memory_space<vmem>> -> memref<1x40x64xi32, #tpu.memory_space<vmem>>
        %dma_wait3A_517 = tpu.memref_squeeze %dma_wait3A_516 : memref<1x40x64xi32, #tpu.memory_space<vmem>> -> memref<40x64xi32, #tpu.memory_space<vmem>>
        tpu.wait_dma2 semaphore(%arg13 : memref<!tpu.dma_semaphore, #tpu.memory_space<semaphore_mem>>) src(%dma_wait3A_517 : memref<40x64xi32, #tpu.memory_space<vmem>>) dst(%dma_wait3A_513 : memref<40x64xi32, #tpu.memory_space<hbm>>)
        %dma_wait3A_518 = arith.constant 1 : i32
        %dma_wait3A_519 = arith.constant 0 : i32
        %dma_wait3A_520 = arith.constant 0 : i32
        %dma_wait3A_521 = tpu.memref_slice %arg8[%dma_wait3A_518, %dma_wait3A_519, %dma_wait3A_520] : memref<2x40x64xi32, #tpu.memory_space<vmem>> -> memref<1x40x64xi32, #tpu.memory_space<vmem>>
        %dma_wait3A_522 = tpu.memref_squeeze %dma_wait3A_521 : memref<1x40x64xi32, #tpu.memory_space<vmem>> -> memref<40x64xi32, #tpu.memory_space<vmem>>
        %dma_wait3A_523 = arith.constant 64 : i32
        %dma_wait3A_524 = tpu.memref_slice %arg4[%add3A_504, %dma_wait3A_523] : memref<160000x128xi32, #tpu.memory_space<hbm>> -> memref<40x64xi32, #tpu.memory_space<hbm>>
        %dma_wait3A_525 = arith.constant 64 : i32
        %dma_wait3A_526 = tpu.memref_slice %arg4[%add3A_504, %dma_wait3A_525] : memref<160000x128xi32, #tpu.memory_space<hbm>> -> memref<40x64xi32, #tpu.memory_space<hbm>>
        %dma_wait3A_527 = arith.constant 0 : i32
        %dma_wait3A_528 = arith.constant 0 : i32
        %dma_wait3A_529 = tpu.memref_slice %arg8[%dma_wait3A_518, %dma_wait3A_527, %dma_wait3A_528] : memref<2x40x64xi32, #tpu.memory_space<vmem>> -> memref<1x40x64xi32, #tpu.memory_space<vmem>>
        %dma_wait3A_530 = tpu.memref_squeeze %dma_wait3A_529 : memref<1x40x64xi32, #tpu.memory_space<vmem>> -> memref<40x64xi32, #tpu.memory_space<vmem>>
        tpu.wait_dma2 semaphore(%arg13 : memref<!tpu.dma_semaphore, #tpu.memory_space<semaphore_mem>>) src(%dma_wait3A_530 : memref<40x64xi32, #tpu.memory_space<vmem>>) dst(%dma_wait3A_526 : memref<40x64xi32, #tpu.memory_space<hbm>>)
      } else {
      }
      %dma_start3A_278 = arith.constant 0 : i32
      %dma_start3A_279 = arith.constant 0 : i32
      %dma_start3A_280 = arith.constant 0 : i32
      %dma_start3A_281 = arith.constant 0 : i32
      %dma_start3A_282 = tpu.memref_slice %arg8[%dma_start3A_279, %dma_start3A_280, %dma_start3A_281] : memref<2x40x64xi32, #tpu.memory_space<vmem>> -> memref<1x40x64xi32, #tpu.memory_space<vmem>>
      %dma_start3A_283 = tpu.memref_squeeze %dma_start3A_282 : memref<1x40x64xi32, #tpu.memory_space<vmem>> -> memref<40x64xi32, #tpu.memory_space<vmem>>
      %dma_start3A_284 = arith.constant 0 : i32
      %dma_start3A_285 = arith.constant 0 : i32
      %dma_start3A_286 = tpu.memref_slice %dma_start3A_283[%dma_start3A_284, %dma_start3A_285] : memref<40x64xi32, #tpu.memory_space<vmem>> -> memref<40x64xi32, #tpu.memory_space<vmem>>
      %dma_start3A_287 = arith.constant 0 : i32
      %dma_start3A_288 = tpu.memref_slice %arg6[%dma_start3A_278, %dma_start3A_287] : memref<2x40xi32, #tpu.memory_space<vmem>> -> memref<1x40xi32, #tpu.memory_space<vmem>>
      %dma_start3A_289 = tpu.memref_squeeze %dma_start3A_288 : memref<1x40xi32, #tpu.memory_space<vmem>> -> memref<40xi32, #tpu.memory_space<vmem>>
      %dma_start3A_290 = arith.constant 0 : i32
      %dma_start3A_291 = arith.constant 0 : i32
      %dma_start3A_292 = tpu.memref_slice %arg5[%dma_start3A_290, %dma_start3A_291] : memref<20000x64xi32, #tpu.memory_space<vmem_shared>> -> memref<20000x64xi32, #tpu.memory_space<vmem_shared>>
      tpu.enqueue_indirect_dma source(%dma_start3A_292 : memref<20000x64xi32, #tpu.memory_space<vmem_shared>>) target(%dma_start3A_286 : memref<40x64xi32, #tpu.memory_space<vmem>>) offsets(%dma_start3A_289 : memref<40xi32, #tpu.memory_space<vmem>>) semaphore(%arg12 : memref<!tpu.dma_semaphore, #tpu.memory_space<semaphore_mem>>)
      %dma_start3A_293 = arith.constant 1 : i32
      %dma_start3A_294 = arith.constant 1 : i32
      %dma_start3A_295 = arith.constant 0 : i32
      %dma_start3A_296 = arith.constant 0 : i32
      %dma_start3A_297 = tpu.memref_slice %arg8[%dma_start3A_294, %dma_start3A_295, %dma_start3A_296] : memref<2x40x64xi32, #tpu.memory_space<vmem>> -> memref<1x40x64xi32, #tpu.memory_space<vmem>>
      %dma_start3A_298 = tpu.memref_squeeze %dma_start3A_297 : memref<1x40x64xi32, #tpu.memory_space<vmem>> -> memref<40x64xi32, #tpu.memory_space<vmem>>
      %dma_start3A_299 = arith.constant 0 : i32
      %dma_start3A_300 = arith.constant 0 : i32
      %dma_start3A_301 = tpu.memref_slice %dma_start3A_298[%dma_start3A_299, %dma_start3A_300] : memref<40x64xi32, #tpu.memory_space<vmem>> -> memref<40x64xi32, #tpu.memory_space<vmem>>
      %dma_start3A_302 = arith.constant 0 : i32
      %dma_start3A_303 = tpu.memref_slice %arg6[%dma_start3A_293, %dma_start3A_302] : memref<2x40xi32, #tpu.memory_space<vmem>> -> memref<1x40xi32, #tpu.memory_space<vmem>>
      %dma_start3A_304 = tpu.memref_squeeze %dma_start3A_303 : memref<1x40xi32, #tpu.memory_space<vmem>> -> memref<40xi32, #tpu.memory_space<vmem>>
      %dma_start3A_305 = arith.constant 0 : i32
      %dma_start3A_306 = arith.constant 0 : i32
      %dma_start3A_307 = tpu.memref_slice %arg5[%dma_start3A_305, %dma_start3A_306] : memref<20000x64xi32, #tpu.memory_space<vmem_shared>> -> memref<20000x64xi32, #tpu.memory_space<vmem_shared>>
      tpu.enqueue_indirect_dma source(%dma_start3A_307 : memref<20000x64xi32, #tpu.memory_space<vmem_shared>>) target(%dma_start3A_301 : memref<40x64xi32, #tpu.memory_space<vmem>>) offsets(%dma_start3A_304 : memref<40xi32, #tpu.memory_space<vmem>>) semaphore(%arg12 : memref<!tpu.dma_semaphore, #tpu.memory_space<semaphore_mem>>)
      %dma_wait3A_308 = arith.constant 0 : i32
      %dma_wait3A_309 = arith.constant 0 : i32
      %dma_wait3A_310 = arith.constant 0 : i32
      %dma_wait3A_311 = arith.constant 0 : i32
      %dma_wait3A_312 = tpu.memref_slice %arg8[%dma_wait3A_309, %dma_wait3A_310, %dma_wait3A_311] : memref<2x40x64xi32, #tpu.memory_space<vmem>> -> memref<1x40x64xi32, #tpu.memory_space<vmem>>
      %dma_wait3A_313 = tpu.memref_squeeze %dma_wait3A_312 : memref<1x40x64xi32, #tpu.memory_space<vmem>> -> memref<40x64xi32, #tpu.memory_space<vmem>>
      %dma_wait3A_314 = arith.constant 0 : i32
      %dma_wait3A_315 = arith.constant 0 : i32
      %dma_wait3A_316 = tpu.memref_slice %dma_wait3A_313[%dma_wait3A_314, %dma_wait3A_315] : memref<40x64xi32, #tpu.memory_space<vmem>> -> memref<40x64xi32, #tpu.memory_space<vmem>>
      %dma_wait3A_317 = arith.constant 0 : i32
      %dma_wait3A_318 = tpu.memref_slice %arg6[%dma_wait3A_308, %dma_wait3A_317] : memref<2x40xi32, #tpu.memory_space<vmem>> -> memref<1x40xi32, #tpu.memory_space<vmem>>
      %dma_wait3A_319 = tpu.memref_squeeze %dma_wait3A_318 : memref<1x40xi32, #tpu.memory_space<vmem>> -> memref<40xi32, #tpu.memory_space<vmem>>
      %dma_wait3A_320 = arith.constant 0 : i32
      %dma_wait3A_321 = arith.constant 0 : i32
      %dma_wait3A_322 = tpu.memref_slice %arg5[%dma_wait3A_320, %dma_wait3A_321] : memref<20000x64xi32, #tpu.memory_space<vmem_shared>> -> memref<20000x64xi32, #tpu.memory_space<vmem_shared>>
      tpu.wait_indirect_dma semaphore(%arg12 : memref<!tpu.dma_semaphore, #tpu.memory_space<semaphore_mem>>) src(%dma_wait3A_322 : memref<20000x64xi32, #tpu.memory_space<vmem_shared>>) dst(%dma_wait3A_316 : memref<40x64xi32, #tpu.memory_space<vmem>>)
      %dma_wait3A_323 = arith.constant 1 : i32
      %dma_wait3A_324 = arith.constant 1 : i32
      %dma_wait3A_325 = arith.constant 0 : i32
      %dma_wait3A_326 = arith.constant 0 : i32
      %dma_wait3A_327 = tpu.memref_slice %arg8[%dma_wait3A_324, %dma_wait3A_325, %dma_wait3A_326] : memref<2x40x64xi32, #tpu.memory_space<vmem>> -> memref<1x40x64xi32, #tpu.memory_space<vmem>>
      %dma_wait3A_328 = tpu.memref_squeeze %dma_wait3A_327 : memref<1x40x64xi32, #tpu.memory_space<vmem>> -> memref<40x64xi32, #tpu.memory_space<vmem>>
      %dma_wait3A_329 = arith.constant 0 : i32
      %dma_wait3A_330 = arith.constant 0 : i32
      %dma_wait3A_331 = tpu.memref_slice %dma_wait3A_328[%dma_wait3A_329, %dma_wait3A_330] : memref<40x64xi32, #tpu.memory_space<vmem>> -> memref<40x64xi32, #tpu.memory_space<vmem>>
      %dma_wait3A_332 = arith.constant 0 : i32
      %dma_wait3A_333 = tpu.memref_slice %arg6[%dma_wait3A_323, %dma_wait3A_332] : memref<2x40xi32, #tpu.memory_space<vmem>> -> memref<1x40xi32, #tpu.memory_space<vmem>>
      %dma_wait3A_334 = tpu.memref_squeeze %dma_wait3A_333 : memref<1x40xi32, #tpu.memory_space<vmem>> -> memref<40xi32, #tpu.memory_space<vmem>>
      %dma_wait3A_335 = arith.constant 0 : i32
      %dma_wait3A_336 = arith.constant 0 : i32
      %dma_wait3A_337 = tpu.memref_slice %arg5[%dma_wait3A_335, %dma_wait3A_336] : memref<20000x64xi32, #tpu.memory_space<vmem_shared>> -> memref<20000x64xi32, #tpu.memory_space<vmem_shared>>
      tpu.wait_indirect_dma semaphore(%arg12 : memref<!tpu.dma_semaphore, #tpu.memory_space<semaphore_mem>>) src(%dma_wait3A_337 : memref<20000x64xi32, #tpu.memory_space<vmem_shared>>) dst(%dma_wait3A_331 : memref<40x64xi32, #tpu.memory_space<vmem>>)
      %mul3A_338 = arith.constant 40 : i32
      %mul3A_339 = arith.muli %mul3A_238, %mul3A_338 : i32
      %add3A_340 = arith.addi %mul3A_2, %mul3A_339 : i32
      %dma_start3A_341 = arith.constant 0 : i32
      %dma_start3A_342 = arith.constant 0 : i32
      %dma_start3A_343 = arith.constant 0 : i32
      %dma_start3A_344 = tpu.memref_slice %arg8[%dma_start3A_341, %dma_start3A_342, %dma_start3A_343] : memref<2x40x64xi32, #tpu.memory_space<vmem>> -> memref<1x40x64xi32, #tpu.memory_space<vmem>>
      %dma_start3A_345 = tpu.memref_squeeze %dma_start3A_344 : memref<1x40x64xi32, #tpu.memory_space<vmem>> -> memref<40x64xi32, #tpu.memory_space<vmem>>
      %dma_start3A_346 = arith.constant 0 : i32
      %dma_start3A_347 = tpu.memref_slice %arg4[%add3A_340, %dma_start3A_346] : memref<160000x128xi32, #tpu.memory_space<hbm>> -> memref<40x64xi32, #tpu.memory_space<hbm>>
      %dma_start3A_348 = arith.constant 0 : i32
      %dma_start3A_349 = tpu.memref_slice %arg4[%add3A_340, %dma_start3A_348] : memref<160000x128xi32, #tpu.memory_space<hbm>> -> memref<40x64xi32, #tpu.memory_space<hbm>>
      %dma_start3A_350 = arith.constant 0 : i32
      %dma_start3A_351 = arith.constant 0 : i32
      %dma_start3A_352 = tpu.memref_slice %arg8[%dma_start3A_341, %dma_start3A_350, %dma_start3A_351] : memref<2x40x64xi32, #tpu.memory_space<vmem>> -> memref<1x40x64xi32, #tpu.memory_space<vmem>>
      %dma_start3A_353 = tpu.memref_squeeze %dma_start3A_352 : memref<1x40x64xi32, #tpu.memory_space<vmem>> -> memref<40x64xi32, #tpu.memory_space<vmem>>
      tpu.enqueue_dma source(%dma_start3A_353 : memref<40x64xi32, #tpu.memory_space<vmem>>) target(%dma_start3A_349 : memref<40x64xi32, #tpu.memory_space<hbm>>) target_semaphore(%arg13 : memref<!tpu.dma_semaphore, #tpu.memory_space<semaphore_mem>>)
      %dma_start3A_354 = arith.constant 1 : i32
      %dma_start3A_355 = arith.constant 0 : i32
      %dma_start3A_356 = arith.constant 0 : i32
      %dma_start3A_357 = tpu.memref_slice %arg8[%dma_start3A_354, %dma_start3A_355, %dma_start3A_356] : memref<2x40x64xi32, #tpu.memory_space<vmem>> -> memref<1x40x64xi32, #tpu.memory_space<vmem>>
      %dma_start3A_358 = tpu.memref_squeeze %dma_start3A_357 : memref<1x40x64xi32, #tpu.memory_space<vmem>> -> memref<40x64xi32, #tpu.memory_space<vmem>>
      %dma_start3A_359 = arith.constant 64 : i32
      %dma_start3A_360 = tpu.memref_slice %arg4[%add3A_340, %dma_start3A_359] : memref<160000x128xi32, #tpu.memory_space<hbm>> -> memref<40x64xi32, #tpu.memory_space<hbm>>
      %dma_start3A_361 = arith.constant 64 : i32
      %dma_start3A_362 = tpu.memref_slice %arg4[%add3A_340, %dma_start3A_361] : memref<160000x128xi32, #tpu.memory_space<hbm>> -> memref<40x64xi32, #tpu.memory_space<hbm>>
      %dma_start3A_363 = arith.constant 0 : i32
      %dma_start3A_364 = arith.constant 0 : i32
      %dma_start3A_365 = tpu.memref_slice %arg8[%dma_start3A_354, %dma_start3A_363, %dma_start3A_364] : memref<2x40x64xi32, #tpu.memory_space<vmem>> -> memref<1x40x64xi32, #tpu.memory_space<vmem>>
      %dma_start3A_366 = tpu.memref_squeeze %dma_start3A_365 : memref<1x40x64xi32, #tpu.memory_space<vmem>> -> memref<40x64xi32, #tpu.memory_space<vmem>>
      tpu.enqueue_dma source(%dma_start3A_366 : memref<40x64xi32, #tpu.memory_space<vmem>>) target(%dma_start3A_362 : memref<40x64xi32, #tpu.memory_space<hbm>>) target_semaphore(%arg13 : memref<!tpu.dma_semaphore, #tpu.memory_space<semaphore_mem>>)
      %mul3A_367 = arith.constant 2 : i32
      %mul3A_368 = arith.muli %scan3A_236, %mul3A_367 : i32
      %add3A_369 = arith.constant 1 : i32
      %add3A_370 = arith.addi %mul3A_368, %add3A_369 : i32
      %add3A_371 = arith.constant 1 : i32
      %add3A_372 = arith.addi %add3A_370, %add3A_371 : i32
      %lt3A_373 = arith.constant 125 : i32
      %lt3A_374 = arith.cmpi slt, %add3A_372, %lt3A_373 : i32
      %convert_element_type3A_375 = arith.extui %lt3A_374 : i1 to i32
      %cond3A_376 = arith.constant 0 : i32
      %cond3A_377 = arith.cmpi ne, %convert_element_type3A_375, %cond3A_376 : i32
      scf.if %cond3A_377 {
        %add3A_501 = arith.constant 1 : i32
        %add3A_502 = arith.addi %add3A_370, %add3A_501 : i32
        %add3A_503 = arith.constant 160000 : i32
        %add3A_504 = arith.addi %add3A_503, %mul3A_2 : i32
        %mul3A_505 = arith.constant 40 : i32
        %mul3A_506 = arith.muli %add3A_502, %mul3A_505 : i32
        %add3A_507 = arith.addi %add3A_504, %mul3A_506 : i32
        %dma_start3A_508 = arith.constant 0 : i32
        %dma_start3A_509 = arith.constant 0 : i32
        %dma_start3A_510 = arith.constant 0 : i32
        %dma_start3A_511 = tpu.memref_slice %arg6[%dma_start3A_509, %dma_start3A_510] : memref<2x40xi32, #tpu.memory_space<vmem>> -> memref<1x40xi32, #tpu.memory_space<vmem>>
        %dma_start3A_512 = tpu.memref_squeeze %dma_start3A_511 : memref<1x40xi32, #tpu.memory_space<vmem>> -> memref<40xi32, #tpu.memory_space<vmem>>
        %dma_start3A_513 = tpu.memref_slice %arg3[%dma_start3A_508, %add3A_507] : memref<2x320000xi32, #tpu.memory_space<hbm>> -> memref<1x40xi32, #tpu.memory_space<hbm>>
        %dma_start3A_514 = tpu.memref_squeeze %dma_start3A_513 : memref<1x40xi32, #tpu.memory_space<hbm>> -> memref<40xi32, #tpu.memory_space<hbm>>
        %dma_start3A_515 = arith.constant 0 : i32
        %dma_start3A_516 = tpu.memref_slice %arg6[%dma_start3A_509, %dma_start3A_515] : memref<2x40xi32, #tpu.memory_space<vmem>> -> memref<1x40xi32, #tpu.memory_space<vmem>>
        %dma_start3A_517 = tpu.memref_squeeze %dma_start3A_516 : memref<1x40xi32, #tpu.memory_space<vmem>> -> memref<40xi32, #tpu.memory_space<vmem>>
        %dma_start3A_518 = tpu.memref_slice %arg3[%dma_start3A_508, %add3A_507] : memref<2x320000xi32, #tpu.memory_space<hbm>> -> memref<1x40xi32, #tpu.memory_space<hbm>>
        %dma_start3A_519 = tpu.memref_squeeze %dma_start3A_518 : memref<1x40xi32, #tpu.memory_space<hbm>> -> memref<40xi32, #tpu.memory_space<hbm>>
        tpu.enqueue_dma source(%dma_start3A_519 : memref<40xi32, #tpu.memory_space<hbm>>) target(%dma_start3A_517 : memref<40xi32, #tpu.memory_space<vmem>>) target_semaphore(%arg10 : memref<!tpu.dma_semaphore, #tpu.memory_space<semaphore_mem>>)
        %dma_start3A_520 = arith.constant 1 : i32
        %dma_start3A_521 = arith.constant 1 : i32
        %dma_start3A_522 = arith.constant 0 : i32
        %dma_start3A_523 = tpu.memref_slice %arg6[%dma_start3A_521, %dma_start3A_522] : memref<2x40xi32, #tpu.memory_space<vmem>> -> memref<1x40xi32, #tpu.memory_space<vmem>>
        %dma_start3A_524 = tpu.memref_squeeze %dma_start3A_523 : memref<1x40xi32, #tpu.memory_space<vmem>> -> memref<40xi32, #tpu.memory_space<vmem>>
        %dma_start3A_525 = tpu.memref_slice %arg3[%dma_start3A_520, %add3A_507] : memref<2x320000xi32, #tpu.memory_space<hbm>> -> memref<1x40xi32, #tpu.memory_space<hbm>>
        %dma_start3A_526 = tpu.memref_squeeze %dma_start3A_525 : memref<1x40xi32, #tpu.memory_space<hbm>> -> memref<40xi32, #tpu.memory_space<hbm>>
        %dma_start3A_527 = arith.constant 0 : i32
        %dma_start3A_528 = tpu.memref_slice %arg6[%dma_start3A_521, %dma_start3A_527] : memref<2x40xi32, #tpu.memory_space<vmem>> -> memref<1x40xi32, #tpu.memory_space<vmem>>
        %dma_start3A_529 = tpu.memref_squeeze %dma_start3A_528 : memref<1x40xi32, #tpu.memory_space<vmem>> -> memref<40xi32, #tpu.memory_space<vmem>>
        %dma_start3A_530 = tpu.memref_slice %arg3[%dma_start3A_520, %add3A_507] : memref<2x320000xi32, #tpu.memory_space<hbm>> -> memref<1x40xi32, #tpu.memory_space<hbm>>
        %dma_start3A_531 = tpu.memref_squeeze %dma_start3A_530 : memref<1x40xi32, #tpu.memory_space<hbm>> -> memref<40xi32, #tpu.memory_space<hbm>>
        tpu.enqueue_dma source(%dma_start3A_531 : memref<40xi32, #tpu.memory_space<hbm>>) target(%dma_start3A_529 : memref<40xi32, #tpu.memory_space<vmem>>) target_semaphore(%arg10 : memref<!tpu.dma_semaphore, #tpu.memory_space<semaphore_mem>>)
      } else {
      }
      %add3A_378 = arith.constant 160000 : i32
      %add3A_379 = arith.addi %add3A_378, %mul3A_2 : i32
      %mul3A_380 = arith.constant 40 : i32
      %mul3A_381 = arith.muli %add3A_370, %mul3A_380 : i32
      %add3A_382 = arith.addi %add3A_379, %mul3A_381 : i32
      %dma_wait3A_383 = arith.constant 0 : i32
      %dma_wait3A_384 = arith.constant 0 : i32
      %dma_wait3A_385 = arith.constant 0 : i32
      %dma_wait3A_386 = tpu.memref_slice %arg7[%dma_wait3A_384, %dma_wait3A_385] : memref<2x40xi32, #tpu.memory_space<vmem>> -> memref<1x40xi32, #tpu.memory_space<vmem>>
      %dma_wait3A_387 = tpu.memref_squeeze %dma_wait3A_386 : memref<1x40xi32, #tpu.memory_space<vmem>> -> memref<40xi32, #tpu.memory_space<vmem>>
      %dma_wait3A_388 = tpu.memref_slice %arg3[%dma_wait3A_383, %add3A_382] : memref<2x320000xi32, #tpu.memory_space<hbm>> -> memref<1x40xi32, #tpu.memory_space<hbm>>
      %dma_wait3A_389 = tpu.memref_squeeze %dma_wait3A_388 : memref<1x40xi32, #tpu.memory_space<hbm>> -> memref<40xi32, #tpu.memory_space<hbm>>
      %dma_wait3A_390 = arith.constant 0 : i32
      %dma_wait3A_391 = tpu.memref_slice %arg7[%dma_wait3A_384, %dma_wait3A_390] : memref<2x40xi32, #tpu.memory_space<vmem>> -> memref<1x40xi32, #tpu.memory_space<vmem>>
      %dma_wait3A_392 = tpu.memref_squeeze %dma_wait3A_391 : memref<1x40xi32, #tpu.memory_space<vmem>> -> memref<40xi32, #tpu.memory_space<vmem>>
      %dma_wait3A_393 = tpu.memref_slice %arg3[%dma_wait3A_383, %add3A_382] : memref<2x320000xi32, #tpu.memory_space<hbm>> -> memref<1x40xi32, #tpu.memory_space<hbm>>
      %dma_wait3A_394 = tpu.memref_squeeze %dma_wait3A_393 : memref<1x40xi32, #tpu.memory_space<hbm>> -> memref<40xi32, #tpu.memory_space<hbm>>
      tpu.wait_dma2 semaphore(%arg11 : memref<!tpu.dma_semaphore, #tpu.memory_space<semaphore_mem>>) src(%dma_wait3A_394 : memref<40xi32, #tpu.memory_space<hbm>>) dst(%dma_wait3A_392 : memref<40xi32, #tpu.memory_space<vmem>>)
      %dma_wait3A_395 = arith.constant 1 : i32
      %dma_wait3A_396 = arith.constant 1 : i32
      %dma_wait3A_397 = arith.constant 0 : i32
      %dma_wait3A_398 = tpu.memref_slice %arg7[%dma_wait3A_396, %dma_wait3A_397] : memref<2x40xi32, #tpu.memory_space<vmem>> -> memref<1x40xi32, #tpu.memory_space<vmem>>
      %dma_wait3A_399 = tpu.memref_squeeze %dma_wait3A_398 : memref<1x40xi32, #tpu.memory_space<vmem>> -> memref<40xi32, #tpu.memory_space<vmem>>
      %dma_wait3A_400 = tpu.memref_slice %arg3[%dma_wait3A_395, %add3A_382] : memref<2x320000xi32, #tpu.memory_space<hbm>> -> memref<1x40xi32, #tpu.memory_space<hbm>>
      %dma_wait3A_401 = tpu.memref_squeeze %dma_wait3A_400 : memref<1x40xi32, #tpu.memory_space<hbm>> -> memref<40xi32, #tpu.memory_space<hbm>>
      %dma_wait3A_402 = arith.constant 0 : i32
      %dma_wait3A_403 = tpu.memref_slice %arg7[%dma_wait3A_396, %dma_wait3A_402] : memref<2x40xi32, #tpu.memory_space<vmem>> -> memref<1x40xi32, #tpu.memory_space<vmem>>
      %dma_wait3A_404 = tpu.memref_squeeze %dma_wait3A_403 : memref<1x40xi32, #tpu.memory_space<vmem>> -> memref<40xi32, #tpu.memory_space<vmem>>
      %dma_wait3A_405 = tpu.memref_slice %arg3[%dma_wait3A_395, %add3A_382] : memref<2x320000xi32, #tpu.memory_space<hbm>> -> memref<1x40xi32, #tpu.memory_space<hbm>>
      %dma_wait3A_406 = tpu.memref_squeeze %dma_wait3A_405 : memref<1x40xi32, #tpu.memory_space<hbm>> -> memref<40xi32, #tpu.memory_space<hbm>>
      tpu.wait_dma2 semaphore(%arg11 : memref<!tpu.dma_semaphore, #tpu.memory_space<semaphore_mem>>) src(%dma_wait3A_406 : memref<40xi32, #tpu.memory_space<hbm>>) dst(%dma_wait3A_404 : memref<40xi32, #tpu.memory_space<vmem>>)
      %ge3A_407 = arith.constant 2 : i32
      %ge3A_408 = arith.cmpi sge, %add3A_370, %ge3A_407 : i32
      %convert_element_type3A_409 = arith.extui %ge3A_408 : i1 to i32
      %cond3A_410 = arith.constant 0 : i32
      %cond3A_411 = arith.cmpi ne, %convert_element_type3A_409, %cond3A_410 : i32
      scf.if %cond3A_411 {
        %sub3A = arith.constant 2 : i32
        %sub3A_501 = arith.subi %add3A_370, %sub3A : i32
        %mul3A_502 = arith.constant 40 : i32
        %mul3A_503 = arith.muli %sub3A_501, %mul3A_502 : i32
        %add3A_504 = arith.addi %mul3A_2, %mul3A_503 : i32
        %dma_wait3A_505 = arith.constant 0 : i32
        %dma_wait3A_506 = arith.constant 0 : i32
        %dma_wait3A_507 = arith.constant 0 : i32
        %dma_wait3A_508 = tpu.memref_slice %arg9[%dma_wait3A_505, %dma_wait3A_506, %dma_wait3A_507] : memref<2x40x64xi32, #tpu.memory_space<vmem>> -> memref<1x40x64xi32, #tpu.memory_space<vmem>>
        %dma_wait3A_509 = tpu.memref_squeeze %dma_wait3A_508 : memref<1x40x64xi32, #tpu.memory_space<vmem>> -> memref<40x64xi32, #tpu.memory_space<vmem>>
        %dma_wait3A_510 = arith.constant 0 : i32
        %dma_wait3A_511 = tpu.memref_slice %arg4[%add3A_504, %dma_wait3A_510] : memref<160000x128xi32, #tpu.memory_space<hbm>> -> memref<40x64xi32, #tpu.memory_space<hbm>>
        %dma_wait3A_512 = arith.constant 0 : i32
        %dma_wait3A_513 = tpu.memref_slice %arg4[%add3A_504, %dma_wait3A_512] : memref<160000x128xi32, #tpu.memory_space<hbm>> -> memref<40x64xi32, #tpu.memory_space<hbm>>
        %dma_wait3A_514 = arith.constant 0 : i32
        %dma_wait3A_515 = arith.constant 0 : i32
        %dma_wait3A_516 = tpu.memref_slice %arg9[%dma_wait3A_505, %dma_wait3A_514, %dma_wait3A_515] : memref<2x40x64xi32, #tpu.memory_space<vmem>> -> memref<1x40x64xi32, #tpu.memory_space<vmem>>
        %dma_wait3A_517 = tpu.memref_squeeze %dma_wait3A_516 : memref<1x40x64xi32, #tpu.memory_space<vmem>> -> memref<40x64xi32, #tpu.memory_space<vmem>>
        tpu.wait_dma2 semaphore(%arg14 : memref<!tpu.dma_semaphore, #tpu.memory_space<semaphore_mem>>) src(%dma_wait3A_517 : memref<40x64xi32, #tpu.memory_space<vmem>>) dst(%dma_wait3A_513 : memref<40x64xi32, #tpu.memory_space<hbm>>)
        %dma_wait3A_518 = arith.constant 1 : i32
        %dma_wait3A_519 = arith.constant 0 : i32
        %dma_wait3A_520 = arith.constant 0 : i32
        %dma_wait3A_521 = tpu.memref_slice %arg9[%dma_wait3A_518, %dma_wait3A_519, %dma_wait3A_520] : memref<2x40x64xi32, #tpu.memory_space<vmem>> -> memref<1x40x64xi32, #tpu.memory_space<vmem>>
        %dma_wait3A_522 = tpu.memref_squeeze %dma_wait3A_521 : memref<1x40x64xi32, #tpu.memory_space<vmem>> -> memref<40x64xi32, #tpu.memory_space<vmem>>
        %dma_wait3A_523 = arith.constant 64 : i32
        %dma_wait3A_524 = tpu.memref_slice %arg4[%add3A_504, %dma_wait3A_523] : memref<160000x128xi32, #tpu.memory_space<hbm>> -> memref<40x64xi32, #tpu.memory_space<hbm>>
        %dma_wait3A_525 = arith.constant 64 : i32
        %dma_wait3A_526 = tpu.memref_slice %arg4[%add3A_504, %dma_wait3A_525] : memref<160000x128xi32, #tpu.memory_space<hbm>> -> memref<40x64xi32, #tpu.memory_space<hbm>>
        %dma_wait3A_527 = arith.constant 0 : i32
        %dma_wait3A_528 = arith.constant 0 : i32
        %dma_wait3A_529 = tpu.memref_slice %arg9[%dma_wait3A_518, %dma_wait3A_527, %dma_wait3A_528] : memref<2x40x64xi32, #tpu.memory_space<vmem>> -> memref<1x40x64xi32, #tpu.memory_space<vmem>>
        %dma_wait3A_530 = tpu.memref_squeeze %dma_wait3A_529 : memref<1x40x64xi32, #tpu.memory_space<vmem>> -> memref<40x64xi32, #tpu.memory_space<vmem>>
        tpu.wait_dma2 semaphore(%arg14 : memref<!tpu.dma_semaphore, #tpu.memory_space<semaphore_mem>>) src(%dma_wait3A_530 : memref<40x64xi32, #tpu.memory_space<vmem>>) dst(%dma_wait3A_526 : memref<40x64xi32, #tpu.memory_space<hbm>>)
      } else {
      }
      %dma_start3A_412 = arith.constant 0 : i32
      %dma_start3A_413 = arith.constant 0 : i32
      %dma_start3A_414 = arith.constant 0 : i32
      %dma_start3A_415 = arith.constant 0 : i32
      %dma_start3A_416 = tpu.memref_slice %arg9[%dma_start3A_413, %dma_start3A_414, %dma_start3A_415] : memref<2x40x64xi32, #tpu.memory_space<vmem>> -> memref<1x40x64xi32, #tpu.memory_space<vmem>>
      %dma_start3A_417 = tpu.memref_squeeze %dma_start3A_416 : memref<1x40x64xi32, #tpu.memory_space<vmem>> -> memref<40x64xi32, #tpu.memory_space<vmem>>
      %dma_start3A_418 = arith.constant 0 : i32
      %dma_start3A_419 = arith.constant 0 : i32
      %dma_start3A_420 = tpu.memref_slice %dma_start3A_417[%dma_start3A_418, %dma_start3A_419] : memref<40x64xi32, #tpu.memory_space<vmem>> -> memref<40x64xi32, #tpu.memory_space<vmem>>
      %dma_start3A_421 = arith.constant 0 : i32
      %dma_start3A_422 = tpu.memref_slice %arg7[%dma_start3A_412, %dma_start3A_421] : memref<2x40xi32, #tpu.memory_space<vmem>> -> memref<1x40xi32, #tpu.memory_space<vmem>>
      %dma_start3A_423 = tpu.memref_squeeze %dma_start3A_422 : memref<1x40xi32, #tpu.memory_space<vmem>> -> memref<40xi32, #tpu.memory_space<vmem>>
      %dma_start3A_424 = arith.constant 0 : i32
      %dma_start3A_425 = arith.constant 0 : i32
      %dma_start3A_426 = tpu.memref_slice %arg5[%dma_start3A_424, %dma_start3A_425] : memref<20000x64xi32, #tpu.memory_space<vmem_shared>> -> memref<20000x64xi32, #tpu.memory_space<vmem_shared>>
      tpu.enqueue_indirect_dma source(%dma_start3A_426 : memref<20000x64xi32, #tpu.memory_space<vmem_shared>>) target(%dma_start3A_420 : memref<40x64xi32, #tpu.memory_space<vmem>>) offsets(%dma_start3A_423 : memref<40xi32, #tpu.memory_space<vmem>>) semaphore(%arg12 : memref<!tpu.dma_semaphore, #tpu.memory_space<semaphore_mem>>)
      %dma_start3A_427 = arith.constant 1 : i32
      %dma_start3A_428 = arith.constant 1 : i32
      %dma_start3A_429 = arith.constant 0 : i32
      %dma_start3A_430 = arith.constant 0 : i32
      %dma_start3A_431 = tpu.memref_slice %arg9[%dma_start3A_428, %dma_start3A_429, %dma_start3A_430] : memref<2x40x64xi32, #tpu.memory_space<vmem>> -> memref<1x40x64xi32, #tpu.memory_space<vmem>>
      %dma_start3A_432 = tpu.memref_squeeze %dma_start3A_431 : memref<1x40x64xi32, #tpu.memory_space<vmem>> -> memref<40x64xi32, #tpu.memory_space<vmem>>
      %dma_start3A_433 = arith.constant 0 : i32
      %dma_start3A_434 = arith.constant 0 : i32
      %dma_start3A_435 = tpu.memref_slice %dma_start3A_432[%dma_start3A_433, %dma_start3A_434] : memref<40x64xi32, #tpu.memory_space<vmem>> -> memref<40x64xi32, #tpu.memory_space<vmem>>
      %dma_start3A_436 = arith.constant 0 : i32
      %dma_start3A_437 = tpu.memref_slice %arg7[%dma_start3A_427, %dma_start3A_436] : memref<2x40xi32, #tpu.memory_space<vmem>> -> memref<1x40xi32, #tpu.memory_space<vmem>>
      %dma_start3A_438 = tpu.memref_squeeze %dma_start3A_437 : memref<1x40xi32, #tpu.memory_space<vmem>> -> memref<40xi32, #tpu.memory_space<vmem>>
      %dma_start3A_439 = arith.constant 0 : i32
      %dma_start3A_440 = arith.constant 0 : i32
      %dma_start3A_441 = tpu.memref_slice %arg5[%dma_start3A_439, %dma_start3A_440] : memref<20000x64xi32, #tpu.memory_space<vmem_shared>> -> memref<20000x64xi32, #tpu.memory_space<vmem_shared>>
      tpu.enqueue_indirect_dma source(%dma_start3A_441 : memref<20000x64xi32, #tpu.memory_space<vmem_shared>>) target(%dma_start3A_435 : memref<40x64xi32, #tpu.memory_space<vmem>>) offsets(%dma_start3A_438 : memref<40xi32, #tpu.memory_space<vmem>>) semaphore(%arg12 : memref<!tpu.dma_semaphore, #tpu.memory_space<semaphore_mem>>)
      %dma_wait3A_442 = arith.constant 0 : i32
      %dma_wait3A_443 = arith.constant 0 : i32
      %dma_wait3A_444 = arith.constant 0 : i32
      %dma_wait3A_445 = arith.constant 0 : i32
      %dma_wait3A_446 = tpu.memref_slice %arg9[%dma_wait3A_443, %dma_wait3A_444, %dma_wait3A_445] : memref<2x40x64xi32, #tpu.memory_space<vmem>> -> memref<1x40x64xi32, #tpu.memory_space<vmem>>
      %dma_wait3A_447 = tpu.memref_squeeze %dma_wait3A_446 : memref<1x40x64xi32, #tpu.memory_space<vmem>> -> memref<40x64xi32, #tpu.memory_space<vmem>>
      %dma_wait3A_448 = arith.constant 0 : i32
      %dma_wait3A_449 = arith.constant 0 : i32
      %dma_wait3A_450 = tpu.memref_slice %dma_wait3A_447[%dma_wait3A_448, %dma_wait3A_449] : memref<40x64xi32, #tpu.memory_space<vmem>> -> memref<40x64xi32, #tpu.memory_space<vmem>>
      %dma_wait3A_451 = arith.constant 0 : i32
      %dma_wait3A_452 = tpu.memref_slice %arg7[%dma_wait3A_442, %dma_wait3A_451] : memref<2x40xi32, #tpu.memory_space<vmem>> -> memref<1x40xi32, #tpu.memory_space<vmem>>
      %dma_wait3A_453 = tpu.memref_squeeze %dma_wait3A_452 : memref<1x40xi32, #tpu.memory_space<vmem>> -> memref<40xi32, #tpu.memory_space<vmem>>
      %dma_wait3A_454 = arith.constant 0 : i32
      %dma_wait3A_455 = arith.constant 0 : i32
      %dma_wait3A_456 = tpu.memref_slice %arg5[%dma_wait3A_454, %dma_wait3A_455] : memref<20000x64xi32, #tpu.memory_space<vmem_shared>> -> memref<20000x64xi32, #tpu.memory_space<vmem_shared>>
      tpu.wait_indirect_dma semaphore(%arg12 : memref<!tpu.dma_semaphore, #tpu.memory_space<semaphore_mem>>) src(%dma_wait3A_456 : memref<20000x64xi32, #tpu.memory_space<vmem_shared>>) dst(%dma_wait3A_450 : memref<40x64xi32, #tpu.memory_space<vmem>>)
      %dma_wait3A_457 = arith.constant 1 : i32
      %dma_wait3A_458 = arith.constant 1 : i32
      %dma_wait3A_459 = arith.constant 0 : i32
      %dma_wait3A_460 = arith.constant 0 : i32
      %dma_wait3A_461 = tpu.memref_slice %arg9[%dma_wait3A_458, %dma_wait3A_459, %dma_wait3A_460] : memref<2x40x64xi32, #tpu.memory_space<vmem>> -> memref<1x40x64xi32, #tpu.memory_space<vmem>>
      %dma_wait3A_462 = tpu.memref_squeeze %dma_wait3A_461 : memref<1x40x64xi32, #tpu.memory_space<vmem>> -> memref<40x64xi32, #tpu.memory_space<vmem>>
      %dma_wait3A_463 = arith.constant 0 : i32
      %dma_wait3A_464 = arith.constant 0 : i32
      %dma_wait3A_465 = tpu.memref_slice %dma_wait3A_462[%dma_wait3A_463, %dma_wait3A_464] : memref<40x64xi32, #tpu.memory_space<vmem>> -> memref<40x64xi32, #tpu.memory_space<vmem>>
      %dma_wait3A_466 = arith.constant 0 : i32
      %dma_wait3A_467 = tpu.memref_slice %arg7[%dma_wait3A_457, %dma_wait3A_466] : memref<2x40xi32, #tpu.memory_space<vmem>> -> memref<1x40xi32, #tpu.memory_space<vmem>>
      %dma_wait3A_468 = tpu.memref_squeeze %dma_wait3A_467 : memref<1x40xi32, #tpu.memory_space<vmem>> -> memref<40xi32, #tpu.memory_space<vmem>>
      %dma_wait3A_469 = arith.constant 0 : i32
      %dma_wait3A_470 = arith.constant 0 : i32
      %dma_wait3A_471 = tpu.memref_slice %arg5[%dma_wait3A_469, %dma_wait3A_470] : memref<20000x64xi32, #tpu.memory_space<vmem_shared>> -> memref<20000x64xi32, #tpu.memory_space<vmem_shared>>
      tpu.wait_indirect_dma semaphore(%arg12 : memref<!tpu.dma_semaphore, #tpu.memory_space<semaphore_mem>>) src(%dma_wait3A_471 : memref<20000x64xi32, #tpu.memory_space<vmem_shared>>) dst(%dma_wait3A_465 : memref<40x64xi32, #tpu.memory_space<vmem>>)
      %mul3A_472 = arith.constant 40 : i32
      %mul3A_473 = arith.muli %add3A_370, %mul3A_472 : i32
      %add3A_474 = arith.addi %mul3A_2, %mul3A_473 : i32
      %dma_start3A_475 = arith.constant 0 : i32
      %dma_start3A_476 = arith.constant 0 : i32
      %dma_start3A_477 = arith.constant 0 : i32
      %dma_start3A_478 = tpu.memref_slice %arg9[%dma_start3A_475, %dma_start3A_476, %dma_start3A_477] : memref<2x40x64xi32, #tpu.memory_space<vmem>> -> memref<1x40x64xi32, #tpu.memory_space<vmem>>
      %dma_start3A_479 = tpu.memref_squeeze %dma_start3A_478 : memref<1x40x64xi32, #tpu.memory_space<vmem>> -> memref<40x64xi32, #tpu.memory_space<vmem>>
      %dma_start3A_480 = arith.constant 0 : i32
      %dma_start3A_481 = tpu.memref_slice %arg4[%add3A_474, %dma_start3A_480] : memref<160000x128xi32, #tpu.memory_space<hbm>> -> memref<40x64xi32, #tpu.memory_space<hbm>>
      %dma_start3A_482 = arith.constant 0 : i32
      %dma_start3A_483 = tpu.memref_slice %arg4[%add3A_474, %dma_start3A_482] : memref<160000x128xi32, #tpu.memory_space<hbm>> -> memref<40x64xi32, #tpu.memory_space<hbm>>
      %dma_start3A_484 = arith.constant 0 : i32
      %dma_start3A_485 = arith.constant 0 : i32
      %dma_start3A_486 = tpu.memref_slice %arg9[%dma_start3A_475, %dma_start3A_484, %dma_start3A_485] : memref<2x40x64xi32, #tpu.memory_space<vmem>> -> memref<1x40x64xi32, #tpu.memory_space<vmem>>
      %dma_start3A_487 = tpu.memref_squeeze %dma_start3A_486 : memref<1x40x64xi32, #tpu.memory_space<vmem>> -> memref<40x64xi32, #tpu.memory_space<vmem>>
      tpu.enqueue_dma source(%dma_start3A_487 : memref<40x64xi32, #tpu.memory_space<vmem>>) target(%dma_start3A_483 : memref<40x64xi32, #tpu.memory_space<hbm>>) target_semaphore(%arg14 : memref<!tpu.dma_semaphore, #tpu.memory_space<semaphore_mem>>)
      %dma_start3A_488 = arith.constant 1 : i32
      %dma_start3A_489 = arith.constant 0 : i32
      %dma_start3A_490 = arith.constant 0 : i32
      %dma_start3A_491 = tpu.memref_slice %arg9[%dma_start3A_488, %dma_start3A_489, %dma_start3A_490] : memref<2x40x64xi32, #tpu.memory_space<vmem>> -> memref<1x40x64xi32, #tpu.memory_space<vmem>>
      %dma_start3A_492 = tpu.memref_squeeze %dma_start3A_491 : memref<1x40x64xi32, #tpu.memory_space<vmem>> -> memref<40x64xi32, #tpu.memory_space<vmem>>
      %dma_start3A_493 = arith.constant 64 : i32
      %dma_start3A_494 = tpu.memref_slice %arg4[%add3A_474, %dma_start3A_493] : memref<160000x128xi32, #tpu.memory_space<hbm>> -> memref<40x64xi32, #tpu.memory_space<hbm>>
      %dma_start3A_495 = arith.constant 64 : i32
      %dma_start3A_496 = tpu.memref_slice %arg4[%add3A_474, %dma_start3A_495] : memref<160000x128xi32, #tpu.memory_space<hbm>> -> memref<40x64xi32, #tpu.memory_space<hbm>>
      %dma_start3A_497 = arith.constant 0 : i32
      %dma_start3A_498 = arith.constant 0 : i32
      %dma_start3A_499 = tpu.memref_slice %arg9[%dma_start3A_488, %dma_start3A_497, %dma_start3A_498] : memref<2x40x64xi32, #tpu.memory_space<vmem>> -> memref<1x40x64xi32, #tpu.memory_space<vmem>>
      %dma_start3A_500 = tpu.memref_squeeze %dma_start3A_499 : memref<1x40x64xi32, #tpu.memory_space<vmem>> -> memref<40x64xi32, #tpu.memory_space<vmem>>
      tpu.enqueue_dma source(%dma_start3A_500 : memref<40x64xi32, #tpu.memory_space<vmem>>) target(%dma_start3A_496 : memref<40x64xi32, #tpu.memory_space<hbm>>) target_semaphore(%arg14 : memref<!tpu.dma_semaphore, #tpu.memory_space<semaphore_mem>>)
    }
    %scan3A_36 = arith.constant 62 : i32
    %add3A_37 = arith.constant 160000 : i32
    %add3A_38 = arith.addi %add3A_37, %mul3A_2 : i32
    %add3A_39 = arith.constant 4960 : i32
    %add3A_40 = arith.addi %add3A_38, %add3A_39 : i32
    %dma_wait3A = arith.constant 0 : i32
    %dma_wait3A_41 = arith.constant 0 : i32
    %dma_wait3A_42 = arith.constant 0 : i32
    %dma_wait3A_43 = tpu.memref_slice %arg6[%dma_wait3A_41, %dma_wait3A_42] : memref<2x40xi32, #tpu.memory_space<vmem>> -> memref<1x40xi32, #tpu.memory_space<vmem>>
    %dma_wait3A_44 = tpu.memref_squeeze %dma_wait3A_43 : memref<1x40xi32, #tpu.memory_space<vmem>> -> memref<40xi32, #tpu.memory_space<vmem>>
    %dma_wait3A_45 = tpu.memref_slice %arg3[%dma_wait3A, %add3A_40] : memref<2x320000xi32, #tpu.memory_space<hbm>> -> memref<1x40xi32, #tpu.memory_space<hbm>>
    %dma_wait3A_46 = tpu.memref_squeeze %dma_wait3A_45 : memref<1x40xi32, #tpu.memory_space<hbm>> -> memref<40xi32, #tpu.memory_space<hbm>>
    %dma_wait3A_47 = arith.constant 0 : i32
    %dma_wait3A_48 = tpu.memref_slice %arg6[%dma_wait3A_41, %dma_wait3A_47] : memref<2x40xi32, #tpu.memory_space<vmem>> -> memref<1x40xi32, #tpu.memory_space<vmem>>
    %dma_wait3A_49 = tpu.memref_squeeze %dma_wait3A_48 : memref<1x40xi32, #tpu.memory_space<vmem>> -> memref<40xi32, #tpu.memory_space<vmem>>
    %dma_wait3A_50 = tpu.memref_slice %arg3[%dma_wait3A, %add3A_40] : memref<2x320000xi32, #tpu.memory_space<hbm>> -> memref<1x40xi32, #tpu.memory_space<hbm>>
    %dma_wait3A_51 = tpu.memref_squeeze %dma_wait3A_50 : memref<1x40xi32, #tpu.memory_space<hbm>> -> memref<40xi32, #tpu.memory_space<hbm>>
    tpu.wait_dma2 semaphore(%arg10 : memref<!tpu.dma_semaphore, #tpu.memory_space<semaphore_mem>>) src(%dma_wait3A_51 : memref<40xi32, #tpu.memory_space<hbm>>) dst(%dma_wait3A_49 : memref<40xi32, #tpu.memory_space<vmem>>)
    %dma_wait3A_52 = arith.constant 1 : i32
    %dma_wait3A_53 = arith.constant 1 : i32
    %dma_wait3A_54 = arith.constant 0 : i32
    %dma_wait3A_55 = tpu.memref_slice %arg6[%dma_wait3A_53, %dma_wait3A_54] : memref<2x40xi32, #tpu.memory_space<vmem>> -> memref<1x40xi32, #tpu.memory_space<vmem>>
    %dma_wait3A_56 = tpu.memref_squeeze %dma_wait3A_55 : memref<1x40xi32, #tpu.memory_space<vmem>> -> memref<40xi32, #tpu.memory_space<vmem>>
    %dma_wait3A_57 = tpu.memref_slice %arg3[%dma_wait3A_52, %add3A_40] : memref<2x320000xi32, #tpu.memory_space<hbm>> -> memref<1x40xi32, #tpu.memory_space<hbm>>
    %dma_wait3A_58 = tpu.memref_squeeze %dma_wait3A_57 : memref<1x40xi32, #tpu.memory_space<hbm>> -> memref<40xi32, #tpu.memory_space<hbm>>
    %dma_wait3A_59 = arith.constant 0 : i32
    %dma_wait3A_60 = tpu.memref_slice %arg6[%dma_wait3A_53, %dma_wait3A_59] : memref<2x40xi32, #tpu.memory_space<vmem>> -> memref<1x40xi32, #tpu.memory_space<vmem>>
    %dma_wait3A_61 = tpu.memref_squeeze %dma_wait3A_60 : memref<1x40xi32, #tpu.memory_space<vmem>> -> memref<40xi32, #tpu.memory_space<vmem>>
    %dma_wait3A_62 = tpu.memref_slice %arg3[%dma_wait3A_52, %add3A_40] : memref<2x320000xi32, #tpu.memory_space<hbm>> -> memref<1x40xi32, #tpu.memory_space<hbm>>
    %dma_wait3A_63 = tpu.memref_squeeze %dma_wait3A_62 : memref<1x40xi32, #tpu.memory_space<hbm>> -> memref<40xi32, #tpu.memory_space<hbm>>
    tpu.wait_dma2 semaphore(%arg10 : memref<!tpu.dma_semaphore, #tpu.memory_space<semaphore_mem>>) src(%dma_wait3A_63 : memref<40xi32, #tpu.memory_space<hbm>>) dst(%dma_wait3A_61 : memref<40xi32, #tpu.memory_space<vmem>>)
    %add3A_64 = arith.constant 4880 : i32
    %add3A_65 = arith.addi %mul3A_2, %add3A_64 : i32
    %dma_wait3A_66 = arith.constant 0 : i32
    %dma_wait3A_67 = arith.constant 0 : i32
    %dma_wait3A_68 = arith.constant 0 : i32
    %dma_wait3A_69 = tpu.memref_slice %arg8[%dma_wait3A_66, %dma_wait3A_67, %dma_wait3A_68] : memref<2x40x64xi32, #tpu.memory_space<vmem>> -> memref<1x40x64xi32, #tpu.memory_space<vmem>>
    %dma_wait3A_70 = tpu.memref_squeeze %dma_wait3A_69 : memref<1x40x64xi32, #tpu.memory_space<vmem>> -> memref<40x64xi32, #tpu.memory_space<vmem>>
    %dma_wait3A_71 = arith.constant 0 : i32
    %dma_wait3A_72 = tpu.memref_slice %arg4[%add3A_65, %dma_wait3A_71] : memref<160000x128xi32, #tpu.memory_space<hbm>> -> memref<40x64xi32, #tpu.memory_space<hbm>>
    %dma_wait3A_73 = arith.constant 0 : i32
    %dma_wait3A_74 = tpu.memref_slice %arg4[%add3A_65, %dma_wait3A_73] : memref<160000x128xi32, #tpu.memory_space<hbm>> -> memref<40x64xi32, #tpu.memory_space<hbm>>
    %dma_wait3A_75 = arith.constant 0 : i32
    %dma_wait3A_76 = arith.constant 0 : i32
    %dma_wait3A_77 = tpu.memref_slice %arg8[%dma_wait3A_66, %dma_wait3A_75, %dma_wait3A_76] : memref<2x40x64xi32, #tpu.memory_space<vmem>> -> memref<1x40x64xi32, #tpu.memory_space<vmem>>
    %dma_wait3A_78 = tpu.memref_squeeze %dma_wait3A_77 : memref<1x40x64xi32, #tpu.memory_space<vmem>> -> memref<40x64xi32, #tpu.memory_space<vmem>>
    tpu.wait_dma2 semaphore(%arg13 : memref<!tpu.dma_semaphore, #tpu.memory_space<semaphore_mem>>) src(%dma_wait3A_78 : memref<40x64xi32, #tpu.memory_space<vmem>>) dst(%dma_wait3A_74 : memref<40x64xi32, #tpu.memory_space<hbm>>)
    %dma_wait3A_79 = arith.constant 1 : i32
    %dma_wait3A_80 = arith.constant 0 : i32
    %dma_wait3A_81 = arith.constant 0 : i32
    %dma_wait3A_82 = tpu.memref_slice %arg8[%dma_wait3A_79, %dma_wait3A_80, %dma_wait3A_81] : memref<2x40x64xi32, #tpu.memory_space<vmem>> -> memref<1x40x64xi32, #tpu.memory_space<vmem>>
    %dma_wait3A_83 = tpu.memref_squeeze %dma_wait3A_82 : memref<1x40x64xi32, #tpu.memory_space<vmem>> -> memref<40x64xi32, #tpu.memory_space<vmem>>
    %dma_wait3A_84 = arith.constant 64 : i32
    %dma_wait3A_85 = tpu.memref_slice %arg4[%add3A_65, %dma_wait3A_84] : memref<160000x128xi32, #tpu.memory_space<hbm>> -> memref<40x64xi32, #tpu.memory_space<hbm>>
    %dma_wait3A_86 = arith.constant 64 : i32
    %dma_wait3A_87 = tpu.memref_slice %arg4[%add3A_65, %dma_wait3A_86] : memref<160000x128xi32, #tpu.memory_space<hbm>> -> memref<40x64xi32, #tpu.memory_space<hbm>>
    %dma_wait3A_88 = arith.constant 0 : i32
    %dma_wait3A_89 = arith.constant 0 : i32
    %dma_wait3A_90 = tpu.memref_slice %arg8[%dma_wait3A_79, %dma_wait3A_88, %dma_wait3A_89] : memref<2x40x64xi32, #tpu.memory_space<vmem>> -> memref<1x40x64xi32, #tpu.memory_space<vmem>>
    %dma_wait3A_91 = tpu.memref_squeeze %dma_wait3A_90 : memref<1x40x64xi32, #tpu.memory_space<vmem>> -> memref<40x64xi32, #tpu.memory_space<vmem>>
    tpu.wait_dma2 semaphore(%arg13 : memref<!tpu.dma_semaphore, #tpu.memory_space<semaphore_mem>>) src(%dma_wait3A_91 : memref<40x64xi32, #tpu.memory_space<vmem>>) dst(%dma_wait3A_87 : memref<40x64xi32, #tpu.memory_space<hbm>>)
    %dma_start3A_92 = arith.constant 0 : i32
    %dma_start3A_93 = arith.constant 0 : i32
    %dma_start3A_94 = arith.constant 0 : i32
    %dma_start3A_95 = arith.constant 0 : i32
    %dma_start3A_96 = tpu.memref_slice %arg8[%dma_start3A_93, %dma_start3A_94, %dma_start3A_95] : memref<2x40x64xi32, #tpu.memory_space<vmem>> -> memref<1x40x64xi32, #tpu.memory_space<vmem>>
    %dma_start3A_97 = tpu.memref_squeeze %dma_start3A_96 : memref<1x40x64xi32, #tpu.memory_space<vmem>> -> memref<40x64xi32, #tpu.memory_space<vmem>>
    %dma_start3A_98 = arith.constant 0 : i32
    %dma_start3A_99 = arith.constant 0 : i32
    %dma_start3A_100 = tpu.memref_slice %dma_start3A_97[%dma_start3A_98, %dma_start3A_99] : memref<40x64xi32, #tpu.memory_space<vmem>> -> memref<40x64xi32, #tpu.memory_space<vmem>>
    %dma_start3A_101 = arith.constant 0 : i32
    %dma_start3A_102 = tpu.memref_slice %arg6[%dma_start3A_92, %dma_start3A_101] : memref<2x40xi32, #tpu.memory_space<vmem>> -> memref<1x40xi32, #tpu.memory_space<vmem>>
    %dma_start3A_103 = tpu.memref_squeeze %dma_start3A_102 : memref<1x40xi32, #tpu.memory_space<vmem>> -> memref<40xi32, #tpu.memory_space<vmem>>
    %dma_start3A_104 = arith.constant 0 : i32
    %dma_start3A_105 = arith.constant 0 : i32
    %dma_start3A_106 = tpu.memref_slice %arg5[%dma_start3A_104, %dma_start3A_105] : memref<20000x64xi32, #tpu.memory_space<vmem_shared>> -> memref<20000x64xi32, #tpu.memory_space<vmem_shared>>
    tpu.enqueue_indirect_dma source(%dma_start3A_106 : memref<20000x64xi32, #tpu.memory_space<vmem_shared>>) target(%dma_start3A_100 : memref<40x64xi32, #tpu.memory_space<vmem>>) offsets(%dma_start3A_103 : memref<40xi32, #tpu.memory_space<vmem>>) semaphore(%arg12 : memref<!tpu.dma_semaphore, #tpu.memory_space<semaphore_mem>>)
    %dma_start3A_107 = arith.constant 1 : i32
    %dma_start3A_108 = arith.constant 1 : i32
    %dma_start3A_109 = arith.constant 0 : i32
    %dma_start3A_110 = arith.constant 0 : i32
    %dma_start3A_111 = tpu.memref_slice %arg8[%dma_start3A_108, %dma_start3A_109, %dma_start3A_110] : memref<2x40x64xi32, #tpu.memory_space<vmem>> -> memref<1x40x64xi32, #tpu.memory_space<vmem>>
    %dma_start3A_112 = tpu.memref_squeeze %dma_start3A_111 : memref<1x40x64xi32, #tpu.memory_space<vmem>> -> memref<40x64xi32, #tpu.memory_space<vmem>>
    %dma_start3A_113 = arith.constant 0 : i32
    %dma_start3A_114 = arith.constant 0 : i32
    %dma_start3A_115 = tpu.memref_slice %dma_start3A_112[%dma_start3A_113, %dma_start3A_114] : memref<40x64xi32, #tpu.memory_space<vmem>> -> memref<40x64xi32, #tpu.memory_space<vmem>>
    %dma_start3A_116 = arith.constant 0 : i32
    %dma_start3A_117 = tpu.memref_slice %arg6[%dma_start3A_107, %dma_start3A_116] : memref<2x40xi32, #tpu.memory_space<vmem>> -> memref<1x40xi32, #tpu.memory_space<vmem>>
    %dma_start3A_118 = tpu.memref_squeeze %dma_start3A_117 : memref<1x40xi32, #tpu.memory_space<vmem>> -> memref<40xi32, #tpu.memory_space<vmem>>
    %dma_start3A_119 = arith.constant 0 : i32
    %dma_start3A_120 = arith.constant 0 : i32
    %dma_start3A_121 = tpu.memref_slice %arg5[%dma_start3A_119, %dma_start3A_120] : memref<20000x64xi32, #tpu.memory_space<vmem_shared>> -> memref<20000x64xi32, #tpu.memory_space<vmem_shared>>
    tpu.enqueue_indirect_dma source(%dma_start3A_121 : memref<20000x64xi32, #tpu.memory_space<vmem_shared>>) target(%dma_start3A_115 : memref<40x64xi32, #tpu.memory_space<vmem>>) offsets(%dma_start3A_118 : memref<40xi32, #tpu.memory_space<vmem>>) semaphore(%arg12 : memref<!tpu.dma_semaphore, #tpu.memory_space<semaphore_mem>>)
    %dma_wait3A_122 = arith.constant 0 : i32
    %dma_wait3A_123 = arith.constant 0 : i32
    %dma_wait3A_124 = arith.constant 0 : i32
    %dma_wait3A_125 = arith.constant 0 : i32
    %dma_wait3A_126 = tpu.memref_slice %arg8[%dma_wait3A_123, %dma_wait3A_124, %dma_wait3A_125] : memref<2x40x64xi32, #tpu.memory_space<vmem>> -> memref<1x40x64xi32, #tpu.memory_space<vmem>>
    %dma_wait3A_127 = tpu.memref_squeeze %dma_wait3A_126 : memref<1x40x64xi32, #tpu.memory_space<vmem>> -> memref<40x64xi32, #tpu.memory_space<vmem>>
    %dma_wait3A_128 = arith.constant 0 : i32
    %dma_wait3A_129 = arith.constant 0 : i32
    %dma_wait3A_130 = tpu.memref_slice %dma_wait3A_127[%dma_wait3A_128, %dma_wait3A_129] : memref<40x64xi32, #tpu.memory_space<vmem>> -> memref<40x64xi32, #tpu.memory_space<vmem>>
    %dma_wait3A_131 = arith.constant 0 : i32
    %dma_wait3A_132 = tpu.memref_slice %arg6[%dma_wait3A_122, %dma_wait3A_131] : memref<2x40xi32, #tpu.memory_space<vmem>> -> memref<1x40xi32, #tpu.memory_space<vmem>>
    %dma_wait3A_133 = tpu.memref_squeeze %dma_wait3A_132 : memref<1x40xi32, #tpu.memory_space<vmem>> -> memref<40xi32, #tpu.memory_space<vmem>>
    %dma_wait3A_134 = arith.constant 0 : i32
    %dma_wait3A_135 = arith.constant 0 : i32
    %dma_wait3A_136 = tpu.memref_slice %arg5[%dma_wait3A_134, %dma_wait3A_135] : memref<20000x64xi32, #tpu.memory_space<vmem_shared>> -> memref<20000x64xi32, #tpu.memory_space<vmem_shared>>
    tpu.wait_indirect_dma semaphore(%arg12 : memref<!tpu.dma_semaphore, #tpu.memory_space<semaphore_mem>>) src(%dma_wait3A_136 : memref<20000x64xi32, #tpu.memory_space<vmem_shared>>) dst(%dma_wait3A_130 : memref<40x64xi32, #tpu.memory_space<vmem>>)
    %dma_wait3A_137 = arith.constant 1 : i32
    %dma_wait3A_138 = arith.constant 1 : i32
    %dma_wait3A_139 = arith.constant 0 : i32
    %dma_wait3A_140 = arith.constant 0 : i32
    %dma_wait3A_141 = tpu.memref_slice %arg8[%dma_wait3A_138, %dma_wait3A_139, %dma_wait3A_140] : memref<2x40x64xi32, #tpu.memory_space<vmem>> -> memref<1x40x64xi32, #tpu.memory_space<vmem>>
    %dma_wait3A_142 = tpu.memref_squeeze %dma_wait3A_141 : memref<1x40x64xi32, #tpu.memory_space<vmem>> -> memref<40x64xi32, #tpu.memory_space<vmem>>
    %dma_wait3A_143 = arith.constant 0 : i32
    %dma_wait3A_144 = arith.constant 0 : i32
    %dma_wait3A_145 = tpu.memref_slice %dma_wait3A_142[%dma_wait3A_143, %dma_wait3A_144] : memref<40x64xi32, #tpu.memory_space<vmem>> -> memref<40x64xi32, #tpu.memory_space<vmem>>
    %dma_wait3A_146 = arith.constant 0 : i32
    %dma_wait3A_147 = tpu.memref_slice %arg6[%dma_wait3A_137, %dma_wait3A_146] : memref<2x40xi32, #tpu.memory_space<vmem>> -> memref<1x40xi32, #tpu.memory_space<vmem>>
    %dma_wait3A_148 = tpu.memref_squeeze %dma_wait3A_147 : memref<1x40xi32, #tpu.memory_space<vmem>> -> memref<40xi32, #tpu.memory_space<vmem>>
    %dma_wait3A_149 = arith.constant 0 : i32
    %dma_wait3A_150 = arith.constant 0 : i32
    %dma_wait3A_151 = tpu.memref_slice %arg5[%dma_wait3A_149, %dma_wait3A_150] : memref<20000x64xi32, #tpu.memory_space<vmem_shared>> -> memref<20000x64xi32, #tpu.memory_space<vmem_shared>>
    tpu.wait_indirect_dma semaphore(%arg12 : memref<!tpu.dma_semaphore, #tpu.memory_space<semaphore_mem>>) src(%dma_wait3A_151 : memref<20000x64xi32, #tpu.memory_space<vmem_shared>>) dst(%dma_wait3A_145 : memref<40x64xi32, #tpu.memory_space<vmem>>)
    %add3A_152 = arith.constant 4960 : i32
    %add3A_153 = arith.addi %mul3A_2, %add3A_152 : i32
    %dma_start3A_154 = arith.constant 0 : i32
    %dma_start3A_155 = arith.constant 0 : i32
    %dma_start3A_156 = arith.constant 0 : i32
    %dma_start3A_157 = tpu.memref_slice %arg8[%dma_start3A_154, %dma_start3A_155, %dma_start3A_156] : memref<2x40x64xi32, #tpu.memory_space<vmem>> -> memref<1x40x64xi32, #tpu.memory_space<vmem>>
    %dma_start3A_158 = tpu.memref_squeeze %dma_start3A_157 : memref<1x40x64xi32, #tpu.memory_space<vmem>> -> memref<40x64xi32, #tpu.memory_space<vmem>>
    %dma_start3A_159 = arith.constant 0 : i32
    %dma_start3A_160 = tpu.memref_slice %arg4[%add3A_153, %dma_start3A_159] : memref<160000x128xi32, #tpu.memory_space<hbm>> -> memref<40x64xi32, #tpu.memory_space<hbm>>
    %dma_start3A_161 = arith.constant 0 : i32
    %dma_start3A_162 = tpu.memref_slice %arg4[%add3A_153, %dma_start3A_161] : memref<160000x128xi32, #tpu.memory_space<hbm>> -> memref<40x64xi32, #tpu.memory_space<hbm>>
    %dma_start3A_163 = arith.constant 0 : i32
    %dma_start3A_164 = arith.constant 0 : i32
    %dma_start3A_165 = tpu.memref_slice %arg8[%dma_start3A_154, %dma_start3A_163, %dma_start3A_164] : memref<2x40x64xi32, #tpu.memory_space<vmem>> -> memref<1x40x64xi32, #tpu.memory_space<vmem>>
    %dma_start3A_166 = tpu.memref_squeeze %dma_start3A_165 : memref<1x40x64xi32, #tpu.memory_space<vmem>> -> memref<40x64xi32, #tpu.memory_space<vmem>>
    tpu.enqueue_dma source(%dma_start3A_166 : memref<40x64xi32, #tpu.memory_space<vmem>>) target(%dma_start3A_162 : memref<40x64xi32, #tpu.memory_space<hbm>>) target_semaphore(%arg13 : memref<!tpu.dma_semaphore, #tpu.memory_space<semaphore_mem>>)
    %dma_start3A_167 = arith.constant 1 : i32
    %dma_start3A_168 = arith.constant 0 : i32
    %dma_start3A_169 = arith.constant 0 : i32
    %dma_start3A_170 = tpu.memref_slice %arg8[%dma_start3A_167, %dma_start3A_168, %dma_start3A_169] : memref<2x40x64xi32, #tpu.memory_space<vmem>> -> memref<1x40x64xi32, #tpu.memory_space<vmem>>
    %dma_start3A_171 = tpu.memref_squeeze %dma_start3A_170 : memref<1x40x64xi32, #tpu.memory_space<vmem>> -> memref<40x64xi32, #tpu.memory_space<vmem>>
    %dma_start3A_172 = arith.constant 64 : i32
    %dma_start3A_173 = tpu.memref_slice %arg4[%add3A_153, %dma_start3A_172] : memref<160000x128xi32, #tpu.memory_space<hbm>> -> memref<40x64xi32, #tpu.memory_space<hbm>>
    %dma_start3A_174 = arith.constant 64 : i32
    %dma_start3A_175 = tpu.memref_slice %arg4[%add3A_153, %dma_start3A_174] : memref<160000x128xi32, #tpu.memory_space<hbm>> -> memref<40x64xi32, #tpu.memory_space<hbm>>
    %dma_start3A_176 = arith.constant 0 : i32
    %dma_start3A_177 = arith.constant 0 : i32
    %dma_start3A_178 = tpu.memref_slice %arg8[%dma_start3A_167, %dma_start3A_176, %dma_start3A_177] : memref<2x40x64xi32, #tpu.memory_space<vmem>> -> memref<1x40x64xi32, #tpu.memory_space<vmem>>
    %dma_start3A_179 = tpu.memref_squeeze %dma_start3A_178 : memref<1x40x64xi32, #tpu.memory_space<vmem>> -> memref<40x64xi32, #tpu.memory_space<vmem>>
    tpu.enqueue_dma source(%dma_start3A_179 : memref<40x64xi32, #tpu.memory_space<vmem>>) target(%dma_start3A_175 : memref<40x64xi32, #tpu.memory_space<hbm>>) target_semaphore(%arg13 : memref<!tpu.dma_semaphore, #tpu.memory_space<semaphore_mem>>)
    %add3A_180 = arith.constant 4920 : i32
    %add3A_181 = arith.addi %mul3A_2, %add3A_180 : i32
    %dma_wait3A_182 = arith.constant 0 : i32
    %dma_wait3A_183 = arith.constant 0 : i32
    %dma_wait3A_184 = arith.constant 0 : i32
    %dma_wait3A_185 = tpu.memref_slice %arg9[%dma_wait3A_182, %dma_wait3A_183, %dma_wait3A_184] : memref<2x40x64xi32, #tpu.memory_space<vmem>> -> memref<1x40x64xi32, #tpu.memory_space<vmem>>
    %dma_wait3A_186 = tpu.memref_squeeze %dma_wait3A_185 : memref<1x40x64xi32, #tpu.memory_space<vmem>> -> memref<40x64xi32, #tpu.memory_space<vmem>>
    %dma_wait3A_187 = arith.constant 0 : i32
    %dma_wait3A_188 = tpu.memref_slice %arg4[%add3A_181, %dma_wait3A_187] : memref<160000x128xi32, #tpu.memory_space<hbm>> -> memref<40x64xi32, #tpu.memory_space<hbm>>
    %dma_wait3A_189 = arith.constant 0 : i32
    %dma_wait3A_190 = tpu.memref_slice %arg4[%add3A_181, %dma_wait3A_189] : memref<160000x128xi32, #tpu.memory_space<hbm>> -> memref<40x64xi32, #tpu.memory_space<hbm>>
    %dma_wait3A_191 = arith.constant 0 : i32
    %dma_wait3A_192 = arith.constant 0 : i32
    %dma_wait3A_193 = tpu.memref_slice %arg9[%dma_wait3A_182, %dma_wait3A_191, %dma_wait3A_192] : memref<2x40x64xi32, #tpu.memory_space<vmem>> -> memref<1x40x64xi32, #tpu.memory_space<vmem>>
    %dma_wait3A_194 = tpu.memref_squeeze %dma_wait3A_193 : memref<1x40x64xi32, #tpu.memory_space<vmem>> -> memref<40x64xi32, #tpu.memory_space<vmem>>
    tpu.wait_dma2 semaphore(%arg14 : memref<!tpu.dma_semaphore, #tpu.memory_space<semaphore_mem>>) src(%dma_wait3A_194 : memref<40x64xi32, #tpu.memory_space<vmem>>) dst(%dma_wait3A_190 : memref<40x64xi32, #tpu.memory_space<hbm>>)
    %dma_wait3A_195 = arith.constant 1 : i32
    %dma_wait3A_196 = arith.constant 0 : i32
    %dma_wait3A_197 = arith.constant 0 : i32
    %dma_wait3A_198 = tpu.memref_slice %arg9[%dma_wait3A_195, %dma_wait3A_196, %dma_wait3A_197] : memref<2x40x64xi32, #tpu.memory_space<vmem>> -> memref<1x40x64xi32, #tpu.memory_space<vmem>>
    %dma_wait3A_199 = tpu.memref_squeeze %dma_wait3A_198 : memref<1x40x64xi32, #tpu.memory_space<vmem>> -> memref<40x64xi32, #tpu.memory_space<vmem>>
    %dma_wait3A_200 = arith.constant 64 : i32
    %dma_wait3A_201 = tpu.memref_slice %arg4[%add3A_181, %dma_wait3A_200] : memref<160000x128xi32, #tpu.memory_space<hbm>> -> memref<40x64xi32, #tpu.memory_space<hbm>>
    %dma_wait3A_202 = arith.constant 64 : i32
    %dma_wait3A_203 = tpu.memref_slice %arg4[%add3A_181, %dma_wait3A_202] : memref<160000x128xi32, #tpu.memory_space<hbm>> -> memref<40x64xi32, #tpu.memory_space<hbm>>
    %dma_wait3A_204 = arith.constant 0 : i32
    %dma_wait3A_205 = arith.constant 0 : i32
    %dma_wait3A_206 = tpu.memref_slice %arg9[%dma_wait3A_195, %dma_wait3A_204, %dma_wait3A_205] : memref<2x40x64xi32, #tpu.memory_space<vmem>> -> memref<1x40x64xi32, #tpu.memory_space<vmem>>
    %dma_wait3A_207 = tpu.memref_squeeze %dma_wait3A_206 : memref<1x40x64xi32, #tpu.memory_space<vmem>> -> memref<40x64xi32, #tpu.memory_space<vmem>>
    tpu.wait_dma2 semaphore(%arg14 : memref<!tpu.dma_semaphore, #tpu.memory_space<semaphore_mem>>) src(%dma_wait3A_207 : memref<40x64xi32, #tpu.memory_space<vmem>>) dst(%dma_wait3A_203 : memref<40x64xi32, #tpu.memory_space<hbm>>)
    %add3A_208 = arith.constant 4960 : i32
    %add3A_209 = arith.addi %mul3A_2, %add3A_208 : i32
    %dma_wait3A_210 = arith.constant 0 : i32
    %dma_wait3A_211 = arith.constant 0 : i32
    %dma_wait3A_212 = arith.constant 0 : i32
    %dma_wait3A_213 = tpu.memref_slice %arg8[%dma_wait3A_210, %dma_wait3A_211, %dma_wait3A_212] : memref<2x40x64xi32, #tpu.memory_space<vmem>> -> memref<1x40x64xi32, #tpu.memory_space<vmem>>
    %dma_wait3A_214 = tpu.memref_squeeze %dma_wait3A_213 : memref<1x40x64xi32, #tpu.memory_space<vmem>> -> memref<40x64xi32, #tpu.memory_space<vmem>>
    %dma_wait3A_215 = arith.constant 0 : i32
    %dma_wait3A_216 = tpu.memref_slice %arg4[%add3A_209, %dma_wait3A_215] : memref<160000x128xi32, #tpu.memory_space<hbm>> -> memref<40x64xi32, #tpu.memory_space<hbm>>
    %dma_wait3A_217 = arith.constant 0 : i32
    %dma_wait3A_218 = tpu.memref_slice %arg4[%add3A_209, %dma_wait3A_217] : memref<160000x128xi32, #tpu.memory_space<hbm>> -> memref<40x64xi32, #tpu.memory_space<hbm>>
    %dma_wait3A_219 = arith.constant 0 : i32
    %dma_wait3A_220 = arith.constant 0 : i32
    %dma_wait3A_221 = tpu.memref_slice %arg8[%dma_wait3A_210, %dma_wait3A_219, %dma_wait3A_220] : memref<2x40x64xi32, #tpu.memory_space<vmem>> -> memref<1x40x64xi32, #tpu.memory_space<vmem>>
    %dma_wait3A_222 = tpu.memref_squeeze %dma_wait3A_221 : memref<1x40x64xi32, #tpu.memory_space<vmem>> -> memref<40x64xi32, #tpu.memory_space<vmem>>
    tpu.wait_dma2 semaphore(%arg13 : memref<!tpu.dma_semaphore, #tpu.memory_space<semaphore_mem>>) src(%dma_wait3A_222 : memref<40x64xi32, #tpu.memory_space<vmem>>) dst(%dma_wait3A_218 : memref<40x64xi32, #tpu.memory_space<hbm>>)
    %dma_wait3A_223 = arith.constant 1 : i32
    %dma_wait3A_224 = arith.constant 0 : i32
    %dma_wait3A_225 = arith.constant 0 : i32
    %dma_wait3A_226 = tpu.memref_slice %arg8[%dma_wait3A_223, %dma_wait3A_224, %dma_wait3A_225] : memref<2x40x64xi32, #tpu.memory_space<vmem>> -> memref<1x40x64xi32, #tpu.memory_space<vmem>>
    %dma_wait3A_227 = tpu.memref_squeeze %dma_wait3A_226 : memref<1x40x64xi32, #tpu.memory_space<vmem>> -> memref<40x64xi32, #tpu.memory_space<vmem>>
    %dma_wait3A_228 = arith.constant 64 : i32
    %dma_wait3A_229 = tpu.memref_slice %arg4[%add3A_209, %dma_wait3A_228] : memref<160000x128xi32, #tpu.memory_space<hbm>> -> memref<40x64xi32, #tpu.memory_space<hbm>>
    %dma_wait3A_230 = arith.constant 64 : i32
    %dma_wait3A_231 = tpu.memref_slice %arg4[%add3A_209, %dma_wait3A_230] : memref<160000x128xi32, #tpu.memory_space<hbm>> -> memref<40x64xi32, #tpu.memory_space<hbm>>
    %dma_wait3A_232 = arith.constant 0 : i32
    %dma_wait3A_233 = arith.constant 0 : i32
    %dma_wait3A_234 = tpu.memref_slice %arg8[%dma_wait3A_223, %dma_wait3A_232, %dma_wait3A_233] : memref<2x40x64xi32, #tpu.memory_space<vmem>> -> memref<1x40x64xi32, #tpu.memory_space<vmem>>
    %dma_wait3A_235 = tpu.memref_squeeze %dma_wait3A_234 : memref<1x40x64xi32, #tpu.memory_space<vmem>> -> memref<40x64xi32, #tpu.memory_space<vmem>>
    tpu.wait_dma2 semaphore(%arg13 : memref<!tpu.dma_semaphore, #tpu.memory_space<semaphore_mem>>) src(%dma_wait3A_235 : memref<40x64xi32, #tpu.memory_space<vmem>>) dst(%dma_wait3A_231 : memref<40x64xi32, #tpu.memory_space<hbm>>)
    return
  }
}

module attributes {stable_mosaic.version = 14 : i64} {
  func.func @_table_body(%arg0: i32, %arg1: memref<10000x128xf32, #tpu.memory_space<vmem>>, %arg2: memref<1x128x128xf32, #tpu.memory_space<vmem>>, %arg3: memref<1x128xf32, #tpu.memory_space<vmem>>, %arg4: memref<128x128xf32, #tpu.memory_space<vmem>>, %arg5: memref<1x128xf32, #tpu.memory_space<vmem>>, %arg6: memref<1x10000x64xi32, #tpu.memory_space<vmem>>) attributes {dimension_semantics = [#tpu.dimension_semantics<arbitrary>], iteration_bounds = array<i64: 2>, scalar_prefetch = 0 : i64, scratch_operands = 0 : i64, tpu.core_type = #tpu.core_type<tc>, window_params = [{pipeline_mode = #tpu.pipeline_mode<synchronous>, transform_indices = @transform_0, window_bounds = array<i64: 10000, 128>}, {transform_indices = @transform_1, window_bounds = array<i64: 1, 128, 128>}, {pipeline_mode = #tpu.pipeline_mode<synchronous>, transform_indices = @transform_2, window_bounds = array<i64: 1, 128>}, {pipeline_mode = #tpu.pipeline_mode<synchronous>, transform_indices = @transform_3, window_bounds = array<i64: 128, 128>}, {pipeline_mode = #tpu.pipeline_mode<synchronous>, transform_indices = @transform_4, window_bounds = array<i64: 1, 128>}, {transform_indices = @transform_5, window_bounds = array<i64: 1, 10000, 64>}]} {
    %get3A = arith.constant 0 : index
    %get3A_0 = arith.constant 0 : index
    %get3A_1 = vector.load %arg3[%get3A, %get3A_0] : memref<1x128xf32, #tpu.memory_space<vmem>>, vector<1x128xf32>
    %get3A_2 = arith.constant 0 : index
    %get3A_3 = arith.constant 0 : index
    %get3A_4 = vector.load %arg4[%get3A_2, %get3A_3] : memref<128x128xf32, #tpu.memory_space<vmem>>, vector<128x128xf32>
    %dot_general3A = arith.constant dense<0.000000e+00> : vector<1x128xf32>
    %dot_general3A_5 = tpu.matmul %get3A_1, %get3A_4, %dot_general3A {dimension_numbers = #tpu.dot_dimension_numbers<[1], [0], [0], [1], [0, 0, 1, 1], [], []>, transpose_lhs_hint = false} : vector<1x128xf32>, vector<128x128xf32>, vector<1x128xf32> -> vector<1x128xf32>
    %get3A_6 = arith.constant 0 : index
    %get3A_7 = arith.constant 0 : index
    %get3A_8 = vector.load %arg5[%get3A_6, %get3A_7] : memref<1x128xf32, #tpu.memory_space<vmem>>, vector<1x128xf32>
    %add3A = arith.addf %dot_general3A_5, %get3A_8 : vector<1x128xf32>
    %mul3A = arith.constant 5.000000e-01 : f32
    %mul3A_9 = vector.broadcast %mul3A : f32 to vector<1x128xf32>
    %mul3A_10 = arith.mulf %add3A, %mul3A_9 : vector<1x128xf32>
    %get3A_11 = arith.constant 0 : index
    %get3A_12 = arith.constant 0 : index
    %get3A_13 = vector.load %arg1[%get3A_11, %get3A_12] : memref<10000x128xf32, #tpu.memory_space<vmem>>, vector<10000x128xf32>
    %get3A_14 = arith.constant 0 : index
    %get3A_15 = arith.constant 0 : index
    %get3A_16 = arith.constant 0 : index
    %get3A_17 = vector.load %arg2[%get3A_14, %get3A_15, %get3A_16] : memref<1x128x128xf32, #tpu.memory_space<vmem>>, vector<1x128x128xf32>
    %get3A_18 = vector.shape_cast %get3A_17 : vector<1x128x128xf32> to vector<128x128xf32>
    %dot_general3A_19 = arith.constant dense<0.000000e+00> : vector<10000x128xf32>
    %dot_general3A_20 = tpu.matmul %get3A_13, %get3A_18, %dot_general3A_19 {dimension_numbers = #tpu.dot_dimension_numbers<[1], [0], [0], [1], [0, 0, 1, 1], [], []>, transpose_lhs_hint = false} : vector<10000x128xf32>, vector<128x128xf32>, vector<10000x128xf32> -> vector<10000x128xf32>
    %add3A_21 = vector.broadcast %mul3A_10 : vector<1x128xf32> to vector<10000x128xf32>
    %add3A_22 = arith.addf %dot_general3A_20, %add3A_21 : vector<10000x128xf32>
    %slice3A = vector.extract_strided_slice %add3A_22 {offsets = [0, 0], sizes = [10000, 64], strides = [1, 1]} : vector<10000x128xf32> to vector<10000x64xf32>
    %bitcast_convert_type3A = tpu.bitcast %slice3A : vector<10000x64xf32> -> vector<10000x64xi32>
    %add3A_23 = arith.constant 32767 : i32
    %add3A_24 = vector.broadcast %add3A_23 : i32 to vector<10000x64xi32>
    %add3A_25 = arith.addi %bitcast_convert_type3A, %add3A_24 : vector<10000x64xi32>
    %shift_right_logical3A = arith.constant 16 : i32
    %shift_right_logical3A_26 = vector.broadcast %shift_right_logical3A : i32 to vector<10000x64xi32>
    %shift_right_logical3A_27 = arith.shrui %bitcast_convert_type3A, %shift_right_logical3A_26 : vector<10000x64xi32>
    %and3A = arith.constant 1 : i32
    %and3A_28 = vector.broadcast %and3A : i32 to vector<10000x64xi32>
    %and3A_29 = arith.andi %shift_right_logical3A_27, %and3A_28 : vector<10000x64xi32>
    %add3A_30 = arith.addi %add3A_25, %and3A_29 : vector<10000x64xi32>
    %shift_right_logical3A_31 = arith.constant 16 : i32
    %shift_right_logical3A_32 = vector.broadcast %shift_right_logical3A_31 : i32 to vector<10000x64xi32>
    %shift_right_logical3A_33 = arith.shrui %add3A_30, %shift_right_logical3A_32 : vector<10000x64xi32>
    %slice3A_34 = vector.extract_strided_slice %add3A_22 {offsets = [0, 64], sizes = [10000, 64], strides = [1, 1]} : vector<10000x128xf32> to vector<10000x64xf32>
    %bitcast_convert_type3A_35 = tpu.bitcast %slice3A_34 : vector<10000x64xf32> -> vector<10000x64xi32>
    %add3A_36 = arith.constant 32767 : i32
    %add3A_37 = vector.broadcast %add3A_36 : i32 to vector<10000x64xi32>
    %add3A_38 = arith.addi %bitcast_convert_type3A_35, %add3A_37 : vector<10000x64xi32>
    %shift_right_logical3A_39 = arith.constant 16 : i32
    %shift_right_logical3A_40 = vector.broadcast %shift_right_logical3A_39 : i32 to vector<10000x64xi32>
    %shift_right_logical3A_41 = arith.shrui %bitcast_convert_type3A_35, %shift_right_logical3A_40 : vector<10000x64xi32>
    %and3A_42 = arith.constant 1 : i32
    %and3A_43 = vector.broadcast %and3A_42 : i32 to vector<10000x64xi32>
    %and3A_44 = arith.andi %shift_right_logical3A_41, %and3A_43 : vector<10000x64xi32>
    %add3A_45 = arith.addi %add3A_38, %and3A_44 : vector<10000x64xi32>
    %shift_right_logical3A_46 = arith.constant 16 : i32
    %shift_right_logical3A_47 = vector.broadcast %shift_right_logical3A_46 : i32 to vector<10000x64xi32>
    %shift_right_logical3A_48 = arith.shrui %add3A_45, %shift_right_logical3A_47 : vector<10000x64xi32>
    %shift_left3A = arith.constant 16 : i32
    %shift_left3A_49 = vector.broadcast %shift_left3A : i32 to vector<10000x64xi32>
    %shift_left3A_50 = arith.shli %shift_right_logical3A_48, %shift_left3A_49 : vector<10000x64xi32>
    %or3A = arith.ori %shift_right_logical3A_33, %shift_left3A_50 : vector<10000x64xi32>
    %bitcast_convert_type3A_51 = tpu.bitcast %or3A : vector<10000x64xi32> -> vector<10000x64xi32>
    %swap3A = arith.constant 0 : index
    %swap3A_52 = arith.constant 0 : index
    %swap3A_53 = arith.constant 0 : index
    %swap3A_54 = vector.load %arg6[%swap3A, %swap3A_52, %swap3A_53] : memref<1x10000x64xi32, #tpu.memory_space<vmem>>, vector<1x10000x64xi32>
    %swap3A_55 = vector.shape_cast %swap3A_54 : vector<1x10000x64xi32> to vector<10000x64xi32>
    %swap3A_56 = vector.shape_cast %bitcast_convert_type3A_51 : vector<10000x64xi32> to vector<1x10000x64xi32>
    tpu.vector_store %arg6[%swap3A, %swap3A_52, %swap3A_53], %swap3A_56 {strides = array<i32>} : memref<1x10000x64xi32, #tpu.memory_space<vmem>>, vector<1x10000x64xi32>,
    return
  }
  func.func @transform_0(%arg0: i32) -> (i32, i32) {
    %c0_i32 = arith.constant 0 : i32
    %c0_i32_0 = arith.constant 0 : i32
    %c0_i32_1 = arith.constant 0 : i32
    return %c0_i32, %c0_i32_0 : i32, i32
  }
  func.func @transform_1(%arg0: i32) -> (i32, i32, i32) {
    %c0_i32 = arith.constant 0 : i32
    %c0_i32_0 = arith.constant 0 : i32
    %c0_i32_1 = arith.constant 0 : i32
    return %arg0, %c0_i32, %c0_i32_0 : i32, i32, i32
  }
  func.func @transform_2(%arg0: i32) -> (i32, i32) {
    %c0_i32 = arith.constant 0 : i32
    %c0_i32_0 = arith.constant 0 : i32
    %c0_i32_1 = arith.constant 0 : i32
    return %c0_i32, %c0_i32_0 : i32, i32
  }
  func.func @transform_3(%arg0: i32) -> (i32, i32) {
    %c0_i32 = arith.constant 0 : i32
    %c0_i32_0 = arith.constant 0 : i32
    %c0_i32_1 = arith.constant 0 : i32
    return %c0_i32, %c0_i32_0 : i32, i32
  }
  func.func @transform_4(%arg0: i32) -> (i32, i32) {
    %c0_i32 = arith.constant 0 : i32
    %c0_i32_0 = arith.constant 0 : i32
    %c0_i32_1 = arith.constant 0 : i32
    return %c0_i32, %c0_i32_0 : i32, i32
  }
  func.func @transform_5(%arg0: i32) -> (i32, i32, i32) {
    %c0_i32 = arith.constant 0 : i32
    %c0_i32_0 = arith.constant 0 : i32
    %c0_i32_1 = arith.constant 0 : i32
    return %arg0, %c0_i32, %c0_i32_0 : i32, i32, i32
  }
}

module attributes {stable_mosaic.version = 14 : i64} {
  func.func @_fuse_body0(%arg0: i32, %arg1: memref<16x6400xf32, #tpu.memory_space<vmem>>, %arg2: memref<16x128xf32, #tpu.memory_space<vmem>>, %arg3: memref<6400x128xi32, #tpu.memory_space<vmem>>, %arg4: memref<6400x128xf32, #tpu.memory_space<vmem>>) attributes {dimension_semantics = [#tpu.dimension_semantics<arbitrary>], iteration_bounds = array<i64: 25>, scalar_prefetch = 0 : i64, scratch_operands = 0 : i64, tpu.core_type = #tpu.core_type<tc>, window_params = [{transform_indices = @transform_0, window_bounds = array<i64: 16, 6400>}, {pipeline_mode = #tpu.pipeline_mode<synchronous>, transform_indices = @transform_1, window_bounds = array<i64: 16, 128>}, {transform_indices = @transform_2, window_bounds = array<i64: 6400, 128>}, {transform_indices = @transform_3, window_bounds = array<i64: 6400, 128>}]} {
    %get3A = arith.constant 0 : index
    %get3A_0 = arith.constant 0 : index
    %get3A_1 = vector.load %arg1[%get3A, %get3A_0] : memref<16x6400xf32, #tpu.memory_space<vmem>>, vector<16x6400xf32>
    %get3A_2 = arith.constant 0 : index
    %get3A_3 = arith.constant 0 : index
    %get3A_4 = vector.load %arg2[%get3A_2, %get3A_3] : memref<16x128xf32, #tpu.memory_space<vmem>>, vector<16x128xf32>
    %dot_general3A = arith.constant dense<0.000000e+00> : vector<6400x128xf32>
    %dot_general3A_5 = tpu.matmul %get3A_1, %get3A_4, %dot_general3A {dimension_numbers = #tpu.dot_dimension_numbers<[0], [0], [1], [1], [0, 1, 1, 1], [], []>, transpose_lhs_hint = false} : vector<16x6400xf32>, vector<16x128xf32>, vector<6400x128xf32> -> vector<6400x128xf32>
    %get3A_6 = arith.constant 0 : index
    %get3A_7 = arith.constant 0 : index
    %get3A_8 = vector.load %arg3[%get3A_6, %get3A_7] : memref<6400x128xi32, #tpu.memory_space<vmem>>, vector<6400x128xi32>
    %slice3A = vector.extract_strided_slice %get3A_8 {offsets = [0, 0], sizes = [6400, 64], strides = [1, 1]} : vector<6400x128xi32> to vector<6400x64xi32>
    %bitcast_convert_type3A = tpu.bitcast %slice3A : vector<6400x64xi32> -> vector<6400x64xi32>
    %shift_left3A = arith.constant 16 : i32
    %shift_left3A_9 = vector.broadcast %shift_left3A : i32 to vector<6400x64xi32>
    %shift_left3A_10 = arith.shli %bitcast_convert_type3A, %shift_left3A_9 : vector<6400x64xi32>
    %bitcast_convert_type3A_11 = tpu.bitcast %shift_left3A_10 : vector<6400x64xi32> -> vector<6400x64xf32>
    %and3A = arith.constant -65536 : i32
    %and3A_12 = vector.broadcast %and3A : i32 to vector<6400x64xi32>
    %and3A_13 = arith.andi %bitcast_convert_type3A, %and3A_12 : vector<6400x64xi32>
    %bitcast_convert_type3A_14 = tpu.bitcast %and3A_13 : vector<6400x64xi32> -> vector<6400x64xf32>
    %slice3A_15 = vector.extract_strided_slice %get3A_8 {offsets = [0, 64], sizes = [6400, 64], strides = [1, 1]} : vector<6400x128xi32> to vector<6400x64xi32>
    %bitcast_convert_type3A_16 = tpu.bitcast %slice3A_15 : vector<6400x64xi32> -> vector<6400x64xi32>
    %shift_left3A_17 = arith.constant 16 : i32
    %shift_left3A_18 = vector.broadcast %shift_left3A_17 : i32 to vector<6400x64xi32>
    %shift_left3A_19 = arith.shli %bitcast_convert_type3A_16, %shift_left3A_18 : vector<6400x64xi32>
    %bitcast_convert_type3A_20 = tpu.bitcast %shift_left3A_19 : vector<6400x64xi32> -> vector<6400x64xf32>
    %and3A_21 = arith.constant -65536 : i32
    %and3A_22 = vector.broadcast %and3A_21 : i32 to vector<6400x64xi32>
    %and3A_23 = arith.andi %bitcast_convert_type3A_16, %and3A_22 : vector<6400x64xi32>
    %bitcast_convert_type3A_24 = tpu.bitcast %and3A_23 : vector<6400x64xi32> -> vector<6400x64xf32>
    %slice3A_25 = vector.extract_strided_slice %dot_general3A_5 {offsets = [0, 0], sizes = [6400, 64], strides = [1, 1]} : vector<6400x128xf32> to vector<6400x64xf32>
    %add3A = arith.addf %slice3A_25, %bitcast_convert_type3A_11 : vector<6400x64xf32>
    %add3A_26 = arith.addf %add3A, %bitcast_convert_type3A_20 : vector<6400x64xf32>
    %max3A = arith.constant 0.000000e+00 : f32
    %max3A_27 = vector.broadcast %max3A : f32 to vector<6400x64xf32>
    %max3A_28 = arith.maximumf %add3A_26, %max3A_27 : vector<6400x64xf32>
    %swap3A = arith.constant 0 : index
    %swap3A_29 = arith.constant 0 : index
    %swap3A_30 = vector.load %arg4[%swap3A, %swap3A_29] : memref<6400x128xf32, #tpu.memory_space<vmem>>, vector<6400x64xf32>
    tpu.vector_store %arg4[%swap3A, %swap3A_29], %max3A_28 {strides = array<i32>} : memref<6400x128xf32, #tpu.memory_space<vmem>>, vector<6400x64xf32>,
    %slice3A_31 = vector.extract_strided_slice %dot_general3A_5 {offsets = [0, 64], sizes = [6400, 64], strides = [1, 1]} : vector<6400x128xf32> to vector<6400x64xf32>
    %add3A_32 = arith.addf %slice3A_31, %bitcast_convert_type3A_14 : vector<6400x64xf32>
    %add3A_33 = arith.addf %add3A_32, %bitcast_convert_type3A_24 : vector<6400x64xf32>
    %max3A_34 = arith.constant 0.000000e+00 : f32
    %max3A_35 = vector.broadcast %max3A_34 : f32 to vector<6400x64xf32>
    %max3A_36 = arith.maximumf %add3A_33, %max3A_35 : vector<6400x64xf32>
    %swap3A_37 = arith.constant 0 : index
    %swap3A_38 = arith.constant 64 : index
    %swap3A_39 = vector.load %arg4[%swap3A_37, %swap3A_38] : memref<6400x128xf32, #tpu.memory_space<vmem>>, vector<6400x64xf32>
    tpu.vector_store %arg4[%swap3A_37, %swap3A_38], %max3A_36 {strides = array<i32>} : memref<6400x128xf32, #tpu.memory_space<vmem>>, vector<6400x64xf32>,
    return
  }
  func.func @transform_0(%arg0: i32) -> (i32, i32) {
    %c0_i32 = arith.constant 0 : i32
    %c0_i32_0 = arith.constant 0 : i32
    return %c0_i32, %arg0 : i32, i32
  }
  func.func @transform_1(%arg0: i32) -> (i32, i32) {
    %c0_i32 = arith.constant 0 : i32
    %c0_i32_0 = arith.constant 0 : i32
    %c0_i32_1 = arith.constant 0 : i32
    return %c0_i32, %c0_i32_0 : i32, i32
  }
  func.func @transform_2(%arg0: i32) -> (i32, i32) {
    %c0_i32 = arith.constant 0 : i32
    %c0_i32_0 = arith.constant 0 : i32
    return %arg0, %c0_i32 : i32, i32
  }
  func.func @transform_3(%arg0: i32) -> (i32, i32) {
    %c0_i32 = arith.constant 0 : i32
    %c0_i32_0 = arith.constant 0 : i32
    return %arg0, %c0_i32 : i32, i32
  }
}

module attributes {stable_mosaic.version = 14 : i64} {
  func.func @_fuse_body1(%arg0: i32, %arg1: memref<320000x128xf32, #tpu.memory_space<any>>, %arg2: memref<16x6400xf32, #tpu.memory_space<vmem>>, %arg3: memref<16x128xf32, #tpu.memory_space<vmem>>, %arg4: memref<6400x128xi32, #tpu.memory_space<vmem>>, %arg5: memref<6400x128xf32, #tpu.memory_space<vmem>>) attributes {dimension_semantics = [#tpu.dimension_semantics<arbitrary>], iteration_bounds = array<i64: 25>, scalar_prefetch = 0 : i64, scratch_operands = 0 : i64, tpu.core_type = #tpu.core_type<tc>, window_params = [{}, {transform_indices = @transform_1, window_bounds = array<i64: 16, 6400>}, {pipeline_mode = #tpu.pipeline_mode<synchronous>, transform_indices = @transform_2, window_bounds = array<i64: 16, 128>}, {transform_indices = @transform_3, window_bounds = array<i64: 6400, 128>}, {transform_indices = @transform_4, window_bounds = array<i64: 6400, 128>}]} {
    %get3A = arith.constant 0 : index
    %get3A_0 = arith.constant 0 : index
    %get3A_1 = vector.load %arg2[%get3A, %get3A_0] : memref<16x6400xf32, #tpu.memory_space<vmem>>, vector<16x6400xf32>
    %get3A_2 = arith.constant 0 : index
    %get3A_3 = arith.constant 0 : index
    %get3A_4 = vector.load %arg3[%get3A_2, %get3A_3] : memref<16x128xf32, #tpu.memory_space<vmem>>, vector<16x128xf32>
    %dot_general3A = arith.constant dense<0.000000e+00> : vector<6400x128xf32>
    %dot_general3A_5 = tpu.matmul %get3A_1, %get3A_4, %dot_general3A {dimension_numbers = #tpu.dot_dimension_numbers<[0], [0], [1], [1], [0, 1, 1, 1], [], []>, transpose_lhs_hint = false} : vector<16x6400xf32>, vector<16x128xf32>, vector<6400x128xf32> -> vector<6400x128xf32>
    %get3A_6 = arith.constant 0 : index
    %get3A_7 = arith.constant 0 : index
    %get3A_8 = vector.load %arg4[%get3A_6, %get3A_7] : memref<6400x128xi32, #tpu.memory_space<vmem>>, vector<6400x128xi32>
    %slice3A = vector.extract_strided_slice %get3A_8 {offsets = [0, 0], sizes = [6400, 64], strides = [1, 1]} : vector<6400x128xi32> to vector<6400x64xi32>
    %bitcast_convert_type3A = tpu.bitcast %slice3A : vector<6400x64xi32> -> vector<6400x64xi32>
    %shift_left3A = arith.constant 16 : i32
    %shift_left3A_9 = vector.broadcast %shift_left3A : i32 to vector<6400x64xi32>
    %shift_left3A_10 = arith.shli %bitcast_convert_type3A, %shift_left3A_9 : vector<6400x64xi32>
    %bitcast_convert_type3A_11 = tpu.bitcast %shift_left3A_10 : vector<6400x64xi32> -> vector<6400x64xf32>
    %and3A = arith.constant -65536 : i32
    %and3A_12 = vector.broadcast %and3A : i32 to vector<6400x64xi32>
    %and3A_13 = arith.andi %bitcast_convert_type3A, %and3A_12 : vector<6400x64xi32>
    %bitcast_convert_type3A_14 = tpu.bitcast %and3A_13 : vector<6400x64xi32> -> vector<6400x64xf32>
    %slice3A_15 = vector.extract_strided_slice %get3A_8 {offsets = [0, 64], sizes = [6400, 64], strides = [1, 1]} : vector<6400x128xi32> to vector<6400x64xi32>
    %bitcast_convert_type3A_16 = tpu.bitcast %slice3A_15 : vector<6400x64xi32> -> vector<6400x64xi32>
    %shift_left3A_17 = arith.constant 16 : i32
    %shift_left3A_18 = vector.broadcast %shift_left3A_17 : i32 to vector<6400x64xi32>
    %shift_left3A_19 = arith.shli %bitcast_convert_type3A_16, %shift_left3A_18 : vector<6400x64xi32>
    %bitcast_convert_type3A_20 = tpu.bitcast %shift_left3A_19 : vector<6400x64xi32> -> vector<6400x64xf32>
    %and3A_21 = arith.constant -65536 : i32
    %and3A_22 = vector.broadcast %and3A_21 : i32 to vector<6400x64xi32>
    %and3A_23 = arith.andi %bitcast_convert_type3A_16, %and3A_22 : vector<6400x64xi32>
    %bitcast_convert_type3A_24 = tpu.bitcast %and3A_23 : vector<6400x64xi32> -> vector<6400x64xf32>
    %slice3A_25 = vector.extract_strided_slice %dot_general3A_5 {offsets = [0, 0], sizes = [6400, 64], strides = [1, 1]} : vector<6400x128xf32> to vector<6400x64xf32>
    %add3A = arith.addf %slice3A_25, %bitcast_convert_type3A_11 : vector<6400x64xf32>
    %add3A_26 = arith.addf %add3A, %bitcast_convert_type3A_20 : vector<6400x64xf32>
    %max3A = arith.constant 0.000000e+00 : f32
    %max3A_27 = vector.broadcast %max3A : f32 to vector<6400x64xf32>
    %max3A_28 = arith.maximumf %add3A_26, %max3A_27 : vector<6400x64xf32>
    %swap3A = arith.constant 0 : index
    %swap3A_29 = arith.constant 0 : index
    %swap3A_30 = vector.load %arg5[%swap3A, %swap3A_29] : memref<6400x128xf32, #tpu.memory_space<vmem>>, vector<6400x64xf32>
    tpu.vector_store %arg5[%swap3A, %swap3A_29], %max3A_28 {strides = array<i32>} : memref<6400x128xf32, #tpu.memory_space<vmem>>, vector<6400x64xf32>,
    %slice3A_31 = vector.extract_strided_slice %dot_general3A_5 {offsets = [0, 64], sizes = [6400, 64], strides = [1, 1]} : vector<6400x128xf32> to vector<6400x64xf32>
    %add3A_32 = arith.addf %slice3A_31, %bitcast_convert_type3A_14 : vector<6400x64xf32>
    %add3A_33 = arith.addf %add3A_32, %bitcast_convert_type3A_24 : vector<6400x64xf32>
    %max3A_34 = arith.constant 0.000000e+00 : f32
    %max3A_35 = vector.broadcast %max3A_34 : f32 to vector<6400x64xf32>
    %max3A_36 = arith.maximumf %add3A_33, %max3A_35 : vector<6400x64xf32>
    %swap3A_37 = arith.constant 0 : index
    %swap3A_38 = arith.constant 64 : index
    %swap3A_39 = vector.load %arg5[%swap3A_37, %swap3A_38] : memref<6400x128xf32, #tpu.memory_space<vmem>>, vector<6400x64xf32>
    tpu.vector_store %arg5[%swap3A_37, %swap3A_38], %max3A_36 {strides = array<i32>} : memref<6400x128xf32, #tpu.memory_space<vmem>>, vector<6400x64xf32>,
    return
  }
  func.func @transform_1(%arg0: i32) -> (i32, i32) {
    %add3A = arith.constant 25 : i32
    %add3A_0 = arith.addi %arg0, %add3A : i32
    %c0_i32 = arith.constant 0 : i32
    %c0_i32_1 = arith.constant 0 : i32
    return %c0_i32, %add3A_0 : i32, i32
  }
  func.func @transform_2(%arg0: i32) -> (i32, i32) {
    %c0_i32 = arith.constant 0 : i32
    %c0_i32_0 = arith.constant 0 : i32
    %c0_i32_1 = arith.constant 0 : i32
    return %c0_i32, %c0_i32_0 : i32, i32
  }
  func.func @transform_3(%arg0: i32) -> (i32, i32) {
    %c0_i32 = arith.constant 0 : i32
    %c0_i32_0 = arith.constant 0 : i32
    return %arg0, %c0_i32 : i32, i32
  }
  func.func @transform_4(%arg0: i32) -> (i32, i32) {
    %add3A = arith.constant 25 : i32
    %add3A_0 = arith.addi %arg0, %add3A : i32
    %c0_i32 = arith.constant 0 : i32
    %c0_i32_1 = arith.constant 0 : i32
    return %add3A_0, %c0_i32 : i32, i32
  }
}

</mosaic_0001>

<sc_bundles>
// kernel: kernel.10.cloned.1.call-start
scs
__scs_entry_jumppad:
0x0: {  	(pc) =	sbr.rel $0x88, $3  }
0x1: {  	(tag) =	ssettag $0x0;
	lr =	simm.s32 $0x1  }
0x2: {  	[smem:$0x3F9B] =	sst lr;
	_ =	strace $0xD0000000  }
0x3: {  	_ = 	snop  }
0x4: {  	_ = 	snop  }
0x5: {  	_ = 	snop  }
0x6: {  	_ = 	snop  }
0x7: {  	_ = 	snop  }
__scs_overlays_trampoline_lowered:
0x8: {  	[smem:$0x3FAA] =	sst s0  }
0x9: {  	[smem:$0x3FAB] =	sst s1  }
0xa: {  	[smem:$0x3FAC] =	sst s2  }
0xb: {  	[smem:$0x3FAD] =	sst s3  }
0xc: {  	[smem:$0x3FAE] =	sst s4  }
0xd: {  	[smem:$0x3FAF] =	sst s5  }
0xe: {  	[smem:$0x3FB0] =	sst s6  }
0xf: {  	[smem:$0x3FB1] =	sst s7  }
0x10: {  	[smem:$0x3FB2] =	sst s8  }
0x11: {  	[smem:$0x3FB3] =	sst s9;
	s0 =	simm.s32 @!p0 $0x0  }
0x12: {  	s1 =	sld [smem:$0x3F99];
	s0 =	simm.s32 @p0 $0x1  }
0x13: {  	[smem:$0x3FB4] =	sst s0;
	s0 =	simm.s32 @!p1 $0x0  }
0x14: {  	s2 =	sld [smem:$0x3F98];
	s0 =	simm.s32 @p1 $0x1  }
0x15: {  	[smem:$0x3FB5] =	sst s0;
	s0 =	simm.s32 @!p2 $0x0  }
0x16: {  	s3 =	sld [smem:$0x3FDB];
	s0 =	simm.s32 @p2 $0x1  }
0x17: {  	s4 =	simm.s32 $0x1BF5;
	[smem:$0x3FB7] =	sst s0  }
0x18: {  	s0 =	sld [smem:$0x3F9A];
	_ =	swait.ge [sflag:s4], $0x0  }
0x19: {  	s7 =	sld [smem:$0x3F9B]  }
0x1a: {  	s8 =	sadd.s32 $0xFFFFE003, lr  }
0x1b: {  	s9 =	sadd.s32 $0xFFFFFEF7, lr;
	s5 =	simm.s32 $0xFFFFFFFF;
	p2 =	slt.u32 s8, $0xFFFFF086  }
0x1c: {  	p1 =	slt.u32 s9, $0xF7A;
	s5 =	simm.s32 @!p2 $0x0  }
0x1d: {  	s5 =	simm.s32 @p1 $0x1;
	p0 =	seq.s32 s7, s2  }
0x1e: {  	s7 =	smul.u32 @!p0 $0xF7A, s2;
	p2 =	seq.s32 @!p0 s5, $0x0  }
0x1f: {  	s9 =	smul.u32 $0xF7A, s1;
	s8 =	simm.s32 @!p0 $0x1BF5;
	p2 =	por !p2, p0  }
0x20: {  	[sflag:s8] =	ssyncset.s32 @!p0 $0xFFFFF086;
	s6 =	sadd.s32 @!p0 s3, s7;
	s7 =	simm.s32 @!p0 $0x108  }
0x21: {  	s3 =	sadd.s32 s3, s9;
	s6 =	sadd.s32 @!p0 $0x88, s6;
	s7 =	simm.s32 @p2 $0x1082  }
0x22: {  	[simem:s7], [sflag:s8] =	dma.local @!p0 [hbm:s6], $0xF7A  }
0x23: {  	s9 =	sor.u32 $0xD0000000, s2;
	s6 =	simm.s32 $0x108;
	_ =	swait.ge @!p0 [sflag:s8], $0x0  }
0x24: {  	s3 =	sadd.s32 $0x88, s3;
	s6 =	simm.s32 @!p1 $0x1082;
	[sflag:s4] =	ssyncset.s32 $0xFFFFF086  }
0x25: {  	[simem:s6], [sflag:s4] =	dma.local [hbm:s3], $0xF7A  }
0x26: {  	[smem:$0x3F9B] =	sst s1;
	(tag) =	ssettag s2;
	_ =	strace s9  }
0x27: {  	s1 =	sld [smem:$0x3FAB]  }
0x28: {  	s2 =	sld [smem:$0x3FAC]  }
0x29: {  	s4 =	sld [smem:$0x3FAE]  }
0x2a: {  	p0 =	seq.s32 s5, $0x0;
	s5 =	sld [smem:$0x3FAF]  }
0x2b: {  	s6 =	sld [smem:$0x3FB0]  }
0x2c: {  	s7 =	sld [smem:$0x3FB1]  }
0x2d: {  	s3 =	simm.s32 $0x108;
	s8 =	sld [smem:$0x3FB2]  }
0x2e: {  	s3 =	simm.s32 @!p0 $0x1082;
	s9 =	sld [smem:$0x3FB3]  }
0x2f: {  	lr =	sadd.s32 s0, s3;
	s0 =	sld [smem:$0x3FAA]  }
0x30: {  	s3 =	sld [smem:$0x3FAD]  }
0x31: {  	[smem:$0x3FB6] =	sst s10  }
0x32: {  	s10 =	sld [smem:$0x3FB4];
	_ =	sdelay $0x3  }
0x33: {  	p0 =	seq.s32 s10, $0x1;
	s10 =	sld [smem:$0x3FB6];
	_ =	sdelay $0x3  }
0x34: {  	[smem:$0x3FB6] =	sst s10  }
0x35: {  	s10 =	sld [smem:$0x3FB5];
	_ =	sdelay $0x3  }
0x36: {  	p1 =	seq.s32 s10, $0x1;
	s10 =	sld [smem:$0x3FB6];
	_ =	sdelay $0x3  }
0x37: {  	[smem:$0x3FB6] =	sst s10  }
0x38: {  	s10 =	sld [smem:$0x3FB7]  }
0x39: {  	_ = 	snop;
	(pc) =	sbr.ind lr, $3  }
0x3a: {  	_ = 	snop  }
0x3b: {  	_ = 	snop  }
0x3c: {  	p2 =	seq.s32 s10, $0x1;
	s10 =	sld [smem:$0x3FB6]  }
0x3d: {  	_ =	shalt  }
0x3e: {  	_ =	shalt  }
0x3f: {  	_ =	shalt  }
0x40: {  	_ =	shalt  }
0x41: {  	_ =	shalt  }
0x42: {  	_ =	shalt  }
0x43: {  	_ =	shalt  }
0x44: {  	_ =	shalt  }
0x45: {  	_ =	shalt  }
0x46: {  	_ =	shalt  }
0x47: {  	_ =	shalt  }
0x48: {  	_ =	shalt  }
0x49: {  	_ =	shalt  }
0x4a: {  	_ =	shalt  }
0x4b: {  	_ =	shalt  }
0x4c: {  	_ =	shalt  }
0x4d: {  	_ =	shalt  }
0x4e: {  	_ =	shalt  }
0x4f: {  	_ =	shalt  }
0x50: {  	_ =	shalt  }
0x51: {  	_ =	shalt  }
0x52: {  	_ =	shalt  }
0x53: {  	_ =	shalt  }
0x54: {  	_ =	shalt  }
0x55: {  	_ =	shalt  }
0x56: {  	_ =	shalt  }
0x57: {  	_ =	shalt  }
0x58: {  	_ =	shalt  }
0x59: {  	_ =	shalt  }
0x5a: {  	_ =	shalt  }
0x5b: {  	_ =	shalt  }
0x5c: {  	_ =	shalt  }
0x5d: {  	_ =	shalt  }
0x5e: {  	_ =	shalt  }
0x5f: {  	_ =	shalt  }
0x60: {  	_ =	shalt  }
0x61: {  	_ =	shalt  }
0x62: {  	_ =	shalt  }
0x63: {  	_ =	shalt  }
0x64: {  	_ =	shalt  }
0x65: {  	_ =	shalt  }
0x66: {  	_ =	shalt  }
0x67: {  	_ =	shalt  }
0x68: {  	_ =	shalt  }
0x69: {  	_ =	shalt  }
0x6a: {  	_ =	shalt  }
0x6b: {  	_ =	shalt  }
0x6c: {  	_ =	shalt  }
0x6d: {  	_ =	shalt  }
0x6e: {  	_ =	shalt  }
0x6f: {  	_ =	shalt  }
0x70: {  	_ =	shalt  }
0x71: {  	_ =	shalt  }
0x72: {  	_ =	shalt  }
0x73: {  	_ =	shalt  }
0x74: {  	_ =	shalt  }
0x75: {  	_ =	shalt  }
0x76: {  	_ =	shalt  }
0x77: {  	_ =	shalt  }
0x78: {  	_ =	shalt  }
0x79: {  	_ =	shalt  }
0x7a: {  	_ =	shalt  }
0x7b: {  	_ =	shalt  }
0x7c: {  	_ =	shalt  }
0x7d: {  	_ =	shalt  }
0x7e: {  	_ =	shalt  }
0x7f: {  	_ =	shalt  }
0x80: {  	_ =	shalt  }
0x81: {  	_ =	shalt  }
0x82: {  	_ =	shalt  }
0x83: {  	_ =	shalt  }
0x84: {  	_ =	shalt  }
0x85: {  	_ =	shalt  }
0x86: {  	_ =	shalt  }
0x87: {  	_ =	shalt  }
.Lfunc_end0:
.L_simem_size_0:
called_computation.1_lowered:
.L_overlay_start_0:
0x88: {  	s2 =	sld [smem:$0x3FD9]  }
0x89: {  	s3 =	sld [smem:$0x3FFE];
	_ =	sdelay $0x1  }
0x8a: {  	s1 =	srdreg.scid  }
0x8b: {  	s0 =	sand.u32 $0x1, s1  }
0x8c: {  	s17 =	sshll.u32 s0, $0xA;
	s2 =	sadd.s32 s3, s2  }
0x8d: {  	s2 =	sadd.s32 s2, s17  }
0x8e: {  	[smem:$0x3FC2] =	sst s2  }
0x8f: {  	_ = 	snop  }
0x90: {  	(tm) =	ssettm $0x1  }
0x91: {  	s18 =	sld [smem:$0x3FFB];
	_ =	sdelay $0x3  }
0x92: {  	_ =	strace s18  }
0x93: {  	s2 =	sld [smem:$0x3FFC];
	_ =	sdelay $0x3  }
0x94: {  	_ =	strace s2  }
0x95: {  	s2 =	sld [smem:$0x3FFD];
	_ =	sdelay $0x3  }
0x96: {  	_ =	strace s2  }
0x97: {  	_ =	strace $0x8FFFFFFF  }
0x98: {  	s19 =	sld [smem:$0x3FDB];
	_ =	sdelay $0x1  }
0x99: {  	s20 =	simm.s32 $_scs_section_size  }
0x9a: {  	s4 =	simm.s32 $_size__tile_overlayer_lowered;
	s5 =	simm.s32 $_tile_overlayer_lowered  }
0x9b: {  	s6 =	simm.s32 $0x1BFF;
	s21 =	sshll.u32 s5, $0x1;
	s3 =	sadd.s32 s20, s19  }
0x9c: {  	s22 =	simm.s32 $0x0;
	s4 =	sshll.u32 s4, $0x1;
	s5 =	sadd.s32 s21, s3  }
0x9d: {  	[timem:s22], [sflag:s6] =	dma.local [hbm:s5], s4  }
0x9e: {  	_ =	swait.ge [sflag:s6], s4  }
0x9f: {  	s4 =	ssub.s32 $0x0, s4;
	[sflag:s6] =	ssyncset.done $0x0  }
0xa0: {  	[sflag:s6] =	ssyncadd.s32 s4;
	_ =	sdelay $0x1  }
0xa1: {  	s23 =	simm.s32 $0x1B8B  }
0xa2: {  	_ =	swait.ge [sflag:s23], $0x1  }
0xa3: {  	[sflag:s23] =	ssyncset.done $0x0  }
0xa4: {  	[sflag:s23] =	ssyncadd.s32 $0xFFFFFFFF  }
0xa5: {  	s4 =	sld [smem:$0x0]  }
0xa6: {  	s5 =	sand.u32 $0xFFFFFFFE, s1  }
0xa7: {  	p0 =	sne.s32 s1, s5  }
0xa8: {  	s5 =	sshll.u32 @p0 s5, $0xE  }
0xa9: {  	s5 =	sadd.s32 @p0 $0x11B8D, s5;
	s6 =	sshll.u32 @p0 s4, $0x11  }
0xaa: {  	s5 =	sor.u32 @p0 s6, s5  }
0xab: {  	[sflag:s5] =	ssyncadd.remote.s32 @p0 $0x1;
	_ =	sdelay $0x1  }
0xac: {  	s5 =	simm.s32 @p0 $0x1B8D  }
0xad: {  	_ =	swait.eq @p0 [sflag:s5], $0x1  }
0xae: {  	[sflag:s5] =	ssyncadd.s32 @p0 $0xFFFFFFFF  }
0xaf: {  	s6 =	sshll.u32 @!p0 s1, $0xE  }
0xb0: {  	s6 =	sor.u32 @!p0 $0x4000, s6;
	s5 =	simm.s32 @!p0 $0x1B8D  }
0xb1: {  	s4 =	sshll.u32 @!p0 s4, $0x11;
	s6 =	sadd.s32 @!p0 $0x11B8D, s6;
	_ =	swait.eq @!p0 [sflag:s5], $0x1  }
0xb2: {  	s4 =	sor.u32 @!p0 s4, s6;
	[sflag:s5] =	ssyncadd.s32 @!p0 $0xFFFFFFFF  }
0xb3: {  	s25 =	simm.s32 $0x1B8E;
	s24 =	sld [smem:$0x3FFE];
	[sflag:s4] =	ssyncadd.remote.s32 @!p0 $0x1  }
0xb4: {  	s26 =	simm.s32 $execute0_lowered;
	[smem:$0x3FD2] =	sst s25  }
0xb5: {  	s5 =	sshll.u32 s26, $0x1;
	_ =	strace $0x80000049;
	[dreg:$0x1] =	wrdreg $0xFFFFFFFF  }
0xb6: {  	s28 =	simm.s32 $_size_execute0_lowered;
	s3 =	sadd.s32 s3, s5;
	[dreg:$0x0] =	wrdreg $0x0  }
0xb7: {  	s5 =	sshll.u32 s28, $0x1;
	[dreg:$0x2] =	wrdreg s3  }
0xb8: {  	[dreg:$0x3] =	wrdreg s5  }
0xb9: {  	[dreg:$0x4] =	wrdreg $0xC0  }
0xba: {  	_ =	task [dreg:s22], $0x5FFFF  }
0xbb: {  	[dreg:$0x1] =	wrdreg $0xFFFFFFFF  }
0xbc: {  	[dreg:$0x0] =	wrdreg $0x60  }
0xbd: {  	[dreg:$0x2] =	wrdreg s24  }
0xbe: {  	[dreg:$0x3] =	wrdreg $0x0  }
0xbf: {  	[dreg:$0x4] =	wrdreg $0xA  }
0xc0: {  	_ =	task.clear_ibuf [dreg:s22], $0x5FFFF;
	_ =	strace $0x90000049  }
0xc1: {  	s29 =	simm.s32 $0xA;
	_ =	strace $0x8000004B  }
0xc2: {  	_ =	swait.ge [sflag:s29], $0x1  }
0xc3: {  	[sflag:s29] =	ssyncadd.s32 $0xFFFFFFFF  }
0xc4: {  	_ =	strace $0x9000004B  }
0xc5: {  	_ =	sfence  }
0xc6: {  	s30 =	sld [smem:$0x0];
	_ =	sdelay $0x2  }
0xc7: {  	s31 =	sshll.u32 s1, $0xD;
	s1 =	sshrl.u32 s1, $0x2  }
0xc8: {  	s4 =	sand.u32 $0x4000, s31;
	s1 =	sadd.s32 s1, s30  }
0xc9: {  	s0 =	sor.u32 s4, s0;
	s1 =	sshll.u32 s1, $0x11  }
0xca: {  	s0 =	sor.u32 s1, s0  }
0xcb: {  	s0 =	sadd.s32 $0x8F2B, s0  }
0xcc: {  	[sflag:s0] =	ssyncadd.remote.s32 $0x1  }
0xcd: {  	_ =	sfence.sel $0xFFFF  }
0xce: {  	[dreg:$0x0] =	wrdreg $0xFFFFFFFF;
	(pc) =	sbr.abs _section_cstart, $3  }
0xcf: {  	[dreg:$0x1] =	wrdreg $0xFFFFFFFF  }
0xd0: {  	_ =	task.clear_ibuf [dreg:s22], $0x2FFFF;
	_ =	strace $0x9FFFFFFF  }
0xd1: {  	(tm) =	ssettm $0x7FFFFFFF  }
tec
execute0_lowered:
.L_overlay_start_1:
0x0: {  	(tag) =	ssettag $0x1  }
0x1: {  	s0 =	rddreg [dreg:$0x0]  }
0x2: {  	s1 =	rddreg [dreg:$0x1];
	s3 =	srdreg.scid  }
0x3: {  	s4 =	stileid.u32;
	s2 =	simm.s32 $0x0;
	s14 =	simm.s32 $0x13880  }
0x4: {  	s28 =	simm.s32 $0x15720;
	s29 =	simm.s32 $0x4;
	s30 =	simm.s32 $0x5  }
0x5: {  	s31 =	simm.s32 $0x0;
	s3 =	sand.u32 $0x1, s3;
	s5 =	sshll.u32 s4, $0x1  }
0x6: {  	[smem:$0x7FF] =	sst s2;
	s6 =	sadd.s32 $0x16200, s0;
	s16 =	smul.u32 $0x2710, s4  }
0x7: {  	s7 =	sadd.s32 $0x2800, s0;
	s0 =	sadd.s32 $0x2AE400, s0;
	s18 =	smul.u32 $0x27100, s4  }
0x8: {  	p0 =	sne.s32 s4, $0x0;
	s5 =	sor.u32 s3, s5;
	s17 =	smul.u32 $0x1388, s3  }
0x9: {  	_ =	strace $0x8000004A;
	s8 =	ssub.s32 $0x2, s3;
	s15 =	smul.u32 $0x1388, s5  }
0xa: {  	[dreg:$0x4] =	wrdreg s6;
	s3 =	smul.u32 $0x13880, s3;
	s9 =	sshrl.u32 s8, $0x1  }
0xb: {  	s5 =	smul.u32 $0x9C400, s5;
	s8 =	ssub.s32 s8, s9;
	s6 =	sshrl.u32 s15, $0x3  }
0xc: {  	s13 =	sshrl.u32 @!p0 s1, $0x3;
	s20 =	smax.u32 s8, $0x1;
	s6 =	sadd.s32 s7, s6  }
0xd: {  	s5 =	sshrl.u32 s5, $0x3;
	[dreg:$0x9] =	wrdreg s20;
	s10 =	sadd.s32 $0x4E20, s6  }
0xe: {  	s5 =	sadd.s32 s0, s5;
	s6 =	sadd.s32 $0xEA60, s6;
	[dreg:$0x5] =	wrdreg s10  }
0xf: {  	s15 =	simm.s32 $0x138A8;
	s11 =	sadd.s32 $0x13600, s5;
	[dreg:$0x6] =	wrdreg s6  }
0x10: {  	s0 =	sadd.s32 s18, s0;
	s5 =	sadd.s32 $0x13608, s5;
	[dreg:$0x7] =	wrdreg s11  }
0x11: {  	s18 =	simm.s32 $0x1;
	s0 =	sadd.s32 s3, s0;
	[dreg:$0x8] =	wrdreg s5  }
0x12: {  	s20 =	simm.s32 $0x13920;
	s10 =	sadd.s32 s17, s16;
	[dreg:$0x3] =	wrdreg s0  }
0x13: {  	s16 =	simm.s32 $0x138D0;
	s17 =	simm.s32 $0x138F8;
	s19 =	sadd.s32 $0x27150, s10  }
0x14: {  	s22 =	sadd.s32 $0x75350, s10;
	s23 =	sadd.s32 $0x27128, s10;
	s24 =	sadd.s32 $0x75328, s10  }
0x15: {  	s21 =	sshrl.u32 s19, $0x3;
	s0 =	sshrl.u32 s22, $0x3;
	s25 =	sshrl.u32 s23, $0x3  }
0x16: {  	s26 =	sshrl.u32 s24, $0x3;
	s19 =	simm.s32 $0x28;
	s22 =	simm.s32 $0x3  }
0x17: {  	s23 =	simm.s32 $0x40;
	s24 =	simm.s32 $0x80;
	s9 =	sadd.s32 s21, s7  }
0x18: {  	s10 =	sadd.s32 s0, s7;
	s11 =	sadd.s32 s25, s7;
	s12 =	sadd.s32 s26, s7  }
0x19: {  	s21 =	simm.s32 $0x14320;
	s25 =	simm.s32 $0x2;
	s26 =	simm.s32 $0x14D20  }
.LBB2_1:
0x1a: {  	s0 =	simm.s32 @!p0 $0x1C06;
	s3 =	rddreg [dreg:$0x4]  }
0x1b: {  	[spmem:s13], [sflag:s0] =	dma.local @!p0 [hbm:s3], $0x27100  }
0x1c: {  	s0 =	simm.s32 @!p0 $0x6  }
0x1d: {  	_ =	swait.ge @!p0 [sflag:s0], $0x27100  }
0x1e: {  	[sflag:s0] =	ssyncset.done @!p0 $0x0  }
0x1f: {  	[sflag:s0] =	ssyncadd.s32 @!p0 $0xFFFD8F00  }
0x20: {  	[bflag:$0x0] =	sbarrier.arrive $0xFFFF  }
0x21: {  	s5 =	rddreg [dreg:$0x5]  }
0x22: {  	[tilespmem:s14], [sflag:$0x1] =	stream.linear.gather [hbm4b:s5+s2], $0x28, $0x38;
	[tilespmem:$0x16120] =	vst v63  }
0x23: {  	s6 =	rddreg [dreg:$0x6]  }
0x24: {  	[tilespmem:s15], [sflag:$0x1] =	stream.linear.gather [hbm4b:s6+s2], $0x28, $0x38;
	[tilespmem:$0x16120] =	vst v63  }
0x25: {  	_ = 	snop  }
0x26: {  	[tilespmem:s16], [sflag:$0x2] =	stream.linear.gather [hbm4b:s11+s2], $0x28, $0x38;
	[tilespmem:$0x16120] =	vst v63  }
0x27: {  	_ = 	snop  }
0x28: {  	[tilespmem:s17], [sflag:$0x2] =	stream.linear.gather [hbm4b:s12+s2], $0x28, $0x38;
	[tilespmem:$0x16120] =	vst v63  }
0x29: {  	_ =	swait.ge [sflag:s18], $0x28  }
0x2a: {  	[sflag:s18] =	ssyncset.done $0x0  }
0x2b: {  	[sflag:s18] =	ssyncadd.s32 $0xFFFFFFD8  }
0x2c: {  	_ =	swait.ge [sflag:s18], $0x28  }
0x2d: {  	p1 =	por $0x1, $0x1;
	[sflag:s18] =	ssyncset.done $0x0  }
0x2e: {  	s0 =	simm.s32 @!p1 $0x4;
	[sflag:s18] =	ssyncadd.s32 $0xFFFFFFD8  }
0x2f: {  	_ =	swait.ge @!p1 [sflag:s0], $0xA00  }
0x30: {  	[sflag:s0] =	ssyncset.done @!p1 $0x0  }
0x31: {  	[sflag:s0] =	ssyncadd.s32 @!p1 $0xFFFFF600  }
0x32: {  	_ =	swait.ge @!p1 [sflag:s0], $0xA00  }
0x33: {  	[sflag:s0] =	ssyncset.done @!p1 $0x0  }
0x34: {  	[sflag:s0] =	ssyncadd.s32 @!p1 $0xFFFFF600  }
0x35: {  	[tilespmem:s20], [sflag:$0x3] =	stream.indirect.gather [spmem:s1], $0x40, s14, s19, $0xb8;
	[tilespmem:$0x16120] =	vst v63  }
0x36: {  	_ = 	snop  }
0x37: {  	[tilespmem:s21], [sflag:$0x3] =	stream.indirect.gather [spmem:s1], $0x40, s15, s19, $0xb8;
	[tilespmem:$0x16120] =	vst v63  }
0x38: {  	_ =	swait.ge [sflag:s22], $0xA00  }
0x39: {  	[sflag:s22] =	ssyncset.done $0x0  }
0x3a: {  	[sflag:s22] =	ssyncadd.s32 $0xFFFFF600  }
0x3b: {  	_ =	swait.ge [sflag:s22], $0xA00  }
0x3c: {  	s7 =	rddreg [dreg:$0x3];
	[sflag:s22] =	ssyncset.done $0x0  }
0x3d: {  	[sflag:s22] =	ssyncadd.s32 $0xFFFFF600;
	s5 =	sadd.s32 $0x0, s7  }
0x3e: {  	[hbm4b:s5+s23] =	stream.strided.scatter [tilespmem:s20], [sflag:$0x4], $0xA00, s24, s23, $0x38;
	[tilespmem:$0x16120] =	vst v63  }
0x3f: {  	s0 =	sadd.s32 $0x8, s5  }
0x40: {  	[hbm4b:s0+s23] =	stream.strided.scatter [tilespmem:s21], [sflag:$0x4], $0xA00, s24, s23, $0x38;
	[tilespmem:$0x16120] =	vst v63  }
0x41: {  	_ = 	snop  }
0x42: {  	[tilespmem:s14], [sflag:$0x1] =	stream.linear.gather [hbm4b:s9+s2], $0x28, $0x38;
	[tilespmem:$0x16120] =	vst v63  }
0x43: {  	_ = 	snop  }
0x44: {  	[tilespmem:s15], [sflag:$0x1] =	stream.linear.gather [hbm4b:s10+s2], $0x28, $0x38;
	[tilespmem:$0x16120] =	vst v63  }
0x45: {  	_ =	swait.ge [sflag:s25], $0x28  }
0x46: {  	[sflag:s25] =	ssyncset.done $0x0  }
0x47: {  	[sflag:s25] =	ssyncadd.s32 $0xFFFFFFD8  }
0x48: {  	_ =	swait.ge [sflag:s25], $0x28  }
0x49: {  	[sflag:s25] =	ssyncset.done $0x0  }
0x4a: {  	s0 =	simm.s32 @!p1 $0x5;
	[sflag:s25] =	ssyncadd.s32 $0xFFFFFFD8  }
0x4b: {  	_ =	swait.ge @!p1 [sflag:s0], $0xA00  }
0x4c: {  	[sflag:s0] =	ssyncset.done @!p1 $0x0  }
0x4d: {  	[sflag:s0] =	ssyncadd.s32 @!p1 $0xFFFFF600  }
0x4e: {  	_ =	swait.ge @!p1 [sflag:s0], $0xA00  }
0x4f: {  	[sflag:s0] =	ssyncset.done @!p1 $0x0  }
0x50: {  	[sflag:s0] =	ssyncadd.s32 @!p1 $0xFFFFF600  }
0x51: {  	[tilespmem:s26], [sflag:$0x3] =	stream.indirect.gather [spmem:s1], $0x40, s16, s19, $0xb8;
	[tilespmem:$0x16120] =	vst v63  }
0x52: {  	_ = 	snop  }
0x53: {  	[tilespmem:s28], [sflag:$0x3] =	stream.indirect.gather [spmem:s1], $0x40, s17, s19, $0xb8;
	[tilespmem:$0x16120] =	vst v63  }
0x54: {  	_ =	swait.ge [sflag:s22], $0xA00  }
0x55: {  	[sflag:s22] =	ssyncset.done $0x0  }
0x56: {  	s4 =	sadd.s32 $0xA, s11;
	[sflag:s22] =	ssyncadd.s32 $0xFFFFF600  }
0x57: {  	s3 =	sadd.s32 $0xA, s12;
	s6 =	sadd.s32 $0xA, s10;
	_ =	swait.ge [sflag:s22], $0xA00  }
0x58: {  	s8 =	sadd.s32 $0x280, s5;
	s7 =	sadd.s32 $0x288, s5;
	[sflag:s22] =	ssyncset.done $0x0  }
0x59: {  	s5 =	sadd.s32 $0xA, s9;
	s0 =	simm.s32 $0x500;
	[sflag:s22] =	ssyncadd.s32 $0xFFFFF600  }
0x5a: {  	[hbm4b:s8+s23] =	stream.strided.scatter [tilespmem:s26], [sflag:$0x5], $0xA00, s24, s23, $0x38;
	[tilespmem:$0x16120] =	vst v63  }
.LBB2_2:
0x5b: {  	[hbm4b:s7+s23] =	stream.strided.scatter [tilespmem:s28], [sflag:$0x5], $0xA00, s24, s23, $0x38;
	[tilespmem:$0x16120] =	vst v63  }
0x5c: {  	_ = 	snop  }
0x5d: {  	[tilespmem:s16], [sflag:$0x2] =	stream.linear.gather [hbm4b:s4+s2], $0x28, $0x38;
	[tilespmem:$0x16120] =	vst v63  }
0x5e: {  	_ = 	snop  }
0x5f: {  	[tilespmem:s17], [sflag:$0x2] =	stream.linear.gather [hbm4b:s3+s2], $0x28, $0x38;
	[tilespmem:$0x16120] =	vst v63  }
0x60: {  	_ =	swait.ge [sflag:s18], $0x28  }
0x61: {  	[sflag:s18] =	ssyncset.done $0x0  }
0x62: {  	[sflag:s18] =	ssyncadd.s32 $0xFFFFFFD8  }
0x63: {  	s7 =	smov.u32 s0;
	_ =	swait.ge [sflag:s18], $0x28  }
0x64: {  	p2 =	seq.s32 s7, $0x0;
	[sflag:s18] =	ssyncset.done $0x0  }
0x65: {  	s8 =	simm.s32 @!p2 $0x4;
	[sflag:s18] =	ssyncadd.s32 $0xFFFFFFD8  }
0x66: {  	_ =	swait.ge @!p2 [sflag:s8], $0xA00  }
0x67: {  	[sflag:s8] =	ssyncset.done @!p2 $0x0  }
0x68: {  	[sflag:s8] =	ssyncadd.s32 @!p2 $0xFFFFF600  }
0x69: {  	_ =	swait.ge @!p2 [sflag:s8], $0xA00  }
0x6a: {  	[sflag:s8] =	ssyncset.done @!p2 $0x0  }
0x6b: {  	[sflag:s8] =	ssyncadd.s32 @!p2 $0xFFFFF600  }
0x6c: {  	[tilespmem:s20], [sflag:$0x3] =	stream.indirect.gather [spmem:s1], $0x40, s14, s19, $0xb8;
	[tilespmem:$0x16120] =	vst v63  }
0x6d: {  	_ = 	snop  }
0x6e: {  	[tilespmem:s21], [sflag:$0x3] =	stream.indirect.gather [spmem:s1], $0x40, s15, s19, $0xb8;
	[tilespmem:$0x16120] =	vst v63  }
0x6f: {  	_ =	swait.ge [sflag:s22], $0xA00  }
0x70: {  	[sflag:s22] =	ssyncset.done $0x0  }
0x71: {  	[sflag:s22] =	ssyncadd.s32 $0xFFFFF600  }
0x72: {  	_ =	swait.ge [sflag:s22], $0xA00  }
0x73: {  	s8 =	rddreg [dreg:$0x3];
	[sflag:s22] =	ssyncset.done $0x0  }
0x74: {  	[sflag:s22] =	ssyncadd.s32 $0xFFFFF600;
	s7 =	sadd.s32 s7, s8  }
0x75: {  	[hbm4b:s7+s23] =	stream.strided.scatter [tilespmem:s20], [sflag:$0x4], $0xA00, s24, s23, $0x38;
	[tilespmem:$0x16120] =	vst v63  }
0x76: {  	s8 =	sadd.s32 $0x8, s7  }
0x77: {  	[hbm4b:s8+s23] =	stream.strided.scatter [tilespmem:s21], [sflag:$0x4], $0xA00, s24, s23, $0x38;
	[tilespmem:$0x16120] =	vst v63  }
0x78: {  	_ = 	snop  }
0x79: {  	[tilespmem:s14], [sflag:$0x1] =	stream.linear.gather [hbm4b:s5+s2], $0x28, $0x38;
	[tilespmem:$0x16120] =	vst v63  }
0x7a: {  	_ = 	snop  }
0x7b: {  	[tilespmem:s15], [sflag:$0x1] =	stream.linear.gather [hbm4b:s6+s2], $0x28, $0x38;
	[tilespmem:$0x16120] =	vst v63  }
0x7c: {  	_ =	swait.ge [sflag:s25], $0x28  }
0x7d: {  	[sflag:s25] =	ssyncset.done $0x0  }
0x7e: {  	[sflag:s25] =	ssyncadd.s32 $0xFFFFFFD8  }
0x7f: {  	_ =	swait.ge [sflag:s25], $0x28  }
0x80: {  	[sflag:s25] =	ssyncset.done $0x0  }
0x81: {  	s8 =	simm.s32 @!p2 $0x5;
	[sflag:s25] =	ssyncadd.s32 $0xFFFFFFD8  }
0x82: {  	_ =	swait.ge @!p2 [sflag:s8], $0xA00  }
0x83: {  	[sflag:s8] =	ssyncset.done @!p2 $0x0  }
0x84: {  	[sflag:s8] =	ssyncadd.s32 @!p2 $0xFFFFF600  }
0x85: {  	_ =	swait.ge @!p2 [sflag:s8], $0xA00  }
0x86: {  	[sflag:s8] =	ssyncset.done @!p2 $0x0  }
0x87: {  	[sflag:s8] =	ssyncadd.s32 @!p2 $0xFFFFF600  }
0x88: {  	[tilespmem:s26], [sflag:$0x3] =	stream.indirect.gather [spmem:s1], $0x40, s16, s19, $0xb8;
	[tilespmem:$0x16120] =	vst v63  }
0x89: {  	_ = 	snop  }
0x8a: {  	[tilespmem:s28], [sflag:$0x3] =	stream.indirect.gather [spmem:s1], $0x40, s17, s19, $0xb8;
	[tilespmem:$0x16120] =	vst v63  }
0x8b: {  	s0 =	sadd.s32 $0x500, s0;
	_ =	swait.ge [sflag:s22], $0xA00  }
0x8c: {  	p1 =	sne.s32 s0, $0x13600;
	[sflag:s22] =	ssyncset.done $0x0  }
.Ltmp0:
0x8d: {  	[sflag:s22] =	ssyncadd.s32 $0xFFFFF600;
	(pc) =	sbr.rel @p1 .LBB2_2-.Ltmp0, $4  }
0x8e: {  	s4 =	sadd.s32 $0xA, s4;
	s3 =	sadd.s32 $0xA, s3;
	_ =	swait.ge [sflag:s22], $0xA00  }
0x8f: {  	s5 =	sadd.s32 $0xA, s5;
	s6 =	sadd.s32 $0xA, s6;
	[sflag:s22] =	ssyncset.done $0x0  }
0x90: {  	s8 =	sadd.s32 $0x280, s7;
	s7 =	sadd.s32 $0x288, s7;
	[sflag:s22] =	ssyncadd.s32 $0xFFFFF600  }
0x91: {  	[hbm4b:s8+s23] =	stream.strided.scatter [tilespmem:s26], [sflag:$0x5], $0xA00, s24, s23, $0x38;
	[tilespmem:$0x16120] =	vst v63  }
0x92: {  	[hbm4b:s7+s23] =	stream.strided.scatter [tilespmem:s28], [sflag:$0x5], $0xA00, s24, s23, $0x38;
	[tilespmem:$0x16120] =	vst v63  }
0x93: {  	_ =	swait.ge [sflag:s18], $0x28  }
0x94: {  	[sflag:s18] =	ssyncset.done $0x0  }
0x95: {  	[sflag:s18] =	ssyncadd.s32 $0xFFFFFFD8  }
0x96: {  	_ =	swait.ge [sflag:s18], $0x28  }
0x97: {  	[sflag:s18] =	ssyncset.done $0x0  }
0x98: {  	[sflag:s18] =	ssyncadd.s32 $0xFFFFFFD8  }
0x99: {  	_ =	swait.ge [sflag:s29], $0xA00  }
0x9a: {  	[sflag:s29] =	ssyncset.done $0x0  }
0x9b: {  	[sflag:s29] =	ssyncadd.s32 $0xFFFFF600  }
0x9c: {  	_ =	swait.ge [sflag:s29], $0xA00  }
0x9d: {  	[sflag:s29] =	ssyncset.done $0x0  }
0x9e: {  	[sflag:s29] =	ssyncadd.s32 $0xFFFFF600  }
0x9f: {  	[tilespmem:s20], [sflag:$0x3] =	stream.indirect.gather [spmem:s1], $0x40, s14, s19, $0xb8;
	[tilespmem:$0x16120] =	vst v63  }
0xa0: {  	_ = 	snop  }
0xa1: {  	[tilespmem:s21], [sflag:$0x3] =	stream.indirect.gather [spmem:s1], $0x40, s15, s19, $0xb8;
	[tilespmem:$0x16120] =	vst v63  }
0xa2: {  	_ =	swait.ge [sflag:s22], $0xA00  }
0xa3: {  	[sflag:s22] =	ssyncset.done $0x0  }
0xa4: {  	[sflag:s22] =	ssyncadd.s32 $0xFFFFF600  }
0xa5: {  	_ =	swait.ge [sflag:s22], $0xA00  }
0xa6: {  	[sflag:s22] =	ssyncset.done $0x0  }
0xa7: {  	s0 =	rddreg [dreg:$0x7];
	[sflag:s22] =	ssyncadd.s32 $0xFFFFF600  }
0xa8: {  	[hbm4b:s0+s23] =	stream.strided.scatter [tilespmem:s20], [sflag:$0x4], $0xA00, s24, s23, $0x38;
	[tilespmem:$0x16120] =	vst v63  }
0xa9: {  	s7 =	rddreg [dreg:$0x8]  }
0xaa: {  	[hbm4b:s7+s23] =	stream.strided.scatter [tilespmem:s21], [sflag:$0x4], $0xA00, s24, s23, $0x38;
	[tilespmem:$0x16120] =	vst v63  }
0xab: {  	_ =	swait.ge [sflag:s30], $0xA00  }
0xac: {  	[sflag:s30] =	ssyncset.done $0x0  }
0xad: {  	[sflag:s30] =	ssyncadd.s32 $0xFFFFF600  }
0xae: {  	_ =	swait.ge [sflag:s30], $0xA00  }
0xaf: {  	[sflag:s30] =	ssyncset.done $0x0  }
0xb0: {  	[sflag:s30] =	ssyncadd.s32 $0xFFFFF600  }
0xb1: {  	_ =	swait.ge [sflag:s29], $0xA00  }
0xb2: {  	[sflag:s29] =	ssyncset.done $0x0  }
0xb3: {  	[sflag:s29] =	ssyncadd.s32 $0xFFFFF600  }
0xb4: {  	_ =	swait.ge [sflag:s29], $0xA00  }
0xb5: {  	s31 =	sadd.s32 $0x1, s31;
	s8 =	rddreg [dreg:$0x9]  }
0xb6: {  	p1 =	sne.s32 s31, s8  }
.Ltmp1:
0xb7: {  	_ = 	snop;
	(pc) =	sbr.rel @p1 .LBB2_1-.Ltmp1, $3  }
0xb8: {  	_ =	sdelay $0x1  }
0xb9: {  	[sflag:s29] =	ssyncset.done $0x0  }
0xba: {  	[sflag:s29] =	ssyncadd.s32 $0xFFFFF600  }
0xbb: {  	_ =	sfence.sel $0x180000  }
0xbc: {  	[bflag:$0x0] =	sbarrier.arrive $0xFFFF  }
0xbd: {  	_ =	strace $0x9000004A  }
0xbe: {  	[bflag:$0x2] =	sbarrier.arrive $0xFFFF  }
0xbf: {  	s0 =	rddreg [dreg:$0x2]  }
0xc0: {  	s0 =	sadd.s32 @!p0 $0x100000, s0  }
0xc1: {  	[sflag:s0] =	ssyncadd.tile.s32 @!p0 $0x1;
	_ =	shalt  }
.Lfunc_end2:
_tile_overlayer_lowered:
.L_overlay_start_2:
0xc2: {  	(tag) =	ssettag $0x2  }
0xc3: {  	s0 =	rddreg [dreg:$0x0];
	s2 =	stileid.u32  }
0xc4: {  	s1 =	rddreg [dreg:$0x1];
	p0 =	sne.s32 s2, $0x0  }
0xc5: {  	s3 =	rddreg [dreg:$0x2];
	[bflag:$0x3] =	sbarrier.arrive $0xFFFF;
	s2 =	simm.s32 @!p0 $0x1C06  }
0xc6: {  	[timem:s3], [sflag:s2] =	dma.local @!p0 [hbm:s0], s1  }
0xc7: {  	s0 =	simm.s32 @!p0 $0x6  }
0xc8: {  	_ =	swait.ge @!p0 [sflag:s0], s1  }
0xc9: {  	s1 =	ssub.s32 @!p0 $0x0, s1;
	[sflag:s0] =	ssyncset.done @!p0 $0x0  }
0xca: {  	[sflag:s0] =	ssyncadd.s32 @!p0 s1  }
0xcb: {  	[bflag:$0x3] =	sbarrier.arrive $0xFFFF  }
0xcc: {  	_ =	shalt  }

// kernel: kernel.7.cloned.1.call-start
scs
__scs_entry_jumppad:
0x0: {  	(pc) =	sbr.rel $0x88, $3  }
0x1: {  	(tag) =	ssettag $0x0;
	lr =	simm.s32 $0x1  }
0x2: {  	[smem:$0x3F9B] =	sst lr;
	_ =	strace $0xD0000000  }
0x3: {  	_ = 	snop  }
0x4: {  	_ = 	snop  }
0x5: {  	_ = 	snop  }
0x6: {  	_ = 	snop  }
0x7: {  	_ = 	snop  }
__scs_overlays_trampoline_lowered:
0x8: {  	[smem:$0x3FAA] =	sst s0  }
0x9: {  	[smem:$0x3FAB] =	sst s1  }
0xa: {  	[smem:$0x3FAC] =	sst s2  }
0xb: {  	[smem:$0x3FAD] =	sst s3  }
0xc: {  	[smem:$0x3FAE] =	sst s4  }
0xd: {  	[smem:$0x3FAF] =	sst s5  }
0xe: {  	[smem:$0x3FB0] =	sst s6  }
0xf: {  	[smem:$0x3FB1] =	sst s7  }
0x10: {  	[smem:$0x3FB2] =	sst s8  }
0x11: {  	[smem:$0x3FB3] =	sst s9;
	s0 =	simm.s32 @!p0 $0x0  }
0x12: {  	s1 =	sld [smem:$0x3F99];
	s0 =	simm.s32 @p0 $0x1  }
0x13: {  	[smem:$0x3FB4] =	sst s0;
	s0 =	simm.s32 @!p1 $0x0  }
0x14: {  	s2 =	sld [smem:$0x3F98];
	s0 =	simm.s32 @p1 $0x1  }
0x15: {  	[smem:$0x3FB5] =	sst s0;
	s0 =	simm.s32 @!p2 $0x0  }
0x16: {  	s3 =	sld [smem:$0x3FDB];
	s0 =	simm.s32 @p2 $0x1  }
0x17: {  	s4 =	simm.s32 $0x1BF5;
	[smem:$0x3FB7] =	sst s0  }
0x18: {  	s0 =	sld [smem:$0x3F9A];
	_ =	swait.ge [sflag:s4], $0x0  }
0x19: {  	s7 =	sld [smem:$0x3F9B]  }
0x1a: {  	s8 =	sadd.s32 $0xFFFFE003, lr  }
0x1b: {  	s9 =	sadd.s32 $0xFFFFFEF7, lr;
	s5 =	simm.s32 $0xFFFFFFFF;
	p2 =	slt.u32 s8, $0xFFFFF086  }
0x1c: {  	p1 =	slt.u32 s9, $0xF7A;
	s5 =	simm.s32 @!p2 $0x0  }
0x1d: {  	s5 =	simm.s32 @p1 $0x1;
	p0 =	seq.s32 s7, s2  }
0x1e: {  	s7 =	smul.u32 @!p0 $0xF7A, s2;
	p2 =	seq.s32 @!p0 s5, $0x0  }
0x1f: {  	s9 =	smul.u32 $0xF7A, s1;
	s8 =	simm.s32 @!p0 $0x1BF5;
	p2 =	por !p2, p0  }
0x20: {  	[sflag:s8] =	ssyncset.s32 @!p0 $0xFFFFF086;
	s6 =	sadd.s32 @!p0 s3, s7;
	s7 =	simm.s32 @!p0 $0x108  }
0x21: {  	s3 =	sadd.s32 s3, s9;
	s6 =	sadd.s32 @!p0 $0x88, s6;
	s7 =	simm.s32 @p2 $0x1082  }
0x22: {  	[simem:s7], [sflag:s8] =	dma.local @!p0 [hbm:s6], $0xF7A  }
0x23: {  	s9 =	sor.u32 $0xD0000000, s2;
	s6 =	simm.s32 $0x108;
	_ =	swait.ge @!p0 [sflag:s8], $0x0  }
0x24: {  	s3 =	sadd.s32 $0x88, s3;
	s6 =	simm.s32 @!p1 $0x1082;
	[sflag:s4] =	ssyncset.s32 $0xFFFFF086  }
0x25: {  	[simem:s6], [sflag:s4] =	dma.local [hbm:s3], $0xF7A  }
0x26: {  	[smem:$0x3F9B] =	sst s1;
	(tag) =	ssettag s2;
	_ =	strace s9  }
0x27: {  	s1 =	sld [smem:$0x3FAB]  }
0x28: {  	s2 =	sld [smem:$0x3FAC]  }
0x29: {  	s4 =	sld [smem:$0x3FAE]  }
0x2a: {  	p0 =	seq.s32 s5, $0x0;
	s5 =	sld [smem:$0x3FAF]  }
0x2b: {  	s6 =	sld [smem:$0x3FB0]  }
0x2c: {  	s7 =	sld [smem:$0x3FB1]  }
0x2d: {  	s3 =	simm.s32 $0x108;
	s8 =	sld [smem:$0x3FB2]  }
0x2e: {  	s3 =	simm.s32 @!p0 $0x1082;
	s9 =	sld [smem:$0x3FB3]  }
0x2f: {  	lr =	sadd.s32 s0, s3;
	s0 =	sld [smem:$0x3FAA]  }
0x30: {  	s3 =	sld [smem:$0x3FAD]  }
0x31: {  	[smem:$0x3FB6] =	sst s10  }
0x32: {  	s10 =	sld [smem:$0x3FB4];
	_ =	sdelay $0x3  }
0x33: {  	p0 =	seq.s32 s10, $0x1;
	s10 =	sld [smem:$0x3FB6];
	_ =	sdelay $0x3  }
0x34: {  	[smem:$0x3FB6] =	sst s10  }
0x35: {  	s10 =	sld [smem:$0x3FB5];
	_ =	sdelay $0x3  }
0x36: {  	p1 =	seq.s32 s10, $0x1;
	s10 =	sld [smem:$0x3FB6];
	_ =	sdelay $0x3  }
0x37: {  	[smem:$0x3FB6] =	sst s10  }
0x38: {  	s10 =	sld [smem:$0x3FB7]  }
0x39: {  	_ = 	snop;
	(pc) =	sbr.ind lr, $3  }
0x3a: {  	_ = 	snop  }
0x3b: {  	_ = 	snop  }
0x3c: {  	p2 =	seq.s32 s10, $0x1;
	s10 =	sld [smem:$0x3FB6]  }
0x3d: {  	_ =	shalt  }
0x3e: {  	_ =	shalt  }
0x3f: {  	_ =	shalt  }
0x40: {  	_ =	shalt  }
0x41: {  	_ =	shalt  }
0x42: {  	_ =	shalt  }
0x43: {  	_ =	shalt  }
0x44: {  	_ =	shalt  }
0x45: {  	_ =	shalt  }
0x46: {  	_ =	shalt  }
0x47: {  	_ =	shalt  }
0x48: {  	_ =	shalt  }
0x49: {  	_ =	shalt  }
0x4a: {  	_ =	shalt  }
0x4b: {  	_ =	shalt  }
0x4c: {  	_ =	shalt  }
0x4d: {  	_ =	shalt  }
0x4e: {  	_ =	shalt  }
0x4f: {  	_ =	shalt  }
0x50: {  	_ =	shalt  }
0x51: {  	_ =	shalt  }
0x52: {  	_ =	shalt  }
0x53: {  	_ =	shalt  }
0x54: {  	_ =	shalt  }
0x55: {  	_ =	shalt  }
0x56: {  	_ =	shalt  }
0x57: {  	_ =	shalt  }
0x58: {  	_ =	shalt  }
0x59: {  	_ =	shalt  }
0x5a: {  	_ =	shalt  }
0x5b: {  	_ =	shalt  }
0x5c: {  	_ =	shalt  }
0x5d: {  	_ =	shalt  }
0x5e: {  	_ =	shalt  }
0x5f: {  	_ =	shalt  }
0x60: {  	_ =	shalt  }
0x61: {  	_ =	shalt  }
0x62: {  	_ =	shalt  }
0x63: {  	_ =	shalt  }
0x64: {  	_ =	shalt  }
0x65: {  	_ =	shalt  }
0x66: {  	_ =	shalt  }
0x67: {  	_ =	shalt  }
0x68: {  	_ =	shalt  }
0x69: {  	_ =	shalt  }
0x6a: {  	_ =	shalt  }
0x6b: {  	_ =	shalt  }
0x6c: {  	_ =	shalt  }
0x6d: {  	_ =	shalt  }
0x6e: {  	_ =	shalt  }
0x6f: {  	_ =	shalt  }
0x70: {  	_ =	shalt  }
0x71: {  	_ =	shalt  }
0x72: {  	_ =	shalt  }
0x73: {  	_ =	shalt  }
0x74: {  	_ =	shalt  }
0x75: {  	_ =	shalt  }
0x76: {  	_ =	shalt  }
0x77: {  	_ =	shalt  }
0x78: {  	_ =	shalt  }
0x79: {  	_ =	shalt  }
0x7a: {  	_ =	shalt  }
0x7b: {  	_ =	shalt  }
0x7c: {  	_ =	shalt  }
0x7d: {  	_ =	shalt  }
0x7e: {  	_ =	shalt  }
0x7f: {  	_ =	shalt  }
0x80: {  	_ =	shalt  }
0x81: {  	_ =	shalt  }
0x82: {  	_ =	shalt  }
0x83: {  	_ =	shalt  }
0x84: {  	_ =	shalt  }
0x85: {  	_ =	shalt  }
0x86: {  	_ =	shalt  }
0x87: {  	_ =	shalt  }
.Lfunc_end0:
.L_simem_size_0:
called_computation_lowered:
.L_overlay_start_0:
0x88: {  	s2 =	sld [smem:$0x3FD9]  }
0x89: {  	s3 =	sld [smem:$0x3FFE];
	_ =	sdelay $0x1  }
0x8a: {  	s1 =	srdreg.scid  }
0x8b: {  	s0 =	sand.u32 $0x1, s1  }
0x8c: {  	s16 =	sshll.u32 s0, $0xA;
	s2 =	sadd.s32 s3, s2  }
0x8d: {  	s2 =	sadd.s32 s2, s16  }
0x8e: {  	[smem:$0x3FC2] =	sst s2  }
0x8f: {  	_ = 	snop  }
0x90: {  	(tm) =	ssettm $0x1  }
0x91: {  	s17 =	sld [smem:$0x3FFB];
	_ =	sdelay $0x3  }
0x92: {  	_ =	strace s17  }
0x93: {  	s2 =	sld [smem:$0x3FFC];
	_ =	sdelay $0x3  }
0x94: {  	_ =	strace s2  }
0x95: {  	s2 =	sld [smem:$0x3FFD];
	_ =	sdelay $0x3  }
0x96: {  	_ =	strace s2  }
0x97: {  	_ =	strace $0x8FFFFFFF  }
0x98: {  	s18 =	sld [smem:$0x3FDB];
	_ =	sdelay $0x1  }
0x99: {  	s19 =	simm.s32 $_scs_section_size  }
0x9a: {  	s4 =	simm.s32 $_size__tile_overlayer_lowered;
	s5 =	simm.s32 $_tile_overlayer_lowered  }
0x9b: {  	s22 =	simm.s32 $0x1BFF;
	s21 =	sshll.u32 s5, $0x1;
	s2 =	sadd.s32 s19, s18  }
0x9c: {  	s6 =	simm.s32 $0x0;
	s20 =	sshll.u32 s4, $0x1;
	s4 =	sadd.s32 s21, s2  }
0x9d: {  	[timem:s6], [sflag:s22] =	dma.local [hbm:s4], s20  }
0x9e: {  	_ =	swait.ge [sflag:s22], s20  }
0x9f: {  	s3 =	ssub.s32 $0x0, s20;
	[sflag:s22] =	ssyncset.done $0x0  }
0xa0: {  	[sflag:s22] =	ssyncadd.s32 s3;
	_ =	sdelay $0x1  }
0xa1: {  	s23 =	simm.s32 $0x1B8B  }
0xa2: {  	_ =	swait.ge [sflag:s23], $0x1  }
0xa3: {  	[sflag:s23] =	ssyncset.done $0x0  }
0xa4: {  	s25 =	simm.s32 $0x1B8E;
	s24 =	sld [smem:$0x3FFE];
	[sflag:s23] =	ssyncadd.s32 $0xFFFFFFFF  }
0xa5: {  	s26 =	simm.s32 $execute0_lowered;
	[smem:$0x3FD2] =	sst s25  }
0xa6: {  	s4 =	sshll.u32 s26, $0x1;
	_ =	strace $0x80000046;
	[dreg:$0x1] =	wrdreg $0xFFFFFFFF  }
0xa7: {  	s28 =	simm.s32 $_size_execute0_lowered;
	s2 =	sadd.s32 s2, s4;
	[dreg:$0x0] =	wrdreg $0x0  }
0xa8: {  	s4 =	sshll.u32 s28, $0x1;
	[dreg:$0x2] =	wrdreg s2  }
0xa9: {  	[dreg:$0x3] =	wrdreg s4  }
0xaa: {  	[dreg:$0x4] =	wrdreg $0xC0  }
0xab: {  	_ =	task [dreg:s6], $0x5FFFF  }
0xac: {  	[dreg:$0x1] =	wrdreg $0xFFFFFFFF  }
0xad: {  	[dreg:$0x0] =	wrdreg $0x60  }
0xae: {  	[dreg:$0x2] =	wrdreg s24  }
0xaf: {  	[dreg:$0x3] =	wrdreg $0x0  }
0xb0: {  	[dreg:$0x4] =	wrdreg $0x9  }
0xb1: {  	_ =	task.clear_ibuf [dreg:s6], $0x5FFFF;
	_ =	strace $0x90000046  }
0xb2: {  	s29 =	simm.s32 $0x9;
	_ =	strace $0x80000048  }
0xb3: {  	_ =	swait.ge [sflag:s29], $0x1  }
0xb4: {  	[sflag:s29] =	ssyncadd.s32 $0xFFFFFFFF  }
0xb5: {  	_ =	strace $0x90000048  }
0xb6: {  	_ =	sfence  }
0xb7: {  	s30 =	sld [smem:$0x0];
	_ =	sdelay $0x2  }
0xb8: {  	s31 =	sshll.u32 s1, $0xD;
	s1 =	sshrl.u32 s1, $0x2  }
0xb9: {  	s3 =	sand.u32 $0x4000, s31;
	s1 =	sadd.s32 s1, s30  }
0xba: {  	s0 =	sor.u32 s3, s0;
	s1 =	sshll.u32 s1, $0x11  }
0xbb: {  	s0 =	sor.u32 s1, s0  }
0xbc: {  	s0 =	sadd.s32 $0x8F2B, s0  }
0xbd: {  	[sflag:s0] =	ssyncadd.remote.s32 $0x1  }
0xbe: {  	_ =	sfence.sel $0xFFFF  }
0xbf: {  	[dreg:$0x0] =	wrdreg $0xFFFFFFFF;
	(pc) =	sbr.abs _section_cstart, $3  }
0xc0: {  	[dreg:$0x1] =	wrdreg $0xFFFFFFFF  }
0xc1: {  	_ =	task.clear_ibuf [dreg:s6], $0x2FFFF;
	_ =	strace $0x9FFFFFFF  }
0xc2: {  	(tm) =	ssettm $0x7FFFFFFF  }
0xc3: {  	_ =	shalt  }
tec
execute0_lowered:
.L_overlay_start_1:
0x0: {  	(tag) =	ssettag $0x1  }
0x1: {  	s0 =	rddreg [dreg:$0x0]  }
0x2: {  	s1 =	rddreg [dreg:$0x1]  }
0x3: {  	s3 =	srdreg.scid;
	s5 =	stileid.u32;
	s2 =	simm.s32 $0x0  }
0x4: {  	s15 =	simm.s32 $0x13880;
	s16 =	simm.s32 $0x138A8;
	s17 =	simm.s32 $0x138D0  }
0x5: {  	s28 =	simm.s32 $0x14D20;
	s29 =	simm.s32 $0x15720;
	s30 =	simm.s32 $0x4  }
0x6: {  	s31 =	simm.s32 $0x5;
	s3 =	sand.u32 $0x1, s3;
	s4 =	sshll.u32 s5, $0x1  }
0x7: {  	[smem:$0x7FF] =	sst s2;
	s18 =	sadd.s32 $0x16200, s0;
	s10 =	smul.u32 $0x27100, s5  }
0x8: {  	s20 =	smul.u32 $0x2710, s5;
	p0 =	sne.s32 s5, $0x0;
	s6 =	sor.u32 s3, s4  }
0x9: {  	_ =	strace $0x80000047;
	[dreg:$0x4] =	wrdreg s18;
	s19 =	smul.u32 $0x13880, s3  }
0xa: {  	s4 =	sadd.s32 $0x2800, s0;
	s8 =	ssub.s32 $0x2, s3;
	s3 =	smul.u32 $0x1388, s3  }
0xb: {  	s0 =	sadd.s32 $0x3D400, s0;
	s7 =	smul.u32 $0x1388, s6;
	s9 =	sshrl.u32 s8, $0x1  }
0xc: {  	s18 =	simm.s32 $0x138F8;
	s6 =	smul.u32 $0x9C400, s6;
	s8 =	ssub.s32 s8, s9  }
0xd: {  	s3 =	sadd.s32 s3, s20;
	s20 =	simm.s32 $0x28;
	s7 =	sshrl.u32 s7, $0x3  }
0xe: {  	s6 =	sshrl.u32 s6, $0x3;
	s22 =	smax.u32 s8, $0x1;
	s23 =	sadd.s32 $0x50, s3  }
0xf: {  	s24 =	sadd.s32 $0x4E250, s3;
	s25 =	sadd.s32 $0x4E228, s3;
	s3 =	sadd.s32 $0x28, s3  }
0x10: {  	s11 =	sadd.s32 s4, s7;
	s6 =	sadd.s32 s0, s6;
	[dreg:$0x9] =	wrdreg s22  }
0x11: {  	s0 =	sadd.s32 s10, s0;
	[dreg:$0xa] =	wrdreg s23;
	s26 =	sshrl.u32 s25, $0x3  }
0x12: {  	s3 =	sshrl.u32 s3, $0x3;
	s22 =	simm.s32 $0x14320;
	s23 =	simm.s32 $0x3  }
0x13: {  	s25 =	simm.s32 $0x80;
	[dreg:$0x5] =	wrdreg s11;
	s11 =	sadd.s32 $0x9C40, s11  }
0x14: {  	s21 =	sadd.s32 $0x13600, s6;
	s6 =	sadd.s32 $0x13608, s6;
	[dreg:$0x6] =	wrdreg s11  }
0x15: {  	s0 =	sadd.s32 s19, s0;
	s12 =	sadd.s32 s26, s4;
	[dreg:$0x7] =	wrdreg s21  }
0x16: {  	s13 =	sadd.s32 s3, s4;
	s19 =	simm.s32 $0x1;
	[dreg:$0x8] =	wrdreg s6  }
0x17: {  	s26 =	simm.s32 $0x2;
	[dreg:$0x3] =	wrdreg s0;
	s0 =	sshrl.u32 s24, $0x3  }
0x18: {  	s21 =	simm.s32 $0x13920;
	s11 =	sadd.s32 s0, s4;
	s0 =	sshrl.u32 @!p0 s1, $0x3  }
0x19: {  	s24 =	simm.s32 $0x40;
	[dreg:$0xb] =	wrdreg s0;
	s0 =	simm.s32 $0x0  }
.LBB2_1:
0x1a: {  	s5 =	rddreg [dreg:$0x4]  }
0x1b: {  	s3 =	simm.s32 @!p0 $0x1C06;
	s6 =	rddreg [dreg:$0xb]  }
0x1c: {  	[spmem:s6], [sflag:s3] =	dma.local @!p0 [hbm:s5], $0x27100  }
0x1d: {  	s3 =	simm.s32 @!p0 $0x6  }
0x1e: {  	_ =	swait.ge @!p0 [sflag:s3], $0x27100  }
0x1f: {  	[sflag:s3] =	ssyncset.done @!p0 $0x0  }
0x20: {  	[sflag:s3] =	ssyncadd.s32 @!p0 $0xFFFD8F00  }
0x21: {  	[bflag:$0x0] =	sbarrier.arrive $0xFFFF  }
0x22: {  	s6 =	rddreg [dreg:$0x5]  }
0x23: {  	[tilespmem:s15], [sflag:$0x1] =	stream.linear.gather [hbm4b:s6+s2], $0x28, $0x38;
	[tilespmem:$0x16120] =	vst v63  }
0x24: {  	s7 =	rddreg [dreg:$0x6]  }
0x25: {  	[tilespmem:s16], [sflag:$0x1] =	stream.linear.gather [hbm4b:s7+s2], $0x28, $0x38;
	[tilespmem:$0x16120] =	vst v63  }
0x26: {  	_ = 	snop  }
0x27: {  	[tilespmem:s17], [sflag:$0x2] =	stream.linear.gather [hbm4b:s13+s2], $0x28, $0x38;
	[tilespmem:$0x16120] =	vst v63  }
0x28: {  	_ = 	snop  }
0x29: {  	[tilespmem:s18], [sflag:$0x2] =	stream.linear.gather [hbm4b:s12+s2], $0x28, $0x38;
	[tilespmem:$0x16120] =	vst v63  }
0x2a: {  	_ =	swait.ge [sflag:s19], $0x28  }
0x2b: {  	[sflag:s19] =	ssyncset.done $0x0  }
0x2c: {  	[sflag:s19] =	ssyncadd.s32 $0xFFFFFFD8  }
0x2d: {  	_ =	swait.ge [sflag:s19], $0x28  }
0x2e: {  	p1 =	por $0x1, $0x1;
	[sflag:s19] =	ssyncset.done $0x0  }
0x2f: {  	s3 =	simm.s32 @!p1 $0x4;
	[sflag:s19] =	ssyncadd.s32 $0xFFFFFFD8  }
0x30: {  	_ =	swait.ge @!p1 [sflag:s3], $0xA00  }
0x31: {  	[sflag:s3] =	ssyncset.done @!p1 $0x0  }
0x32: {  	[sflag:s3] =	ssyncadd.s32 @!p1 $0xFFFFF600  }
0x33: {  	_ =	swait.ge @!p1 [sflag:s3], $0xA00  }
0x34: {  	[sflag:s3] =	ssyncset.done @!p1 $0x0  }
0x35: {  	[sflag:s3] =	ssyncadd.s32 @!p1 $0xFFFFF600  }
0x36: {  	[tilespmem:s21], [sflag:$0x3] =	stream.indirect.gather [spmem:s1], $0x40, s15, s20, $0xb8;
	[tilespmem:$0x16120] =	vst v63  }
0x37: {  	_ = 	snop  }
0x38: {  	[tilespmem:s22], [sflag:$0x3] =	stream.indirect.gather [spmem:s1], $0x40, s16, s20, $0xb8;
	[tilespmem:$0x16120] =	vst v63  }
0x39: {  	_ =	swait.ge [sflag:s23], $0xA00  }
0x3a: {  	[sflag:s23] =	ssyncset.done $0x0  }
0x3b: {  	[sflag:s23] =	ssyncadd.s32 $0xFFFFF600  }
0x3c: {  	_ =	swait.ge [sflag:s23], $0xA00  }
0x3d: {  	s8 =	rddreg [dreg:$0x3];
	[sflag:s23] =	ssyncset.done $0x0  }
0x3e: {  	[sflag:s23] =	ssyncadd.s32 $0xFFFFF600;
	s5 =	sadd.s32 $0x0, s8;
	s8 =	rddreg [dreg:$0xa]  }
0x3f: {  	[hbm4b:s5+s24] =	stream.strided.scatter [tilespmem:s21], [sflag:$0x4], $0xA00, s25, s24, $0x38;
	[tilespmem:$0x16120] =	vst v63  }
0x40: {  	s3 =	sadd.s32 $0x8, s5;
	s9 =	sshrl.u32 s8, $0x3  }
0x41: {  	[hbm4b:s3+s24] =	stream.strided.scatter [tilespmem:s22], [sflag:$0x4], $0xA00, s25, s24, $0x38;
	[tilespmem:$0x16120] =	vst v63  }
0x42: {  	s10 =	sadd.s32 s4, s9  }
0x43: {  	[tilespmem:s15], [sflag:$0x1] =	stream.linear.gather [hbm4b:s10+s2], $0x28, $0x38;
	[tilespmem:$0x16120] =	vst v63  }
0x44: {  	_ = 	snop  }
0x45: {  	[tilespmem:s16], [sflag:$0x1] =	stream.linear.gather [hbm4b:s11+s2], $0x28, $0x38;
	[tilespmem:$0x16120] =	vst v63  }
0x46: {  	_ =	swait.ge [sflag:s26], $0x28  }
0x47: {  	[sflag:s26] =	ssyncset.done $0x0  }
0x48: {  	[sflag:s26] =	ssyncadd.s32 $0xFFFFFFD8  }
0x49: {  	_ =	swait.ge [sflag:s26], $0x28  }
0x4a: {  	[sflag:s26] =	ssyncset.done $0x0  }
0x4b: {  	s3 =	simm.s32 @!p1 $0x5;
	[sflag:s26] =	ssyncadd.s32 $0xFFFFFFD8  }
0x4c: {  	_ =	swait.ge @!p1 [sflag:s3], $0xA00  }
0x4d: {  	[sflag:s3] =	ssyncset.done @!p1 $0x0  }
0x4e: {  	[sflag:s3] =	ssyncadd.s32 @!p1 $0xFFFFF600  }
0x4f: {  	_ =	swait.ge @!p1 [sflag:s3], $0xA00  }
0x50: {  	[sflag:s3] =	ssyncset.done @!p1 $0x0  }
0x51: {  	[sflag:s3] =	ssyncadd.s32 @!p1 $0xFFFFF600  }
0x52: {  	[tilespmem:s28], [sflag:$0x3] =	stream.indirect.gather [spmem:s1], $0x40, s17, s20, $0xb8;
	[tilespmem:$0x16120] =	vst v63  }
0x53: {  	_ = 	snop  }
0x54: {  	[tilespmem:s29], [sflag:$0x3] =	stream.indirect.gather [spmem:s1], $0x40, s18, s20, $0xb8;
	[tilespmem:$0x16120] =	vst v63  }
0x55: {  	_ =	swait.ge [sflag:s23], $0xA00  }
0x56: {  	[sflag:s23] =	ssyncset.done $0x0  }
0x57: {  	s6 =	sadd.s32 $0xA, s13;
	[sflag:s23] =	ssyncadd.s32 $0xFFFFF600  }
0x58: {  	s7 =	sadd.s32 $0xA, s12;
	s14 =	sadd.s32 $0x280, s5;
	_ =	swait.ge [sflag:s23], $0xA00  }
0x59: {  	s8 =	sadd.s32 $0x50, s8;
	s9 =	sadd.s32 $0x288, s5;
	[sflag:s23] =	ssyncset.done $0x0  }
0x5a: {  	s5 =	sadd.s32 $0xA, s11;
	s3 =	simm.s32 $0x500;
	[sflag:s23] =	ssyncadd.s32 $0xFFFFF600  }
0x5b: {  	[hbm4b:s14+s24] =	stream.strided.scatter [tilespmem:s28], [sflag:$0x5], $0xA00, s25, s24, $0x38;
	[tilespmem:$0x16120] =	vst v63  }
.LBB2_2:
0x5c: {  	[hbm4b:s9+s24] =	stream.strided.scatter [tilespmem:s29], [sflag:$0x5], $0xA00, s25, s24, $0x38;
	[tilespmem:$0x16120] =	vst v63  }
0x5d: {  	_ = 	snop  }
0x5e: {  	[tilespmem:s17], [sflag:$0x2] =	stream.linear.gather [hbm4b:s6+s2], $0x28, $0x38;
	[tilespmem:$0x16120] =	vst v63  }
0x5f: {  	_ = 	snop  }
0x60: {  	[tilespmem:s18], [sflag:$0x2] =	stream.linear.gather [hbm4b:s7+s2], $0x28, $0x38;
	[tilespmem:$0x16120] =	vst v63  }
0x61: {  	_ =	swait.ge [sflag:s19], $0x28  }
0x62: {  	[sflag:s19] =	ssyncset.done $0x0  }
0x63: {  	[sflag:s19] =	ssyncadd.s32 $0xFFFFFFD8  }
0x64: {  	s9 =	smov.u32 s3;
	_ =	swait.ge [sflag:s19], $0x28  }
0x65: {  	p2 =	seq.s32 s9, $0x0;
	[sflag:s19] =	ssyncset.done $0x0  }
0x66: {  	s14 =	simm.s32 @!p2 $0x4;
	[sflag:s19] =	ssyncadd.s32 $0xFFFFFFD8  }
0x67: {  	_ =	swait.ge @!p2 [sflag:s14], $0xA00  }
0x68: {  	[sflag:s14] =	ssyncset.done @!p2 $0x0  }
0x69: {  	[sflag:s14] =	ssyncadd.s32 @!p2 $0xFFFFF600  }
0x6a: {  	_ =	swait.ge @!p2 [sflag:s14], $0xA00  }
0x6b: {  	[sflag:s14] =	ssyncset.done @!p2 $0x0  }
0x6c: {  	[sflag:s14] =	ssyncadd.s32 @!p2 $0xFFFFF600  }
0x6d: {  	[tilespmem:s21], [sflag:$0x3] =	stream.indirect.gather [spmem:s1], $0x40, s15, s20, $0xb8;
	[tilespmem:$0x16120] =	vst v63  }
0x6e: {  	_ = 	snop  }
0x6f: {  	[tilespmem:s22], [sflag:$0x3] =	stream.indirect.gather [spmem:s1], $0x40, s16, s20, $0xb8;
	[tilespmem:$0x16120] =	vst v63  }
0x70: {  	_ =	swait.ge [sflag:s23], $0xA00  }
0x71: {  	[sflag:s23] =	ssyncset.done $0x0  }
0x72: {  	[sflag:s23] =	ssyncadd.s32 $0xFFFFF600  }
0x73: {  	_ =	swait.ge [sflag:s23], $0xA00  }
0x74: {  	s10 =	rddreg [dreg:$0x3];
	[sflag:s23] =	ssyncset.done $0x0  }
0x75: {  	[sflag:s23] =	ssyncadd.s32 $0xFFFFF600;
	s9 =	sadd.s32 s9, s10  }
0x76: {  	[hbm4b:s9+s24] =	stream.strided.scatter [tilespmem:s21], [sflag:$0x4], $0xA00, s25, s24, $0x38;
	[tilespmem:$0x16120] =	vst v63  }
0x77: {  	s10 =	sshrl.u32 s8, $0x3;
	s14 =	sadd.s32 $0x8, s9  }
0x78: {  	[hbm4b:s14+s24] =	stream.strided.scatter [tilespmem:s22], [sflag:$0x4], $0xA00, s25, s24, $0x38;
	[tilespmem:$0x16120] =	vst v63  }
0x79: {  	s10 =	sadd.s32 s4, s10  }
0x7a: {  	[tilespmem:s15], [sflag:$0x1] =	stream.linear.gather [hbm4b:s10+s2], $0x28, $0x38;
	[tilespmem:$0x16120] =	vst v63  }
0x7b: {  	_ = 	snop  }
0x7c: {  	[tilespmem:s16], [sflag:$0x1] =	stream.linear.gather [hbm4b:s5+s2], $0x28, $0x38;
	[tilespmem:$0x16120] =	vst v63  }
0x7d: {  	_ =	swait.ge [sflag:s26], $0x28  }
0x7e: {  	[sflag:s26] =	ssyncset.done $0x0  }
0x7f: {  	[sflag:s26] =	ssyncadd.s32 $0xFFFFFFD8  }
0x80: {  	_ =	swait.ge [sflag:s26], $0x28  }
0x81: {  	[sflag:s26] =	ssyncset.done $0x0  }
0x82: {  	s10 =	simm.s32 @!p2 $0x5;
	[sflag:s26] =	ssyncadd.s32 $0xFFFFFFD8  }
0x83: {  	_ =	swait.ge @!p2 [sflag:s10], $0xA00  }
0x84: {  	[sflag:s10] =	ssyncset.done @!p2 $0x0  }
0x85: {  	[sflag:s10] =	ssyncadd.s32 @!p2 $0xFFFFF600  }
0x86: {  	_ =	swait.ge @!p2 [sflag:s10], $0xA00  }
0x87: {  	[sflag:s10] =	ssyncset.done @!p2 $0x0  }
0x88: {  	[sflag:s10] =	ssyncadd.s32 @!p2 $0xFFFFF600  }
0x89: {  	[tilespmem:s28], [sflag:$0x3] =	stream.indirect.gather [spmem:s1], $0x40, s17, s20, $0xb8;
	[tilespmem:$0x16120] =	vst v63  }
0x8a: {  	_ = 	snop  }
0x8b: {  	[tilespmem:s29], [sflag:$0x3] =	stream.indirect.gather [spmem:s1], $0x40, s18, s20, $0xb8;
	[tilespmem:$0x16120] =	vst v63  }
0x8c: {  	s3 =	sadd.s32 $0x500, s3;
	_ =	swait.ge [sflag:s23], $0xA00  }
0x8d: {  	p1 =	sne.s32 s3, $0x13600;
	[sflag:s23] =	ssyncset.done $0x0  }
.Ltmp0:
0x8e: {  	[sflag:s23] =	ssyncadd.s32 $0xFFFFF600;
	(pc) =	sbr.rel @p1 .LBB2_2-.Ltmp0, $4  }
0x8f: {  	s6 =	sadd.s32 $0xA, s6;
	s7 =	sadd.s32 $0xA, s7;
	_ =	swait.ge [sflag:s23], $0xA00  }
0x90: {  	s8 =	sadd.s32 $0x50, s8;
	s14 =	sadd.s32 $0x280, s9;
	[sflag:s23] =	ssyncset.done $0x0  }
0x91: {  	s9 =	sadd.s32 $0x288, s9;
	s5 =	sadd.s32 $0xA, s5;
	[sflag:s23] =	ssyncadd.s32 $0xFFFFF600  }
0x92: {  	[hbm4b:s14+s24] =	stream.strided.scatter [tilespmem:s28], [sflag:$0x5], $0xA00, s25, s24, $0x38;
	[tilespmem:$0x16120] =	vst v63  }
0x93: {  	[hbm4b:s9+s24] =	stream.strided.scatter [tilespmem:s29], [sflag:$0x5], $0xA00, s25, s24, $0x38;
	[tilespmem:$0x16120] =	vst v63  }
0x94: {  	_ =	swait.ge [sflag:s19], $0x28  }
0x95: {  	[sflag:s19] =	ssyncset.done $0x0  }
0x96: {  	[sflag:s19] =	ssyncadd.s32 $0xFFFFFFD8  }
0x97: {  	_ =	swait.ge [sflag:s19], $0x28  }
0x98: {  	[sflag:s19] =	ssyncset.done $0x0  }
0x99: {  	[sflag:s19] =	ssyncadd.s32 $0xFFFFFFD8  }
0x9a: {  	_ =	swait.ge [sflag:s30], $0xA00  }
0x9b: {  	[sflag:s30] =	ssyncset.done $0x0  }
0x9c: {  	[sflag:s30] =	ssyncadd.s32 $0xFFFFF600  }
0x9d: {  	_ =	swait.ge [sflag:s30], $0xA00  }
0x9e: {  	[sflag:s30] =	ssyncset.done $0x0  }
0x9f: {  	[sflag:s30] =	ssyncadd.s32 $0xFFFFF600  }
0xa0: {  	[tilespmem:s21], [sflag:$0x3] =	stream.indirect.gather [spmem:s1], $0x40, s15, s20, $0xb8;
	[tilespmem:$0x16120] =	vst v63  }
0xa1: {  	_ = 	snop  }
0xa2: {  	[tilespmem:s22], [sflag:$0x3] =	stream.indirect.gather [spmem:s1], $0x40, s16, s20, $0xb8;
	[tilespmem:$0x16120] =	vst v63  }
0xa3: {  	_ =	swait.ge [sflag:s23], $0xA00  }
0xa4: {  	[sflag:s23] =	ssyncset.done $0x0  }
0xa5: {  	[sflag:s23] =	ssyncadd.s32 $0xFFFFF600  }
0xa6: {  	_ =	swait.ge [sflag:s23], $0xA00  }
0xa7: {  	[sflag:s23] =	ssyncset.done $0x0  }
0xa8: {  	s3 =	rddreg [dreg:$0x7];
	[sflag:s23] =	ssyncadd.s32 $0xFFFFF600  }
0xa9: {  	[hbm4b:s3+s24] =	stream.strided.scatter [tilespmem:s21], [sflag:$0x4], $0xA00, s25, s24, $0x38;
	[tilespmem:$0x16120] =	vst v63  }
0xaa: {  	s10 =	rddreg [dreg:$0x8]  }
0xab: {  	[hbm4b:s10+s24] =	stream.strided.scatter [tilespmem:s22], [sflag:$0x4], $0xA00, s25, s24, $0x38;
	[tilespmem:$0x16120] =	vst v63  }
0xac: {  	_ =	swait.ge [sflag:s31], $0xA00  }
0xad: {  	[sflag:s31] =	ssyncset.done $0x0  }
0xae: {  	[sflag:s31] =	ssyncadd.s32 $0xFFFFF600  }
0xaf: {  	_ =	swait.ge [sflag:s31], $0xA00  }
0xb0: {  	[sflag:s31] =	ssyncset.done $0x0  }
0xb1: {  	[sflag:s31] =	ssyncadd.s32 $0xFFFFF600  }
0xb2: {  	_ =	swait.ge [sflag:s30], $0xA00  }
0xb3: {  	[sflag:s30] =	ssyncset.done $0x0  }
0xb4: {  	[sflag:s30] =	ssyncadd.s32 $0xFFFFF600  }
0xb5: {  	_ =	swait.ge [sflag:s30], $0xA00  }
0xb6: {  	s0 =	sadd.s32 $0x1, s0;
	s14 =	rddreg [dreg:$0x9]  }
0xb7: {  	p1 =	sne.s32 s0, s14  }
.Ltmp1:
0xb8: {  	_ = 	snop;
	(pc) =	sbr.rel @p1 .LBB2_1-.Ltmp1, $3  }
0xb9: {  	_ =	sdelay $0x1  }
0xba: {  	[sflag:s30] =	ssyncset.done $0x0  }
0xbb: {  	[sflag:s30] =	ssyncadd.s32 $0xFFFFF600  }
0xbc: {  	_ =	sfence.sel $0x180000  }
0xbd: {  	[bflag:$0x0] =	sbarrier.arrive $0xFFFF  }
0xbe: {  	_ =	strace $0x90000047  }
0xbf: {  	[bflag:$0x2] =	sbarrier.arrive $0xFFFF  }
0xc0: {  	s0 =	rddreg [dreg:$0x2]  }
0xc1: {  	s0 =	sadd.s32 @!p0 $0x100000, s0  }
0xc2: {  	[sflag:s0] =	ssyncadd.tile.s32 @!p0 $0x1;
	_ =	shalt  }
.Lfunc_end2:
_tile_overlayer_lowered:
.L_overlay_start_2:
0xc3: {  	(tag) =	ssettag $0x2  }
0xc4: {  	s0 =	rddreg [dreg:$0x0];
	s2 =	stileid.u32  }
0xc5: {  	s1 =	rddreg [dreg:$0x1];
	p0 =	sne.s32 s2, $0x0  }
0xc6: {  	s3 =	rddreg [dreg:$0x2];
	[bflag:$0x3] =	sbarrier.arrive $0xFFFF;
	s2 =	simm.s32 @!p0 $0x1C06  }
0xc7: {  	[timem:s3], [sflag:s2] =	dma.local @!p0 [hbm:s0], s1  }
0xc8: {  	s0 =	simm.s32 @!p0 $0x6  }
0xc9: {  	_ =	swait.ge @!p0 [sflag:s0], s1  }
0xca: {  	s1 =	ssub.s32 @!p0 $0x0, s1;
	[sflag:s0] =	ssyncset.done @!p0 $0x0  }
0xcb: {  	[sflag:s0] =	ssyncadd.s32 @!p0 s1  }
0xcc: {  	[bflag:$0x3] =	sbarrier.arrive $0xFFFF  }
0xcd: {  	_ =	shalt  }

</sc_bundles>
